<compile_context>
chip_gen: v7x
topology: tpu7x:2x2x1
jax: 0.10.2.dev20260603
libtpu: 0.0.44.dev20260713+nightly
codegen_flags: <defaults>
</compile_context>

<pallas_src>
import functools

import jax
import jax.numpy as jnp
import numpy as np
from jax import lax
from jax.experimental import pallas as pl
from jax.experimental.pallas import tpu as pltpu
from jax.experimental.pallas import tpu_sc as plsc

_B, _K, _S, _H = 8, 16, 2048, 256
_NSEG = 31
_NB = 32
_INNER = int(_H * 3 * 1.5)
_NEG_INF = float("-inf")
_PREC = jax.lax.Precision.DEFAULT

_STRIPS = 4
_ROWS = _S // _STRIPS
_CHUNK = 128
_LANES = 16
_HGRP = _H // _LANES


def _sc_segmax(bounds, token_reps):
    mesh = plsc.VectorSubcoreMesh(core_axis_name="c", subcore_axis_name="s")

    @functools.partial(
        pl.kernel,
        out_type=jax.ShapeDtypeStruct((_B, _STRIPS, _NB * _H), jnp.float32),
        mesh=mesh,
        scratch_types=[
            pltpu.VMEM((_CHUNK, _H), jnp.float32),
            pltpu.VMEM((_CHUNK, _H), jnp.float32),
            pltpu.VMEM((_NB * _H,), jnp.float32),
            pltpu.VMEM((_NB + _LANES,), jnp.int32),
            pltpu.SemaphoreType.DMA,
            pltpu.SemaphoreType.DMA,
        ],
    )
    def k(bounds_hbm, tok_hbm, out_hbm, buf0, buf1, gloc, bsm, sem0, sem1):
        wid = lax.axis_index("s") * 2 + lax.axis_index("c")
        b = wid // _STRIPS
        strip = wid % _STRIPS
        base = strip * _ROWS

        pltpu.sync_copy(bounds_hbm.at[b], bsm)
        neginf = jnp.full((_LANES,), _NEG_INF, dtype=jnp.float32)

        def initbody(i, c):
            gloc[pl.ds(i * _LANES, _LANES)] = neginf
            return c
        lax.fori_loop(0, _NB * _HGRP, initbody, 0)

        zero = jnp.int32(0)
        chunk_n = jnp.int32(_CHUNK)
        bufs = [buf0, buf1]
        sems = [sem0, sem1]
        nchunks = _ROWS // _CHUNK
        copies = [None, None]
        copies[0] = pltpu.async_copy(
            tok_hbm.at[b, pl.ds(base, _CHUNK), :], bufs[0], sems[0])
        for c in range(nchunks):
            cur = c % 2
            if c + 1 < nchunks:
                nxt = (c + 1) % 2
                copies[nxt] = pltpu.async_copy(
                    tok_hbm.at[b, pl.ds(base + (c + 1) * _CHUNK, _CHUNK), :],
                    bufs[nxt], sems[nxt])
            copies[cur].wait()
            cbase = base + c * _CHUNK
            buf = bufs[cur]

            def seg_loop(m, carry, _cbase=cbase, _buf=buf):
                w = bsm[pl.ds(m, _LANES)]
                jlo = jnp.clip(w[0] - _cbase, zero, chunk_n)
                jhi = jnp.clip(w[1] - _cbase, zero, chunk_n)
                o = m * _H

                def row_body(j, accs):
                    return tuple(
                        jnp.maximum(accs[g], _buf[j, pl.ds(g * _LANES, _LANES)])
                        for g in range(_HGRP))

                accs = lax.fori_loop(jlo, jhi, row_body, (neginf,) * _HGRP)
                for g in range(_HGRP):
                    cur_v = gloc[pl.ds(o + g * _LANES, _LANES)]
                    gloc[pl.ds(o + g * _LANES, _LANES)] = jnp.maximum(cur_v, accs[g])
                return carry

            lax.fori_loop(0, _NSEG, seg_loop, 0)

        pltpu.sync_copy(gloc, out_hbm.at[b, strip])

    return k(bounds, token_reps)


def _ffn_body(bvec_ref, lo_ref, hi_ref, g_ref, cand_ref, eh_ref, et_ref,
              w1_ref, b1_ref, w2_ref, b2_ref, out_ref):
    eh = eh_ref[...]
    et = et_ref[...]
    bvec = bvec_ref[0]
    lo = lo_ref[0]
    hi = hi_ref[0]
    seg_lo = bvec[:, 0:_NSEG]
    seg_hi = bvec[:, 1:_NSEG + 1]
    m_sel = (seg_lo >= lo) & (seg_hi <= hi)
    g = jnp.max(g_ref[0], axis=0)
    ctx = jnp.full((_K * _K, _H), _NEG_INF, dtype=jnp.float32)
    for m in range(_NSEG):
        row = g[m:m + 1, :]
        ctx = jnp.maximum(ctx, jnp.where(m_sel[:, m:m + 1], row, _NEG_INF))
    cand = cand_ref[0]
    heads = jnp.dot(eh, cand, precision=_PREC)
    ctx = jnp.where(lo < hi, ctx, heads)
    w1h = w1_ref[0:_H, :]
    w1t = w1_ref[_H:2 * _H, :]
    w1c = w1_ref[2 * _H:3 * _H, :]
    a_h = jnp.dot(cand, w1h, precision=_PREC)
    a_t = jnp.dot(cand, w1t, precision=_PREC)
    h1 = (jnp.dot(eh, a_h, precision=_PREC)
          + jnp.dot(et, a_t, precision=_PREC)
          + jnp.dot(ctx, w1c, precision=_PREC)
          + b1_ref[...])
    h1 = jnp.maximum(h1, 0.0)
    out_ref[0] = jnp.dot(h1, w2_ref[...], precision=_PREC) + b2_ref[...]


def _combine_ffn(bounds3, lo3, hi3, g, cand, eh, et, w1, b1, w2, b2):
    kk = _K * _K
    const = lambda shape: pl.BlockSpec(shape, lambda b: tuple(0 for _ in shape))
    return pl.pallas_call(
        _ffn_body,
        grid=(_B,),
        in_specs=[
            pl.BlockSpec((1, 1, _NB + _LANES), lambda b: (b, 0, 0)),
            pl.BlockSpec((1, kk, 1), lambda b: (b, 0, 0)),
            pl.BlockSpec((1, kk, 1), lambda b: (b, 0, 0)),
            pl.BlockSpec((1, _STRIPS, _NB, _H), lambda b: (b, 0, 0, 0)),
            pl.BlockSpec((1, _K, _H), lambda b: (b, 0, 0)),
            const((kk, _K)),
            const((kk, _K)),
            const((3 * _H, _INNER)),
            const((1, _INNER)),
            const((_INNER, _H)),
            const((1, _H)),
        ],
        out_specs=pl.BlockSpec((1, kk, _H), lambda b: (b, 0, 0)),
        out_shape=jax.ShapeDtypeStruct((_B, kk, _H), jnp.float32),
    )(bounds3, lo3, hi3, g, cand, eh, et, w1, b1, w2, b2)


@jax.jit
def kernel(cand_span_reps, cand_span_ids, token_reps, token_masks, W1, b1, W2, b2):
    del token_masks
    kk = _K * _K
    bounds_pad = jnp.sort(jnp.concatenate(
        [cand_span_ids.reshape(_B, _NB),
         jnp.full((_B, _LANES), _S, jnp.int32)], axis=1), axis=1)

    g = _sc_segmax(bounds_pad, token_reps).reshape(_B, _STRIPS, _NB, _H)

    starts = cand_span_ids[:, :, 0]
    ends = cand_span_ids[:, :, 1]
    lo3 = jnp.minimum(ends[:, :, None], ends[:, None, :]).reshape(_B, kk, 1)
    hi3 = jnp.maximum(starts[:, :, None], starts[:, None, :]).reshape(_B, kk, 1)
    pair = np.arange(kk)
    eh = jnp.asarray((pair[:, None] // _K == np.arange(_K)[None, :]).astype(np.float32))
    et = jnp.asarray((pair[:, None] % _K == np.arange(_K)[None, :]).astype(np.float32))
    out = _combine_ffn(bounds_pad.reshape(_B, 1, _NB + _LANES), lo3, hi3,
                       g, cand_span_reps, eh, et,
                       W1, b1.reshape(1, _INNER), W2, b2.reshape(1, _H))
    return out

# --- scband reference (transcript-rebuilt; emitter-appended) ---
"""Pipeline reference for scband-rel-rep-between-context-old-35957466202777 (READ-ONLY COPY).

The authoritative reference and input builder live on the scoring server;
editing this copy changes nothing except your own understanding.
"""

import jax, jax.numpy as jnp
import numpy as np

BATCH, TOP_K, SEQ, HIDDEN = 8, 16, 2048, 256
FFN_RATIO = 1.5


def _masked_max_pool(token_reps, m):
    # token_reps: (B, S, H); m: (B, K, K, S) bool. Chunk over i to bound memory.
    B, K, _, S = m.shape
    H = token_reps.shape[-1]
    rows = []
    for i in range(K):
        mi = m[:, i]  # (B, K, S)
        vals = jnp.where(mi[..., None], token_reps[:, None, :, :], -jnp.inf)  # (B, K, S, H)
        idx = jax.lax.stop_gradient(jnp.argmax(vals, axis=2))  # (B, K, H) argmax over tokens
        src = jnp.broadcast_to(token_reps[:, None, :, :], (B, K, S, H))
        gathered = jnp.take_along_axis(src, idx[:, :, None, :], axis=2)[:, :, 0, :]  # (B, K, H)
        has_any = jnp.any(mi, axis=-1)[..., None]
        rows.append(jnp.where(has_any, gathered, -jnp.inf))
    return jnp.stack(rows, axis=1)  # (B, K, K, H)


def setup_inputs(seed: int = 0):
    key = jax.random.key(seed)
    k0, k1, k2, k3, k4 = jax.random.split(key, 5)
    in_dim = HIDDEN * 3
    inner = int(in_dim * FFN_RATIO)
    return {
        "cand_span_reps": jax.random.normal(k0, (BATCH, TOP_K, HIDDEN), dtype=jnp.float32),
        "cand_span_ids": jax.random.randint(k1, (BATCH, TOP_K, 2), 0, SEQ, dtype=jnp.int32),
        "token_reps": jax.random.normal(k2, (BATCH, SEQ, HIDDEN), dtype=jnp.float32),
        "token_masks": jnp.ones((BATCH, SEQ), dtype=bool),
        "W1": jax.random.normal(k3, (in_dim, inner), dtype=jnp.float32) * 0.02,
        "b1": jnp.zeros((inner,), dtype=jnp.float32),
        "W2": jax.random.normal(k4, (inner, HIDDEN), dtype=jnp.float32) * 0.02,
        "b2": jnp.zeros((HIDDEN,), dtype=jnp.float32),
    }


def reference(cand_span_reps, cand_span_ids, token_reps, token_masks, W1, b1, W2, b2):
    batch, K, hidden = cand_span_reps.shape
    seq_len = token_reps.shape[1]
    heads = jnp.broadcast_to(cand_span_reps[:, :, None, :], (batch, K, K, hidden))
    tails = jnp.broadcast_to(cand_span_reps[:, None, :, :], (batch, K, K, hidden))
    hs = cand_span_ids[:, :, 0][:, :, None]
    he = cand_span_ids[:, :, 1][:, :, None]
    ts = cand_span_ids[:, :, 0][:, None, :]
    te = cand_span_ids[:, :, 1][:, None, :]
    min_end = jnp.minimum(he, te)    # (B, K, K)
    max_start = jnp.maximum(hs, ts)  # (B, K, K)
    valid = min_end < max_start
    t = jnp.arange(seq_len)
    in_range = (t[None, None, None, :] >= min_end[..., None]) & (t[None, None, None, :] < max_start[..., None])
    m = in_range & token_masks[:, None, None, :]  # (B, K, K, S); empty exactly where invalid
    pooled = _masked_max_pool(token_reps, m)      # (B, K, K, H)
    context = jnp.where(valid[..., None], pooled, heads)  # fallback = cand_span_reps[b, i]
    rel = jnp.concatenate([heads, tails, context], axis=-1)  # (B, K, K, 3H)
    # FFNProjectionLayer (eval mode: dropout = identity): Linear -> ReLU -> Linear
    h1 = jax.nn.relu(rel @ W1 + b1)
    out = h1 @ W2 + b2
    return out.reshape(batch, K * K, hidden)

if __name__ == "__main__":
    import jax
    _d = setup_inputs()
    print(jax.jit(kernel)(*tuple(_d.values())))

</pallas_src>

<mosaic_0001>
#map = affine_map<(d0, d1) -> (0, 0)>
#map1 = affine_map<(d0, d1) -> (0, 0, 0)>
module attributes {stable_mosaic.version = 14 : i64} {
  func.func @k(%arg0: i32, %arg1: i32, %arg2: memref<8x48xi32, #tpu.memory_space<hbm>>, %arg3: memref<8x2048x256xf32, #tpu.memory_space<hbm>>, %arg4: memref<8x4x8192xf32, #tpu.memory_space<hbm>>, %arg5: memref<128x256xf32, #tpu.memory_space<vmem>>, %arg6: memref<128x256xf32, #tpu.memory_space<vmem>>, %arg7: memref<8192xf32, #tpu.memory_space<vmem>>, %arg8: memref<48xi32, #tpu.memory_space<vmem>>, %arg9: memref<!tpu.dma_semaphore, #tpu.memory_space<semaphore_mem>>, %arg10: memref<!tpu.dma_semaphore, #tpu.memory_space<semaphore_mem>>) attributes {dimension_semantics = [#tpu.dimension_semantics<core_parallel>, #tpu.dimension_semantics<subcore_parallel>], iteration_bounds = array<i64: 2, 16>, scalar_prefetch = 0 : i64, scratch_operands = 6 : i64, tpu.core_type = #tpu.core_type<sc_vector_subcore>, window_params = [{transform_indices = #map}, {transform_indices = #map1}, {transform_indices = #map1}]} {
    %mul3A = arith.constant 2 : i32
    %mul3A_0 = arith.muli %arg1, %mul3A : i32
    %add3A = arith.addi %mul3A_0, %arg0 : i32
    %jit3A = arith.constant 4 : i32
    %div3A = arith.divsi %add3A, %jit3A : i32
    %sign3A = arith.constant 0 : i32
    %sign3A_1 = arith.cmpi sgt, %add3A, %sign3A : i32
    %sign3A_2 = arith.extui %sign3A_1 : i1 to i32
    %sign3A_3 = arith.constant 0 : i32
    %sign3A_4 = arith.cmpi slt, %add3A, %sign3A_3 : i32
    %sign3A_5 = arith.extui %sign3A_4 : i1 to i32
    %sign3A_6 = arith.subi %sign3A_2, %sign3A_5 : i32
    %sign3A_7 = arith.constant 0 : i32
    %sign3A_8 = arith.cmpi sgt, %jit3A, %sign3A_7 : i32
    %sign3A_9 = arith.extui %sign3A_8 : i1 to i32
    %sign3A_10 = arith.constant 0 : i32
    %sign3A_11 = arith.cmpi slt, %jit3A, %sign3A_10 : i32
    %sign3A_12 = arith.extui %sign3A_11 : i1 to i32
    %sign3A_13 = arith.subi %sign3A_9, %sign3A_12 : i32
    %ne3A = arith.cmpi ne, %sign3A_6, %sign3A_13 : i32
    %rem3A = arith.remsi %add3A, %jit3A : i32
    %ne3A_14 = arith.constant 0 : i32
    %ne3A_15 = arith.cmpi ne, %rem3A, %ne3A_14 : i32
    %and3A = arith.andi %ne3A, %ne3A_15 : i1
    %sub3A = arith.constant 1 : i32
    %sub3A_16 = arith.subi %div3A, %sub3A : i32
    %select_n3A = arith.select %and3A, %sub3A_16, %div3A : i32
    %jit3A_17 = arith.constant 4 : i32
    %eq3A = arith.constant 0 : i32
    %eq3A_18 = arith.cmpi eq, %jit3A_17, %eq3A : i32
    %jit3A_19 = arith.constant 1 : i32
    %select_n3A_20 = arith.select %eq3A_18, %jit3A_19, %jit3A_17 : i32
    %rem3A_21 = arith.remsi %add3A, %select_n3A_20 : i32
    %ne3A_22 = arith.constant 0 : i32
    %ne3A_23 = arith.cmpi ne, %rem3A_21, %ne3A_22 : i32
    %lt3A = arith.constant 0 : i32
    %lt3A_24 = arith.cmpi slt, %rem3A_21, %lt3A : i32
    %lt3A_25 = arith.constant 0 : i32
    %lt3A_26 = arith.cmpi slt, %select_n3A_20, %lt3A_25 : i32
    %ne3A_27 = arith.xori %lt3A_24, %lt3A_26 : i1
    %and3A_28 = arith.andi %ne3A_27, %ne3A_23 : i1
    %add3A_29 = arith.addi %rem3A_21, %select_n3A_20 : i32
    %select_n3A_30 = arith.select %and3A_28, %add3A_29, %rem3A_21 : i32
    %mul3A_31 = arith.constant 512 : i32
    %mul3A_32 = arith.muli %select_n3A_30, %mul3A_31 : i32
    "tpu.region"() ({
      %run_scoped3A = tpu.sem_alloc : memref<!tpu.dma_semaphore, #tpu.memory_space<semaphore_mem>>
      %dma_start3A_131 = arith.constant 0 : i32
      %dma_start3A_132 = tpu.memref_slice %arg2[%select_n3A, %dma_start3A_131] : memref<8x48xi32, #tpu.memory_space<hbm>> -> memref<1x48xi32, #tpu.memory_space<hbm>>
      %dma_start3A_133 = tpu.memref_squeeze %dma_start3A_132 : memref<1x48xi32, #tpu.memory_space<hbm>> -> memref<48xi32, #tpu.memory_space<hbm>>
      %dma_start3A_134 = arith.constant 0 : i32
      %dma_start3A_135 = tpu.memref_slice %arg2[%select_n3A, %dma_start3A_134] : memref<8x48xi32, #tpu.memory_space<hbm>> -> memref<1x48xi32, #tpu.memory_space<hbm>>
      %dma_start3A_136 = tpu.memref_squeeze %dma_start3A_135 : memref<1x48xi32, #tpu.memory_space<hbm>> -> memref<48xi32, #tpu.memory_space<hbm>>
      tpu.enqueue_dma source(%dma_start3A_136 : memref<48xi32, #tpu.memory_space<hbm>>) target(%arg8 : memref<48xi32, #tpu.memory_space<vmem>>) target_semaphore(%run_scoped3A : memref<!tpu.dma_semaphore, #tpu.memory_space<semaphore_mem>>)
      %dma_wait3A_137 = arith.constant 0 : i32
      %dma_wait3A_138 = tpu.memref_slice %arg2[%select_n3A, %dma_wait3A_137] : memref<8x48xi32, #tpu.memory_space<hbm>> -> memref<1x48xi32, #tpu.memory_space<hbm>>
      %dma_wait3A_139 = tpu.memref_squeeze %dma_wait3A_138 : memref<1x48xi32, #tpu.memory_space<hbm>> -> memref<48xi32, #tpu.memory_space<hbm>>
      %dma_wait3A_140 = arith.constant 0 : i32
      %dma_wait3A_141 = tpu.memref_slice %arg2[%select_n3A, %dma_wait3A_140] : memref<8x48xi32, #tpu.memory_space<hbm>> -> memref<1x48xi32, #tpu.memory_space<hbm>>
      %dma_wait3A_142 = tpu.memref_squeeze %dma_wait3A_141 : memref<1x48xi32, #tpu.memory_space<hbm>> -> memref<48xi32, #tpu.memory_space<hbm>>
      tpu.wait_dma2 semaphore(%run_scoped3A : memref<!tpu.dma_semaphore, #tpu.memory_space<semaphore_mem>>) src(%dma_wait3A_142 : memref<48xi32, #tpu.memory_space<hbm>>) dst(%arg8 : memref<48xi32, #tpu.memory_space<vmem>>)
      tpu.yield
    }) : () -> ()
    %broadcast_in_dim3A = arith.constant 0xFF800000 : f32
    %broadcast_in_dim3A_33 = vector.broadcast %broadcast_in_dim3A : f32 to vector<16xf32>
    %scan3A = arith.constant 0 : i32
    %scan3A_34 = arith.constant 0 : i32
    %scan3A_35 = arith.constant 512 : i32
    %scan3A_36 = arith.addi %scan3A_34, %scan3A_35 : i32
    %scan3A_37 = arith.constant 1 : i32
    scf.for %scan3A_131 = %scan3A_34 to %scan3A_36 step %scan3A_37  : i32 {
      %mul3A_132 = arith.constant 16 : i32
      %mul3A_133 = arith.muli %scan3A_131, %mul3A_132 : i32
      %swap3A = arith.index_cast %mul3A_133 : i32 to index
      %swap3A_134 = tpu.vector_load %arg7[%swap3A] {strides = array<i32>} : memref<8192xf32, #tpu.memory_space<vmem>>, vector<16xf32>,
      %swap3A_135 = vector.shape_cast %swap3A_134 : vector<16xf32> to vector<16xf32>
      %swap3A_136 = vector.shape_cast %broadcast_in_dim3A_33 : vector<16xf32> to vector<16xf32>
      tpu.vector_store %arg7[%swap3A], %swap3A_136 {strides = array<i32>} : memref<8192xf32, #tpu.memory_space<vmem>>, vector<16xf32>,
    }
    %scan3A_38 = arith.constant 512 : i32
    %dma_start3A = arith.constant 0 : i32
    %dma_start3A_39 = tpu.memref_slice %arg3[%select_n3A, %mul3A_32, %dma_start3A] : memref<8x2048x256xf32, #tpu.memory_space<hbm>> -> memref<1x128x256xf32, #tpu.memory_space<hbm>>
    %dma_start3A_40 = tpu.memref_squeeze %dma_start3A_39 : memref<1x128x256xf32, #tpu.memory_space<hbm>> -> memref<128x256xf32, #tpu.memory_space<hbm>>
    %dma_start3A_41 = arith.constant 0 : i32
    %dma_start3A_42 = tpu.memref_slice %arg3[%select_n3A, %mul3A_32, %dma_start3A_41] : memref<8x2048x256xf32, #tpu.memory_space<hbm>> -> memref<1x128x256xf32, #tpu.memory_space<hbm>>
    %dma_start3A_43 = tpu.memref_squeeze %dma_start3A_42 : memref<1x128x256xf32, #tpu.memory_space<hbm>> -> memref<128x256xf32, #tpu.memory_space<hbm>>
    tpu.enqueue_dma source(%dma_start3A_43 : memref<128x256xf32, #tpu.memory_space<hbm>>) target(%arg5 : memref<128x256xf32, #tpu.memory_space<vmem>>) target_semaphore(%arg9 : memref<!tpu.dma_semaphore, #tpu.memory_space<semaphore_mem>>)
    %add3A_44 = arith.constant 128 : i32
    %add3A_45 = arith.addi %mul3A_32, %add3A_44 : i32
    %dma_start3A_46 = arith.constant 0 : i32
    %dma_start3A_47 = tpu.memref_slice %arg3[%select_n3A, %add3A_45, %dma_start3A_46] : memref<8x2048x256xf32, #tpu.memory_space<hbm>> -> memref<1x128x256xf32, #tpu.memory_space<hbm>>
    %dma_start3A_48 = tpu.memref_squeeze %dma_start3A_47 : memref<1x128x256xf32, #tpu.memory_space<hbm>> -> memref<128x256xf32, #tpu.memory_space<hbm>>
    %dma_start3A_49 = arith.constant 0 : i32
    %dma_start3A_50 = tpu.memref_slice %arg3[%select_n3A, %add3A_45, %dma_start3A_49] : memref<8x2048x256xf32, #tpu.memory_space<hbm>> -> memref<1x128x256xf32, #tpu.memory_space<hbm>>
    %dma_start3A_51 = tpu.memref_squeeze %dma_start3A_50 : memref<1x128x256xf32, #tpu.memory_space<hbm>> -> memref<128x256xf32, #tpu.memory_space<hbm>>
    tpu.enqueue_dma source(%dma_start3A_51 : memref<128x256xf32, #tpu.memory_space<hbm>>) target(%arg6 : memref<128x256xf32, #tpu.memory_space<vmem>>) target_semaphore(%arg10 : memref<!tpu.dma_semaphore, #tpu.memory_space<semaphore_mem>>)
    %dma_wait3A = arith.constant 0 : i32
    %dma_wait3A_52 = tpu.memref_slice %arg3[%select_n3A, %mul3A_32, %dma_wait3A] : memref<8x2048x256xf32, #tpu.memory_space<hbm>> -> memref<1x128x256xf32, #tpu.memory_space<hbm>>
    %dma_wait3A_53 = tpu.memref_squeeze %dma_wait3A_52 : memref<1x128x256xf32, #tpu.memory_space<hbm>> -> memref<128x256xf32, #tpu.memory_space<hbm>>
    %dma_wait3A_54 = arith.constant 0 : i32
    %dma_wait3A_55 = tpu.memref_slice %arg3[%select_n3A, %mul3A_32, %dma_wait3A_54] : memref<8x2048x256xf32, #tpu.memory_space<hbm>> -> memref<1x128x256xf32, #tpu.memory_space<hbm>>
    %dma_wait3A_56 = tpu.memref_squeeze %dma_wait3A_55 : memref<1x128x256xf32, #tpu.memory_space<hbm>> -> memref<128x256xf32, #tpu.memory_space<hbm>>
    tpu.wait_dma2 semaphore(%arg9 : memref<!tpu.dma_semaphore, #tpu.memory_space<semaphore_mem>>) src(%dma_wait3A_56 : memref<128x256xf32, #tpu.memory_space<hbm>>) dst(%arg5 : memref<128x256xf32, #tpu.memory_space<vmem>>)
    %add3A_57 = arith.constant 0 : i32
    %add3A_58 = arith.addi %mul3A_32, %add3A_57 : i32
    %scan3A_59 = arith.constant 0 : i32
    %scan3A_60 = arith.constant 0 : i32
    %scan3A_61 = arith.constant 128 : i32
    %scan3A_62 = arith.constant 0 : i32
    %scan3A_63 = arith.constant 31 : i32
    %scan3A_64 = arith.addi %scan3A_62, %scan3A_63 : i32
    %scan3A_65 = arith.constant 1 : i32
    scf.for %scan3A_131 = %scan3A_62 to %scan3A_64 step %scan3A_65  : i32 {
      %get3A = arith.index_cast %scan3A_131 : i32 to index
      %get3A_132 = tpu.vector_load %arg8[%get3A] {strides = array<i32>} : memref<48xi32, #tpu.memory_space<vmem>>, vector<16xi32>,
      %get3A_133 = vector.shape_cast %get3A_132 : vector<16xi32> to vector<16xi32>
      %slice3A = vector.extract_strided_slice %get3A_133 {offsets = [0], sizes = [1], strides = [1]} : vector<16xi32> to vector<1xi32>
      %squeeze3A = vector.extract %slice3A[0] : i32 from vector<1xi32>
      %sub3A_134 = arith.subi %squeeze3A, %add3A_58 : i32
      %max3A = arith.maxsi %scan3A_60, %sub3A_134 : i32
      %min3A = arith.minsi %scan3A_61, %max3A : i32
      %slice3A_135 = vector.extract_strided_slice %get3A_133 {offsets = [1], sizes = [1], strides = [1]} : vector<16xi32> to vector<1xi32>
      %squeeze3A_136 = vector.extract %slice3A_135[0] : i32 from vector<1xi32>
      %sub3A_137 = arith.subi %squeeze3A_136, %add3A_58 : i32
      %max3A_138 = arith.maxsi %scan3A_60, %sub3A_137 : i32
      %min3A_139 = arith.minsi %scan3A_61, %max3A_138 : i32
      %mul3A_140 = arith.constant 256 : i32
      %mul3A_141 = arith.muli %scan3A_131, %mul3A_140 : i32
      %while3A = arith.subi %min3A_139, %min3A : i32
      %while3A_142 = arith.addi %min3A, %while3A : i32
      %while3A_143 = arith.constant 1 : i32
      %while3A_144 = arith.divsi %while3A, %while3A_143 : i32
      %while3A_145 = arith.muli %while3A_144, %while3A_143 : i32
      %while3A_146 = arith.addi %min3A, %while3A_145 : i32
      %while3A_147 = arith.constant 1 : i32
      %while3A_148:16 = scf.for %while3A_342 = %min3A to %while3A_146 step %while3A_147 iter_args(%while3A_343 = %broadcast_in_dim3A_33, %while3A_344 = %broadcast_in_dim3A_33, %while3A_345 = %broadcast_in_dim3A_33, %while3A_346 = %broadcast_in_dim3A_33, %while3A_347 = %broadcast_in_dim3A_33, %while3A_348 = %broadcast_in_dim3A_33, %while3A_349 = %broadcast_in_dim3A_33, %while3A_350 = %broadcast_in_dim3A_33, %while3A_351 = %broadcast_in_dim3A_33, %while3A_352 = %broadcast_in_dim3A_33, %while3A_353 = %broadcast_in_dim3A_33, %while3A_354 = %broadcast_in_dim3A_33, %while3A_355 = %broadcast_in_dim3A_33, %while3A_356 = %broadcast_in_dim3A_33, %while3A_357 = %broadcast_in_dim3A_33, %while3A_358 = %broadcast_in_dim3A_33) -> (vector<16xf32>, vector<16xf32>, vector<16xf32>, vector<16xf32>, vector<16xf32>, vector<16xf32>, vector<16xf32>, vector<16xf32>, vector<16xf32>, vector<16xf32>, vector<16xf32>, vector<16xf32>, vector<16xf32>, vector<16xf32>, vector<16xf32>, vector<16xf32>)  : i32 {
        %get3A_359 = arith.index_cast %while3A_342 : i32 to index
        %get3A_360 = arith.constant 0 : index
        %get3A_361 = tpu.vector_load %arg5[%get3A_359, %get3A_360] {strides = array<i32>} : memref<128x256xf32, #tpu.memory_space<vmem>>, vector<1x16xf32>,
        %get3A_362 = vector.shape_cast %get3A_361 : vector<1x16xf32> to vector<16xf32>
        %max3A_363 = arith.maximumf %while3A_343, %get3A_362 : vector<16xf32>
        %get3A_364 = arith.index_cast %while3A_342 : i32 to index
        %get3A_365 = arith.constant 16 : index
        %get3A_366 = tpu.vector_load %arg5[%get3A_364, %get3A_365] {strides = array<i32>} : memref<128x256xf32, #tpu.memory_space<vmem>>, vector<1x16xf32>,
        %get3A_367 = vector.shape_cast %get3A_366 : vector<1x16xf32> to vector<16xf32>
        %max3A_368 = arith.maximumf %while3A_344, %get3A_367 : vector<16xf32>
        %get3A_369 = arith.index_cast %while3A_342 : i32 to index
        %get3A_370 = arith.constant 32 : index
        %get3A_371 = tpu.vector_load %arg5[%get3A_369, %get3A_370] {strides = array<i32>} : memref<128x256xf32, #tpu.memory_space<vmem>>, vector<1x16xf32>,
        %get3A_372 = vector.shape_cast %get3A_371 : vector<1x16xf32> to vector<16xf32>
        %max3A_373 = arith.maximumf %while3A_345, %get3A_372 : vector<16xf32>
        %get3A_374 = arith.index_cast %while3A_342 : i32 to index
        %get3A_375 = arith.constant 48 : index
        %get3A_376 = tpu.vector_load %arg5[%get3A_374, %get3A_375] {strides = array<i32>} : memref<128x256xf32, #tpu.memory_space<vmem>>, vector<1x16xf32>,
        %get3A_377 = vector.shape_cast %get3A_376 : vector<1x16xf32> to vector<16xf32>
        %max3A_378 = arith.maximumf %while3A_346, %get3A_377 : vector<16xf32>
        %get3A_379 = arith.index_cast %while3A_342 : i32 to index
        %get3A_380 = arith.constant 64 : index
        %get3A_381 = tpu.vector_load %arg5[%get3A_379, %get3A_380] {strides = array<i32>} : memref<128x256xf32, #tpu.memory_space<vmem>>, vector<1x16xf32>,
        %get3A_382 = vector.shape_cast %get3A_381 : vector<1x16xf32> to vector<16xf32>
        %max3A_383 = arith.maximumf %while3A_347, %get3A_382 : vector<16xf32>
        %get3A_384 = arith.index_cast %while3A_342 : i32 to index
        %get3A_385 = arith.constant 80 : index
        %get3A_386 = tpu.vector_load %arg5[%get3A_384, %get3A_385] {strides = array<i32>} : memref<128x256xf32, #tpu.memory_space<vmem>>, vector<1x16xf32>,
        %get3A_387 = vector.shape_cast %get3A_386 : vector<1x16xf32> to vector<16xf32>
        %max3A_388 = arith.maximumf %while3A_348, %get3A_387 : vector<16xf32>
        %get3A_389 = arith.index_cast %while3A_342 : i32 to index
        %get3A_390 = arith.constant 96 : index
        %get3A_391 = tpu.vector_load %arg5[%get3A_389, %get3A_390] {strides = array<i32>} : memref<128x256xf32, #tpu.memory_space<vmem>>, vector<1x16xf32>,
        %get3A_392 = vector.shape_cast %get3A_391 : vector<1x16xf32> to vector<16xf32>
        %max3A_393 = arith.maximumf %while3A_349, %get3A_392 : vector<16xf32>
        %get3A_394 = arith.index_cast %while3A_342 : i32 to index
        %get3A_395 = arith.constant 112 : index
        %get3A_396 = tpu.vector_load %arg5[%get3A_394, %get3A_395] {strides = array<i32>} : memref<128x256xf32, #tpu.memory_space<vmem>>, vector<1x16xf32>,
        %get3A_397 = vector.shape_cast %get3A_396 : vector<1x16xf32> to vector<16xf32>
        %max3A_398 = arith.maximumf %while3A_350, %get3A_397 : vector<16xf32>
        %get3A_399 = arith.index_cast %while3A_342 : i32 to index
        %get3A_400 = arith.constant 128 : index
        %get3A_401 = tpu.vector_load %arg5[%get3A_399, %get3A_400] {strides = array<i32>} : memref<128x256xf32, #tpu.memory_space<vmem>>, vector<1x16xf32>,
        %get3A_402 = vector.shape_cast %get3A_401 : vector<1x16xf32> to vector<16xf32>
        %max3A_403 = arith.maximumf %while3A_351, %get3A_402 : vector<16xf32>
        %get3A_404 = arith.index_cast %while3A_342 : i32 to index
        %get3A_405 = arith.constant 144 : index
        %get3A_406 = tpu.vector_load %arg5[%get3A_404, %get3A_405] {strides = array<i32>} : memref<128x256xf32, #tpu.memory_space<vmem>>, vector<1x16xf32>,
        %get3A_407 = vector.shape_cast %get3A_406 : vector<1x16xf32> to vector<16xf32>
        %max3A_408 = arith.maximumf %while3A_352, %get3A_407 : vector<16xf32>
        %get3A_409 = arith.index_cast %while3A_342 : i32 to index
        %get3A_410 = arith.constant 160 : index
        %get3A_411 = tpu.vector_load %arg5[%get3A_409, %get3A_410] {strides = array<i32>} : memref<128x256xf32, #tpu.memory_space<vmem>>, vector<1x16xf32>,
        %get3A_412 = vector.shape_cast %get3A_411 : vector<1x16xf32> to vector<16xf32>
        %max3A_413 = arith.maximumf %while3A_353, %get3A_412 : vector<16xf32>
        %get3A_414 = arith.index_cast %while3A_342 : i32 to index
        %get3A_415 = arith.constant 176 : index
        %get3A_416 = tpu.vector_load %arg5[%get3A_414, %get3A_415] {strides = array<i32>} : memref<128x256xf32, #tpu.memory_space<vmem>>, vector<1x16xf32>,
        %get3A_417 = vector.shape_cast %get3A_416 : vector<1x16xf32> to vector<16xf32>
        %max3A_418 = arith.maximumf %while3A_354, %get3A_417 : vector<16xf32>
        %get3A_419 = arith.index_cast %while3A_342 : i32 to index
        %get3A_420 = arith.constant 192 : index
        %get3A_421 = tpu.vector_load %arg5[%get3A_419, %get3A_420] {strides = array<i32>} : memref<128x256xf32, #tpu.memory_space<vmem>>, vector<1x16xf32>,
        %get3A_422 = vector.shape_cast %get3A_421 : vector<1x16xf32> to vector<16xf32>
        %max3A_423 = arith.maximumf %while3A_355, %get3A_422 : vector<16xf32>
        %get3A_424 = arith.index_cast %while3A_342 : i32 to index
        %get3A_425 = arith.constant 208 : index
        %get3A_426 = tpu.vector_load %arg5[%get3A_424, %get3A_425] {strides = array<i32>} : memref<128x256xf32, #tpu.memory_space<vmem>>, vector<1x16xf32>,
        %get3A_427 = vector.shape_cast %get3A_426 : vector<1x16xf32> to vector<16xf32>
        %max3A_428 = arith.maximumf %while3A_356, %get3A_427 : vector<16xf32>
        %get3A_429 = arith.index_cast %while3A_342 : i32 to index
        %get3A_430 = arith.constant 224 : index
        %get3A_431 = tpu.vector_load %arg5[%get3A_429, %get3A_430] {strides = array<i32>} : memref<128x256xf32, #tpu.memory_space<vmem>>, vector<1x16xf32>,
        %get3A_432 = vector.shape_cast %get3A_431 : vector<1x16xf32> to vector<16xf32>
        %max3A_433 = arith.maximumf %while3A_357, %get3A_432 : vector<16xf32>
        %get3A_434 = arith.index_cast %while3A_342 : i32 to index
        %get3A_435 = arith.constant 240 : index
        %get3A_436 = tpu.vector_load %arg5[%get3A_434, %get3A_435] {strides = array<i32>} : memref<128x256xf32, #tpu.memory_space<vmem>>, vector<1x16xf32>,
        %get3A_437 = vector.shape_cast %get3A_436 : vector<1x16xf32> to vector<16xf32>
        %max3A_438 = arith.maximumf %while3A_358, %get3A_437 : vector<16xf32>
        scf.yield %max3A_363, %max3A_368, %max3A_373, %max3A_378, %max3A_383, %max3A_388, %max3A_393, %max3A_398, %max3A_403, %max3A_408, %max3A_413, %max3A_418, %max3A_423, %max3A_428, %max3A_433, %max3A_438 : vector<16xf32>, vector<16xf32>, vector<16xf32>, vector<16xf32>, vector<16xf32>, vector<16xf32>, vector<16xf32>, vector<16xf32>, vector<16xf32>, vector<16xf32>, vector<16xf32>, vector<16xf32>, vector<16xf32>, vector<16xf32>, vector<16xf32>, vector<16xf32>
      }
      %while3A_149 = arith.constant 1 : i32
      %while3A_150:16 = scf.for %while3A_342 = %while3A_146 to %while3A_142 step %while3A_149 iter_args(%while3A_343 = %while3A_148#0, %while3A_344 = %while3A_148#1, %while3A_345 = %while3A_148#2, %while3A_346 = %while3A_148#3, %while3A_347 = %while3A_148#4, %while3A_348 = %while3A_148#5, %while3A_349 = %while3A_148#6, %while3A_350 = %while3A_148#7, %while3A_351 = %while3A_148#8, %while3A_352 = %while3A_148#9, %while3A_353 = %while3A_148#10, %while3A_354 = %while3A_148#11, %while3A_355 = %while3A_148#12, %while3A_356 = %while3A_148#13, %while3A_357 = %while3A_148#14, %while3A_358 = %while3A_148#15) -> (vector<16xf32>, vector<16xf32>, vector<16xf32>, vector<16xf32>, vector<16xf32>, vector<16xf32>, vector<16xf32>, vector<16xf32>, vector<16xf32>, vector<16xf32>, vector<16xf32>, vector<16xf32>, vector<16xf32>, vector<16xf32>, vector<16xf32>, vector<16xf32>)  : i32 {
        %get3A_359 = arith.index_cast %while3A_342 : i32 to index
        %get3A_360 = arith.constant 0 : index
        %get3A_361 = tpu.vector_load %arg5[%get3A_359, %get3A_360] {strides = array<i32>} : memref<128x256xf32, #tpu.memory_space<vmem>>, vector<1x16xf32>,
        %get3A_362 = vector.shape_cast %get3A_361 : vector<1x16xf32> to vector<16xf32>
        %max3A_363 = arith.maximumf %while3A_343, %get3A_362 : vector<16xf32>
        %get3A_364 = arith.index_cast %while3A_342 : i32 to index
        %get3A_365 = arith.constant 16 : index
        %get3A_366 = tpu.vector_load %arg5[%get3A_364, %get3A_365] {strides = array<i32>} : memref<128x256xf32, #tpu.memory_space<vmem>>, vector<1x16xf32>,
        %get3A_367 = vector.shape_cast %get3A_366 : vector<1x16xf32> to vector<16xf32>
        %max3A_368 = arith.maximumf %while3A_344, %get3A_367 : vector<16xf32>
        %get3A_369 = arith.index_cast %while3A_342 : i32 to index
        %get3A_370 = arith.constant 32 : index
        %get3A_371 = tpu.vector_load %arg5[%get3A_369, %get3A_370] {strides = array<i32>} : memref<128x256xf32, #tpu.memory_space<vmem>>, vector<1x16xf32>,
        %get3A_372 = vector.shape_cast %get3A_371 : vector<1x16xf32> to vector<16xf32>
        %max3A_373 = arith.maximumf %while3A_345, %get3A_372 : vector<16xf32>
        %get3A_374 = arith.index_cast %while3A_342 : i32 to index
        %get3A_375 = arith.constant 48 : index
        %get3A_376 = tpu.vector_load %arg5[%get3A_374, %get3A_375] {strides = array<i32>} : memref<128x256xf32, #tpu.memory_space<vmem>>, vector<1x16xf32>,
        %get3A_377 = vector.shape_cast %get3A_376 : vector<1x16xf32> to vector<16xf32>
        %max3A_378 = arith.maximumf %while3A_346, %get3A_377 : vector<16xf32>
        %get3A_379 = arith.index_cast %while3A_342 : i32 to index
        %get3A_380 = arith.constant 64 : index
        %get3A_381 = tpu.vector_load %arg5[%get3A_379, %get3A_380] {strides = array<i32>} : memref<128x256xf32, #tpu.memory_space<vmem>>, vector<1x16xf32>,
        %get3A_382 = vector.shape_cast %get3A_381 : vector<1x16xf32> to vector<16xf32>
        %max3A_383 = arith.maximumf %while3A_347, %get3A_382 : vector<16xf32>
        %get3A_384 = arith.index_cast %while3A_342 : i32 to index
        %get3A_385 = arith.constant 80 : index
        %get3A_386 = tpu.vector_load %arg5[%get3A_384, %get3A_385] {strides = array<i32>} : memref<128x256xf32, #tpu.memory_space<vmem>>, vector<1x16xf32>,
        %get3A_387 = vector.shape_cast %get3A_386 : vector<1x16xf32> to vector<16xf32>
        %max3A_388 = arith.maximumf %while3A_348, %get3A_387 : vector<16xf32>
        %get3A_389 = arith.index_cast %while3A_342 : i32 to index
        %get3A_390 = arith.constant 96 : index
        %get3A_391 = tpu.vector_load %arg5[%get3A_389, %get3A_390] {strides = array<i32>} : memref<128x256xf32, #tpu.memory_space<vmem>>, vector<1x16xf32>,
        %get3A_392 = vector.shape_cast %get3A_391 : vector<1x16xf32> to vector<16xf32>
        %max3A_393 = arith.maximumf %while3A_349, %get3A_392 : vector<16xf32>
        %get3A_394 = arith.index_cast %while3A_342 : i32 to index
        %get3A_395 = arith.constant 112 : index
        %get3A_396 = tpu.vector_load %arg5[%get3A_394, %get3A_395] {strides = array<i32>} : memref<128x256xf32, #tpu.memory_space<vmem>>, vector<1x16xf32>,
        %get3A_397 = vector.shape_cast %get3A_396 : vector<1x16xf32> to vector<16xf32>
        %max3A_398 = arith.maximumf %while3A_350, %get3A_397 : vector<16xf32>
        %get3A_399 = arith.index_cast %while3A_342 : i32 to index
        %get3A_400 = arith.constant 128 : index
        %get3A_401 = tpu.vector_load %arg5[%get3A_399, %get3A_400] {strides = array<i32>} : memref<128x256xf32, #tpu.memory_space<vmem>>, vector<1x16xf32>,
        %get3A_402 = vector.shape_cast %get3A_401 : vector<1x16xf32> to vector<16xf32>
        %max3A_403 = arith.maximumf %while3A_351, %get3A_402 : vector<16xf32>
        %get3A_404 = arith.index_cast %while3A_342 : i32 to index
        %get3A_405 = arith.constant 144 : index
        %get3A_406 = tpu.vector_load %arg5[%get3A_404, %get3A_405] {strides = array<i32>} : memref<128x256xf32, #tpu.memory_space<vmem>>, vector<1x16xf32>,
        %get3A_407 = vector.shape_cast %get3A_406 : vector<1x16xf32> to vector<16xf32>
        %max3A_408 = arith.maximumf %while3A_352, %get3A_407 : vector<16xf32>
        %get3A_409 = arith.index_cast %while3A_342 : i32 to index
        %get3A_410 = arith.constant 160 : index
        %get3A_411 = tpu.vector_load %arg5[%get3A_409, %get3A_410] {strides = array<i32>} : memref<128x256xf32, #tpu.memory_space<vmem>>, vector<1x16xf32>,
        %get3A_412 = vector.shape_cast %get3A_411 : vector<1x16xf32> to vector<16xf32>
        %max3A_413 = arith.maximumf %while3A_353, %get3A_412 : vector<16xf32>
        %get3A_414 = arith.index_cast %while3A_342 : i32 to index
        %get3A_415 = arith.constant 176 : index
        %get3A_416 = tpu.vector_load %arg5[%get3A_414, %get3A_415] {strides = array<i32>} : memref<128x256xf32, #tpu.memory_space<vmem>>, vector<1x16xf32>,
        %get3A_417 = vector.shape_cast %get3A_416 : vector<1x16xf32> to vector<16xf32>
        %max3A_418 = arith.maximumf %while3A_354, %get3A_417 : vector<16xf32>
        %get3A_419 = arith.index_cast %while3A_342 : i32 to index
        %get3A_420 = arith.constant 192 : index
        %get3A_421 = tpu.vector_load %arg5[%get3A_419, %get3A_420] {strides = array<i32>} : memref<128x256xf32, #tpu.memory_space<vmem>>, vector<1x16xf32>,
        %get3A_422 = vector.shape_cast %get3A_421 : vector<1x16xf32> to vector<16xf32>
        %max3A_423 = arith.maximumf %while3A_355, %get3A_422 : vector<16xf32>
        %get3A_424 = arith.index_cast %while3A_342 : i32 to index
        %get3A_425 = arith.constant 208 : index
        %get3A_426 = tpu.vector_load %arg5[%get3A_424, %get3A_425] {strides = array<i32>} : memref<128x256xf32, #tpu.memory_space<vmem>>, vector<1x16xf32>,
        %get3A_427 = vector.shape_cast %get3A_426 : vector<1x16xf32> to vector<16xf32>
        %max3A_428 = arith.maximumf %while3A_356, %get3A_427 : vector<16xf32>
        %get3A_429 = arith.index_cast %while3A_342 : i32 to index
        %get3A_430 = arith.constant 224 : index
        %get3A_431 = tpu.vector_load %arg5[%get3A_429, %get3A_430] {strides = array<i32>} : memref<128x256xf32, #tpu.memory_space<vmem>>, vector<1x16xf32>,
        %get3A_432 = vector.shape_cast %get3A_431 : vector<1x16xf32> to vector<16xf32>
        %max3A_433 = arith.maximumf %while3A_357, %get3A_432 : vector<16xf32>
        %get3A_434 = arith.index_cast %while3A_342 : i32 to index
        %get3A_435 = arith.constant 240 : index
        %get3A_436 = tpu.vector_load %arg5[%get3A_434, %get3A_435] {strides = array<i32>} : memref<128x256xf32, #tpu.memory_space<vmem>>, vector<1x16xf32>,
        %get3A_437 = vector.shape_cast %get3A_436 : vector<1x16xf32> to vector<16xf32>
        %max3A_438 = arith.maximumf %while3A_358, %get3A_437 : vector<16xf32>
        scf.yield %max3A_363, %max3A_368, %max3A_373, %max3A_378, %max3A_383, %max3A_388, %max3A_393, %max3A_398, %max3A_403, %max3A_408, %max3A_413, %max3A_418, %max3A_423, %max3A_428, %max3A_433, %max3A_438 : vector<16xf32>, vector<16xf32>, vector<16xf32>, vector<16xf32>, vector<16xf32>, vector<16xf32>, vector<16xf32>, vector<16xf32>, vector<16xf32>, vector<16xf32>, vector<16xf32>, vector<16xf32>, vector<16xf32>, vector<16xf32>, vector<16xf32>, vector<16xf32>
      }
      %add3A_151 = arith.constant 0 : i32
      %add3A_152 = arith.addi %mul3A_141, %add3A_151 : i32
      %get3A_153 = arith.index_cast %add3A_152 : i32 to index
      %get3A_154 = tpu.vector_load %arg7[%get3A_153] {strides = array<i32>} : memref<8192xf32, #tpu.memory_space<vmem>>, vector<16xf32>,
      %get3A_155 = vector.shape_cast %get3A_154 : vector<16xf32> to vector<16xf32>
      %max3A_156 = arith.maximumf %get3A_155, %while3A_150#0 : vector<16xf32>
      %add3A_157 = arith.constant 0 : i32
      %add3A_158 = arith.addi %mul3A_141, %add3A_157 : i32
      %swap3A = arith.index_cast %add3A_158 : i32 to index
      %swap3A_159 = tpu.vector_load %arg7[%swap3A] {strides = array<i32>} : memref<8192xf32, #tpu.memory_space<vmem>>, vector<16xf32>,
      %swap3A_160 = vector.shape_cast %swap3A_159 : vector<16xf32> to vector<16xf32>
      %swap3A_161 = vector.shape_cast %max3A_156 : vector<16xf32> to vector<16xf32>
      tpu.vector_store %arg7[%swap3A], %swap3A_161 {strides = array<i32>} : memref<8192xf32, #tpu.memory_space<vmem>>, vector<16xf32>,
      %add3A_162 = arith.constant 16 : i32
      %add3A_163 = arith.addi %mul3A_141, %add3A_162 : i32
      %get3A_164 = arith.index_cast %add3A_163 : i32 to index
      %get3A_165 = tpu.vector_load %arg7[%get3A_164] {strides = array<i32>} : memref<8192xf32, #tpu.memory_space<vmem>>, vector<16xf32>,
      %get3A_166 = vector.shape_cast %get3A_165 : vector<16xf32> to vector<16xf32>
      %max3A_167 = arith.maximumf %get3A_166, %while3A_150#1 : vector<16xf32>
      %add3A_168 = arith.constant 16 : i32
      %add3A_169 = arith.addi %mul3A_141, %add3A_168 : i32
      %swap3A_170 = arith.index_cast %add3A_169 : i32 to index
      %swap3A_171 = tpu.vector_load %arg7[%swap3A_170] {strides = array<i32>} : memref<8192xf32, #tpu.memory_space<vmem>>, vector<16xf32>,
      %swap3A_172 = vector.shape_cast %swap3A_171 : vector<16xf32> to vector<16xf32>
      %swap3A_173 = vector.shape_cast %max3A_167 : vector<16xf32> to vector<16xf32>
      tpu.vector_store %arg7[%swap3A_170], %swap3A_173 {strides = array<i32>} : memref<8192xf32, #tpu.memory_space<vmem>>, vector<16xf32>,
      %add3A_174 = arith.constant 32 : i32
      %add3A_175 = arith.addi %mul3A_141, %add3A_174 : i32
      %get3A_176 = arith.index_cast %add3A_175 : i32 to index
      %get3A_177 = tpu.vector_load %arg7[%get3A_176] {strides = array<i32>} : memref<8192xf32, #tpu.memory_space<vmem>>, vector<16xf32>,
      %get3A_178 = vector.shape_cast %get3A_177 : vector<16xf32> to vector<16xf32>
      %max3A_179 = arith.maximumf %get3A_178, %while3A_150#2 : vector<16xf32>
      %add3A_180 = arith.constant 32 : i32
      %add3A_181 = arith.addi %mul3A_141, %add3A_180 : i32
      %swap3A_182 = arith.index_cast %add3A_181 : i32 to index
      %swap3A_183 = tpu.vector_load %arg7[%swap3A_182] {strides = array<i32>} : memref<8192xf32, #tpu.memory_space<vmem>>, vector<16xf32>,
      %swap3A_184 = vector.shape_cast %swap3A_183 : vector<16xf32> to vector<16xf32>
      %swap3A_185 = vector.shape_cast %max3A_179 : vector<16xf32> to vector<16xf32>
      tpu.vector_store %arg7[%swap3A_182], %swap3A_185 {strides = array<i32>} : memref<8192xf32, #tpu.memory_space<vmem>>, vector<16xf32>,
      %add3A_186 = arith.constant 48 : i32
      %add3A_187 = arith.addi %mul3A_141, %add3A_186 : i32
      %get3A_188 = arith.index_cast %add3A_187 : i32 to index
      %get3A_189 = tpu.vector_load %arg7[%get3A_188] {strides = array<i32>} : memref<8192xf32, #tpu.memory_space<vmem>>, vector<16xf32>,
      %get3A_190 = vector.shape_cast %get3A_189 : vector<16xf32> to vector<16xf32>
      %max3A_191 = arith.maximumf %get3A_190, %while3A_150#3 : vector<16xf32>
      %add3A_192 = arith.constant 48 : i32
      %add3A_193 = arith.addi %mul3A_141, %add3A_192 : i32
      %swap3A_194 = arith.index_cast %add3A_193 : i32 to index
      %swap3A_195 = tpu.vector_load %arg7[%swap3A_194] {strides = array<i32>} : memref<8192xf32, #tpu.memory_space<vmem>>, vector<16xf32>,
      %swap3A_196 = vector.shape_cast %swap3A_195 : vector<16xf32> to vector<16xf32>
      %swap3A_197 = vector.shape_cast %max3A_191 : vector<16xf32> to vector<16xf32>
      tpu.vector_store %arg7[%swap3A_194], %swap3A_197 {strides = array<i32>} : memref<8192xf32, #tpu.memory_space<vmem>>, vector<16xf32>,
      %add3A_198 = arith.constant 64 : i32
      %add3A_199 = arith.addi %mul3A_141, %add3A_198 : i32
      %get3A_200 = arith.index_cast %add3A_199 : i32 to index
      %get3A_201 = tpu.vector_load %arg7[%get3A_200] {strides = array<i32>} : memref<8192xf32, #tpu.memory_space<vmem>>, vector<16xf32>,
      %get3A_202 = vector.shape_cast %get3A_201 : vector<16xf32> to vector<16xf32>
      %max3A_203 = arith.maximumf %get3A_202, %while3A_150#4 : vector<16xf32>
      %add3A_204 = arith.constant 64 : i32
      %add3A_205 = arith.addi %mul3A_141, %add3A_204 : i32
      %swap3A_206 = arith.index_cast %add3A_205 : i32 to index
      %swap3A_207 = tpu.vector_load %arg7[%swap3A_206] {strides = array<i32>} : memref<8192xf32, #tpu.memory_space<vmem>>, vector<16xf32>,
      %swap3A_208 = vector.shape_cast %swap3A_207 : vector<16xf32> to vector<16xf32>
      %swap3A_209 = vector.shape_cast %max3A_203 : vector<16xf32> to vector<16xf32>
      tpu.vector_store %arg7[%swap3A_206], %swap3A_209 {strides = array<i32>} : memref<8192xf32, #tpu.memory_space<vmem>>, vector<16xf32>,
      %add3A_210 = arith.constant 80 : i32
      %add3A_211 = arith.addi %mul3A_141, %add3A_210 : i32
      %get3A_212 = arith.index_cast %add3A_211 : i32 to index
      %get3A_213 = tpu.vector_load %arg7[%get3A_212] {strides = array<i32>} : memref<8192xf32, #tpu.memory_space<vmem>>, vector<16xf32>,
      %get3A_214 = vector.shape_cast %get3A_213 : vector<16xf32> to vector<16xf32>
      %max3A_215 = arith.maximumf %get3A_214, %while3A_150#5 : vector<16xf32>
      %add3A_216 = arith.constant 80 : i32
      %add3A_217 = arith.addi %mul3A_141, %add3A_216 : i32
      %swap3A_218 = arith.index_cast %add3A_217 : i32 to index
      %swap3A_219 = tpu.vector_load %arg7[%swap3A_218] {strides = array<i32>} : memref<8192xf32, #tpu.memory_space<vmem>>, vector<16xf32>,
      %swap3A_220 = vector.shape_cast %swap3A_219 : vector<16xf32> to vector<16xf32>
      %swap3A_221 = vector.shape_cast %max3A_215 : vector<16xf32> to vector<16xf32>
      tpu.vector_store %arg7[%swap3A_218], %swap3A_221 {strides = array<i32>} : memref<8192xf32, #tpu.memory_space<vmem>>, vector<16xf32>,
      %add3A_222 = arith.constant 96 : i32
      %add3A_223 = arith.addi %mul3A_141, %add3A_222 : i32
      %get3A_224 = arith.index_cast %add3A_223 : i32 to index
      %get3A_225 = tpu.vector_load %arg7[%get3A_224] {strides = array<i32>} : memref<8192xf32, #tpu.memory_space<vmem>>, vector<16xf32>,
      %get3A_226 = vector.shape_cast %get3A_225 : vector<16xf32> to vector<16xf32>
      %max3A_227 = arith.maximumf %get3A_226, %while3A_150#6 : vector<16xf32>
      %add3A_228 = arith.constant 96 : i32
      %add3A_229 = arith.addi %mul3A_141, %add3A_228 : i32
      %swap3A_230 = arith.index_cast %add3A_229 : i32 to index
      %swap3A_231 = tpu.vector_load %arg7[%swap3A_230] {strides = array<i32>} : memref<8192xf32, #tpu.memory_space<vmem>>, vector<16xf32>,
      %swap3A_232 = vector.shape_cast %swap3A_231 : vector<16xf32> to vector<16xf32>
      %swap3A_233 = vector.shape_cast %max3A_227 : vector<16xf32> to vector<16xf32>
      tpu.vector_store %arg7[%swap3A_230], %swap3A_233 {strides = array<i32>} : memref<8192xf32, #tpu.memory_space<vmem>>, vector<16xf32>,
      %add3A_234 = arith.constant 112 : i32
      %add3A_235 = arith.addi %mul3A_141, %add3A_234 : i32
      %get3A_236 = arith.index_cast %add3A_235 : i32 to index
      %get3A_237 = tpu.vector_load %arg7[%get3A_236] {strides = array<i32>} : memref<8192xf32, #tpu.memory_space<vmem>>, vector<16xf32>,
      %get3A_238 = vector.shape_cast %get3A_237 : vector<16xf32> to vector<16xf32>
      %max3A_239 = arith.maximumf %get3A_238, %while3A_150#7 : vector<16xf32>
      %add3A_240 = arith.constant 112 : i32
      %add3A_241 = arith.addi %mul3A_141, %add3A_240 : i32
      %swap3A_242 = arith.index_cast %add3A_241 : i32 to index
      %swap3A_243 = tpu.vector_load %arg7[%swap3A_242] {strides = array<i32>} : memref<8192xf32, #tpu.memory_space<vmem>>, vector<16xf32>,
      %swap3A_244 = vector.shape_cast %swap3A_243 : vector<16xf32> to vector<16xf32>
      %swap3A_245 = vector.shape_cast %max3A_239 : vector<16xf32> to vector<16xf32>
      tpu.vector_store %arg7[%swap3A_242], %swap3A_245 {strides = array<i32>} : memref<8192xf32, #tpu.memory_space<vmem>>, vector<16xf32>,
      %add3A_246 = arith.constant 128 : i32
      %add3A_247 = arith.addi %mul3A_141, %add3A_246 : i32
      %get3A_248 = arith.index_cast %add3A_247 : i32 to index
      %get3A_249 = tpu.vector_load %arg7[%get3A_248] {strides = array<i32>} : memref<8192xf32, #tpu.memory_space<vmem>>, vector<16xf32>,
      %get3A_250 = vector.shape_cast %get3A_249 : vector<16xf32> to vector<16xf32>
      %max3A_251 = arith.maximumf %get3A_250, %while3A_150#8 : vector<16xf32>
      %add3A_252 = arith.constant 128 : i32
      %add3A_253 = arith.addi %mul3A_141, %add3A_252 : i32
      %swap3A_254 = arith.index_cast %add3A_253 : i32 to index
      %swap3A_255 = tpu.vector_load %arg7[%swap3A_254] {strides = array<i32>} : memref<8192xf32, #tpu.memory_space<vmem>>, vector<16xf32>,
      %swap3A_256 = vector.shape_cast %swap3A_255 : vector<16xf32> to vector<16xf32>
      %swap3A_257 = vector.shape_cast %max3A_251 : vector<16xf32> to vector<16xf32>
      tpu.vector_store %arg7[%swap3A_254], %swap3A_257 {strides = array<i32>} : memref<8192xf32, #tpu.memory_space<vmem>>, vector<16xf32>,
      %add3A_258 = arith.constant 144 : i32
      %add3A_259 = arith.addi %mul3A_141, %add3A_258 : i32
      %get3A_260 = arith.index_cast %add3A_259 : i32 to index
      %get3A_261 = tpu.vector_load %arg7[%get3A_260] {strides = array<i32>} : memref<8192xf32, #tpu.memory_space<vmem>>, vector<16xf32>,
      %get3A_262 = vector.shape_cast %get3A_261 : vector<16xf32> to vector<16xf32>
      %max3A_263 = arith.maximumf %get3A_262, %while3A_150#9 : vector<16xf32>
      %add3A_264 = arith.constant 144 : i32
      %add3A_265 = arith.addi %mul3A_141, %add3A_264 : i32
      %swap3A_266 = arith.index_cast %add3A_265 : i32 to index
      %swap3A_267 = tpu.vector_load %arg7[%swap3A_266] {strides = array<i32>} : memref<8192xf32, #tpu.memory_space<vmem>>, vector<16xf32>,
      %swap3A_268 = vector.shape_cast %swap3A_267 : vector<16xf32> to vector<16xf32>
      %swap3A_269 = vector.shape_cast %max3A_263 : vector<16xf32> to vector<16xf32>
      tpu.vector_store %arg7[%swap3A_266], %swap3A_269 {strides = array<i32>} : memref<8192xf32, #tpu.memory_space<vmem>>, vector<16xf32>,
      %add3A_270 = arith.constant 160 : i32
      %add3A_271 = arith.addi %mul3A_141, %add3A_270 : i32
      %get3A_272 = arith.index_cast %add3A_271 : i32 to index
      %get3A_273 = tpu.vector_load %arg7[%get3A_272] {strides = array<i32>} : memref<8192xf32, #tpu.memory_space<vmem>>, vector<16xf32>,
      %get3A_274 = vector.shape_cast %get3A_273 : vector<16xf32> to vector<16xf32>
      %max3A_275 = arith.maximumf %get3A_274, %while3A_150#10 : vector<16xf32>
      %add3A_276 = arith.constant 160 : i32
      %add3A_277 = arith.addi %mul3A_141, %add3A_276 : i32
      %swap3A_278 = arith.index_cast %add3A_277 : i32 to index
      %swap3A_279 = tpu.vector_load %arg7[%swap3A_278] {strides = array<i32>} : memref<8192xf32, #tpu.memory_space<vmem>>, vector<16xf32>,
      %swap3A_280 = vector.shape_cast %swap3A_279 : vector<16xf32> to vector<16xf32>
      %swap3A_281 = vector.shape_cast %max3A_275 : vector<16xf32> to vector<16xf32>
      tpu.vector_store %arg7[%swap3A_278], %swap3A_281 {strides = array<i32>} : memref<8192xf32, #tpu.memory_space<vmem>>, vector<16xf32>,
      %add3A_282 = arith.constant 176 : i32
      %add3A_283 = arith.addi %mul3A_141, %add3A_282 : i32
      %get3A_284 = arith.index_cast %add3A_283 : i32 to index
      %get3A_285 = tpu.vector_load %arg7[%get3A_284] {strides = array<i32>} : memref<8192xf32, #tpu.memory_space<vmem>>, vector<16xf32>,
      %get3A_286 = vector.shape_cast %get3A_285 : vector<16xf32> to vector<16xf32>
      %max3A_287 = arith.maximumf %get3A_286, %while3A_150#11 : vector<16xf32>
      %add3A_288 = arith.constant 176 : i32
      %add3A_289 = arith.addi %mul3A_141, %add3A_288 : i32
      %swap3A_290 = arith.index_cast %add3A_289 : i32 to index
      %swap3A_291 = tpu.vector_load %arg7[%swap3A_290] {strides = array<i32>} : memref<8192xf32, #tpu.memory_space<vmem>>, vector<16xf32>,
      %swap3A_292 = vector.shape_cast %swap3A_291 : vector<16xf32> to vector<16xf32>
      %swap3A_293 = vector.shape_cast %max3A_287 : vector<16xf32> to vector<16xf32>
      tpu.vector_store %arg7[%swap3A_290], %swap3A_293 {strides = array<i32>} : memref<8192xf32, #tpu.memory_space<vmem>>, vector<16xf32>,
      %add3A_294 = arith.constant 192 : i32
      %add3A_295 = arith.addi %mul3A_141, %add3A_294 : i32
      %get3A_296 = arith.index_cast %add3A_295 : i32 to index
      %get3A_297 = tpu.vector_load %arg7[%get3A_296] {strides = array<i32>} : memref<8192xf32, #tpu.memory_space<vmem>>, vector<16xf32>,
      %get3A_298 = vector.shape_cast %get3A_297 : vector<16xf32> to vector<16xf32>
      %max3A_299 = arith.maximumf %get3A_298, %while3A_150#12 : vector<16xf32>
      %add3A_300 = arith.constant 192 : i32
      %add3A_301 = arith.addi %mul3A_141, %add3A_300 : i32
      %swap3A_302 = arith.index_cast %add3A_301 : i32 to index
      %swap3A_303 = tpu.vector_load %arg7[%swap3A_302] {strides = array<i32>} : memref<8192xf32, #tpu.memory_space<vmem>>, vector<16xf32>,
      %swap3A_304 = vector.shape_cast %swap3A_303 : vector<16xf32> to vector<16xf32>
      %swap3A_305 = vector.shape_cast %max3A_299 : vector<16xf32> to vector<16xf32>
      tpu.vector_store %arg7[%swap3A_302], %swap3A_305 {strides = array<i32>} : memref<8192xf32, #tpu.memory_space<vmem>>, vector<16xf32>,
      %add3A_306 = arith.constant 208 : i32
      %add3A_307 = arith.addi %mul3A_141, %add3A_306 : i32
      %get3A_308 = arith.index_cast %add3A_307 : i32 to index
      %get3A_309 = tpu.vector_load %arg7[%get3A_308] {strides = array<i32>} : memref<8192xf32, #tpu.memory_space<vmem>>, vector<16xf32>,
      %get3A_310 = vector.shape_cast %get3A_309 : vector<16xf32> to vector<16xf32>
      %max3A_311 = arith.maximumf %get3A_310, %while3A_150#13 : vector<16xf32>
      %add3A_312 = arith.constant 208 : i32
      %add3A_313 = arith.addi %mul3A_141, %add3A_312 : i32
      %swap3A_314 = arith.index_cast %add3A_313 : i32 to index
      %swap3A_315 = tpu.vector_load %arg7[%swap3A_314] {strides = array<i32>} : memref<8192xf32, #tpu.memory_space<vmem>>, vector<16xf32>,
      %swap3A_316 = vector.shape_cast %swap3A_315 : vector<16xf32> to vector<16xf32>
      %swap3A_317 = vector.shape_cast %max3A_311 : vector<16xf32> to vector<16xf32>
      tpu.vector_store %arg7[%swap3A_314], %swap3A_317 {strides = array<i32>} : memref<8192xf32, #tpu.memory_space<vmem>>, vector<16xf32>,
      %add3A_318 = arith.constant 224 : i32
      %add3A_319 = arith.addi %mul3A_141, %add3A_318 : i32
      %get3A_320 = arith.index_cast %add3A_319 : i32 to index
      %get3A_321 = tpu.vector_load %arg7[%get3A_320] {strides = array<i32>} : memref<8192xf32, #tpu.memory_space<vmem>>, vector<16xf32>,
      %get3A_322 = vector.shape_cast %get3A_321 : vector<16xf32> to vector<16xf32>
      %max3A_323 = arith.maximumf %get3A_322, %while3A_150#14 : vector<16xf32>
      %add3A_324 = arith.constant 224 : i32
      %add3A_325 = arith.addi %mul3A_141, %add3A_324 : i32
      %swap3A_326 = arith.index_cast %add3A_325 : i32 to index
      %swap3A_327 = tpu.vector_load %arg7[%swap3A_326] {strides = array<i32>} : memref<8192xf32, #tpu.memory_space<vmem>>, vector<16xf32>,
      %swap3A_328 = vector.shape_cast %swap3A_327 : vector<16xf32> to vector<16xf32>
      %swap3A_329 = vector.shape_cast %max3A_323 : vector<16xf32> to vector<16xf32>
      tpu.vector_store %arg7[%swap3A_326], %swap3A_329 {strides = array<i32>} : memref<8192xf32, #tpu.memory_space<vmem>>, vector<16xf32>,
      %add3A_330 = arith.constant 240 : i32
      %add3A_331 = arith.addi %mul3A_141, %add3A_330 : i32
      %get3A_332 = arith.index_cast %add3A_331 : i32 to index
      %get3A_333 = tpu.vector_load %arg7[%get3A_332] {strides = array<i32>} : memref<8192xf32, #tpu.memory_space<vmem>>, vector<16xf32>,
      %get3A_334 = vector.shape_cast %get3A_333 : vector<16xf32> to vector<16xf32>
      %max3A_335 = arith.maximumf %get3A_334, %while3A_150#15 : vector<16xf32>
      %add3A_336 = arith.constant 240 : i32
      %add3A_337 = arith.addi %mul3A_141, %add3A_336 : i32
      %swap3A_338 = arith.index_cast %add3A_337 : i32 to index
      %swap3A_339 = tpu.vector_load %arg7[%swap3A_338] {strides = array<i32>} : memref<8192xf32, #tpu.memory_space<vmem>>, vector<16xf32>,
      %swap3A_340 = vector.shape_cast %swap3A_339 : vector<16xf32> to vector<16xf32>
      %swap3A_341 = vector.shape_cast %max3A_335 : vector<16xf32> to vector<16xf32>
      tpu.vector_store %arg7[%swap3A_338], %swap3A_341 {strides = array<i32>} : memref<8192xf32, #tpu.memory_space<vmem>>, vector<16xf32>,
    }
    %scan3A_66 = arith.constant 31 : i32
    %add3A_67 = arith.constant 256 : i32
    %add3A_68 = arith.addi %mul3A_32, %add3A_67 : i32
    %dma_start3A_69 = arith.constant 0 : i32
    %dma_start3A_70 = tpu.memref_slice %arg3[%select_n3A, %add3A_68, %dma_start3A_69] : memref<8x2048x256xf32, #tpu.memory_space<hbm>> -> memref<1x128x256xf32, #tpu.memory_space<hbm>>
    %dma_start3A_71 = tpu.memref_squeeze %dma_start3A_70 : memref<1x128x256xf32, #tpu.memory_space<hbm>> -> memref<128x256xf32, #tpu.memory_space<hbm>>
    %dma_start3A_72 = arith.constant 0 : i32
    %dma_start3A_73 = tpu.memref_slice %arg3[%select_n3A, %add3A_68, %dma_start3A_72] : memref<8x2048x256xf32, #tpu.memory_space<hbm>> -> memref<1x128x256xf32, #tpu.memory_space<hbm>>
    %dma_start3A_74 = tpu.memref_squeeze %dma_start3A_73 : memref<1x128x256xf32, #tpu.memory_space<hbm>> -> memref<128x256xf32, #tpu.memory_space<hbm>>
    tpu.enqueue_dma source(%dma_start3A_74 : memref<128x256xf32, #tpu.memory_space<hbm>>) target(%arg5 : memref<128x256xf32, #tpu.memory_space<vmem>>) target_semaphore(%arg9 : memref<!tpu.dma_semaphore, #tpu.memory_space<semaphore_mem>>)
    %dma_wait3A_75 = arith.constant 0 : i32
    %dma_wait3A_76 = tpu.memref_slice %arg3[%select_n3A, %add3A_45, %dma_wait3A_75] : memref<8x2048x256xf32, #tpu.memory_space<hbm>> -> memref<1x128x256xf32, #tpu.memory_space<hbm>>
    %dma_wait3A_77 = tpu.memref_squeeze %dma_wait3A_76 : memref<1x128x256xf32, #tpu.memory_space<hbm>> -> memref<128x256xf32, #tpu.memory_space<hbm>>
    %dma_wait3A_78 = arith.constant 0 : i32
    %dma_wait3A_79 = tpu.memref_slice %arg3[%select_n3A, %add3A_45, %dma_wait3A_78] : memref<8x2048x256xf32, #tpu.memory_space<hbm>> -> memref<1x128x256xf32, #tpu.memory_space<hbm>>
    %dma_wait3A_80 = tpu.memref_squeeze %dma_wait3A_79 : memref<1x128x256xf32, #tpu.memory_space<hbm>> -> memref<128x256xf32, #tpu.memory_space<hbm>>
    tpu.wait_dma2 semaphore(%arg10 : memref<!tpu.dma_semaphore, #tpu.memory_space<semaphore_mem>>) src(%dma_wait3A_80 : memref<128x256xf32, #tpu.memory_space<hbm>>) dst(%arg6 : memref<128x256xf32, #tpu.memory_space<vmem>>)
    %add3A_81 = arith.constant 128 : i32
    %add3A_82 = arith.addi %mul3A_32, %add3A_81 : i32
    %scan3A_83 = arith.constant 0 : i32
    %scan3A_84 = arith.constant 0 : i32
    %scan3A_85 = arith.constant 128 : i32
    %scan3A_86 = arith.constant 0 : i32
    %scan3A_87 = arith.constant 31 : i32
    %scan3A_88 = arith.addi %scan3A_86, %scan3A_87 : i32
    %scan3A_89 = arith.constant 1 : i32
    scf.for %scan3A_131 = %scan3A_86 to %scan3A_88 step %scan3A_89  : i32 {
      %get3A = arith.index_cast %scan3A_131 : i32 to index
      %get3A_132 = tpu.vector_load %arg8[%get3A] {strides = array<i32>} : memref<48xi32, #tpu.memory_space<vmem>>, vector<16xi32>,
      %get3A_133 = vector.shape_cast %get3A_132 : vector<16xi32> to vector<16xi32>
      %slice3A = vector.extract_strided_slice %get3A_133 {offsets = [0], sizes = [1], strides = [1]} : vector<16xi32> to vector<1xi32>
      %squeeze3A = vector.extract %slice3A[0] : i32 from vector<1xi32>
      %sub3A_134 = arith.subi %squeeze3A, %add3A_82 : i32
      %max3A = arith.maxsi %scan3A_84, %sub3A_134 : i32
      %min3A = arith.minsi %scan3A_85, %max3A : i32
      %slice3A_135 = vector.extract_strided_slice %get3A_133 {offsets = [1], sizes = [1], strides = [1]} : vector<16xi32> to vector<1xi32>
      %squeeze3A_136 = vector.extract %slice3A_135[0] : i32 from vector<1xi32>
      %sub3A_137 = arith.subi %squeeze3A_136, %add3A_82 : i32
      %max3A_138 = arith.maxsi %scan3A_84, %sub3A_137 : i32
      %min3A_139 = arith.minsi %scan3A_85, %max3A_138 : i32
      %mul3A_140 = arith.constant 256 : i32
      %mul3A_141 = arith.muli %scan3A_131, %mul3A_140 : i32
      %while3A = arith.subi %min3A_139, %min3A : i32
      %while3A_142 = arith.addi %min3A, %while3A : i32
      %while3A_143 = arith.constant 1 : i32
      %while3A_144 = arith.divsi %while3A, %while3A_143 : i32
      %while3A_145 = arith.muli %while3A_144, %while3A_143 : i32
      %while3A_146 = arith.addi %min3A, %while3A_145 : i32
      %while3A_147 = arith.constant 1 : i32
      %while3A_148:16 = scf.for %while3A_342 = %min3A to %while3A_146 step %while3A_147 iter_args(%while3A_343 = %broadcast_in_dim3A_33, %while3A_344 = %broadcast_in_dim3A_33, %while3A_345 = %broadcast_in_dim3A_33, %while3A_346 = %broadcast_in_dim3A_33, %while3A_347 = %broadcast_in_dim3A_33, %while3A_348 = %broadcast_in_dim3A_33, %while3A_349 = %broadcast_in_dim3A_33, %while3A_350 = %broadcast_in_dim3A_33, %while3A_351 = %broadcast_in_dim3A_33, %while3A_352 = %broadcast_in_dim3A_33, %while3A_353 = %broadcast_in_dim3A_33, %while3A_354 = %broadcast_in_dim3A_33, %while3A_355 = %broadcast_in_dim3A_33, %while3A_356 = %broadcast_in_dim3A_33, %while3A_357 = %broadcast_in_dim3A_33, %while3A_358 = %broadcast_in_dim3A_33) -> (vector<16xf32>, vector<16xf32>, vector<16xf32>, vector<16xf32>, vector<16xf32>, vector<16xf32>, vector<16xf32>, vector<16xf32>, vector<16xf32>, vector<16xf32>, vector<16xf32>, vector<16xf32>, vector<16xf32>, vector<16xf32>, vector<16xf32>, vector<16xf32>)  : i32 {
        %get3A_359 = arith.index_cast %while3A_342 : i32 to index
        %get3A_360 = arith.constant 0 : index
        %get3A_361 = tpu.vector_load %arg6[%get3A_359, %get3A_360] {strides = array<i32>} : memref<128x256xf32, #tpu.memory_space<vmem>>, vector<1x16xf32>,
        %get3A_362 = vector.shape_cast %get3A_361 : vector<1x16xf32> to vector<16xf32>
        %max3A_363 = arith.maximumf %while3A_343, %get3A_362 : vector<16xf32>
        %get3A_364 = arith.index_cast %while3A_342 : i32 to index
        %get3A_365 = arith.constant 16 : index
        %get3A_366 = tpu.vector_load %arg6[%get3A_364, %get3A_365] {strides = array<i32>} : memref<128x256xf32, #tpu.memory_space<vmem>>, vector<1x16xf32>,
        %get3A_367 = vector.shape_cast %get3A_366 : vector<1x16xf32> to vector<16xf32>
        %max3A_368 = arith.maximumf %while3A_344, %get3A_367 : vector<16xf32>
        %get3A_369 = arith.index_cast %while3A_342 : i32 to index
        %get3A_370 = arith.constant 32 : index
        %get3A_371 = tpu.vector_load %arg6[%get3A_369, %get3A_370] {strides = array<i32>} : memref<128x256xf32, #tpu.memory_space<vmem>>, vector<1x16xf32>,
        %get3A_372 = vector.shape_cast %get3A_371 : vector<1x16xf32> to vector<16xf32>
        %max3A_373 = arith.maximumf %while3A_345, %get3A_372 : vector<16xf32>
        %get3A_374 = arith.index_cast %while3A_342 : i32 to index
        %get3A_375 = arith.constant 48 : index
        %get3A_376 = tpu.vector_load %arg6[%get3A_374, %get3A_375] {strides = array<i32>} : memref<128x256xf32, #tpu.memory_space<vmem>>, vector<1x16xf32>,
        %get3A_377 = vector.shape_cast %get3A_376 : vector<1x16xf32> to vector<16xf32>
        %max3A_378 = arith.maximumf %while3A_346, %get3A_377 : vector<16xf32>
        %get3A_379 = arith.index_cast %while3A_342 : i32 to index
        %get3A_380 = arith.constant 64 : index
        %get3A_381 = tpu.vector_load %arg6[%get3A_379, %get3A_380] {strides = array<i32>} : memref<128x256xf32, #tpu.memory_space<vmem>>, vector<1x16xf32>,
        %get3A_382 = vector.shape_cast %get3A_381 : vector<1x16xf32> to vector<16xf32>
        %max3A_383 = arith.maximumf %while3A_347, %get3A_382 : vector<16xf32>
        %get3A_384 = arith.index_cast %while3A_342 : i32 to index
        %get3A_385 = arith.constant 80 : index
        %get3A_386 = tpu.vector_load %arg6[%get3A_384, %get3A_385] {strides = array<i32>} : memref<128x256xf32, #tpu.memory_space<vmem>>, vector<1x16xf32>,
        %get3A_387 = vector.shape_cast %get3A_386 : vector<1x16xf32> to vector<16xf32>
        %max3A_388 = arith.maximumf %while3A_348, %get3A_387 : vector<16xf32>
        %get3A_389 = arith.index_cast %while3A_342 : i32 to index
        %get3A_390 = arith.constant 96 : index
        %get3A_391 = tpu.vector_load %arg6[%get3A_389, %get3A_390] {strides = array<i32>} : memref<128x256xf32, #tpu.memory_space<vmem>>, vector<1x16xf32>,
        %get3A_392 = vector.shape_cast %get3A_391 : vector<1x16xf32> to vector<16xf32>
        %max3A_393 = arith.maximumf %while3A_349, %get3A_392 : vector<16xf32>
        %get3A_394 = arith.index_cast %while3A_342 : i32 to index
        %get3A_395 = arith.constant 112 : index
        %get3A_396 = tpu.vector_load %arg6[%get3A_394, %get3A_395] {strides = array<i32>} : memref<128x256xf32, #tpu.memory_space<vmem>>, vector<1x16xf32>,
        %get3A_397 = vector.shape_cast %get3A_396 : vector<1x16xf32> to vector<16xf32>
        %max3A_398 = arith.maximumf %while3A_350, %get3A_397 : vector<16xf32>
        %get3A_399 = arith.index_cast %while3A_342 : i32 to index
        %get3A_400 = arith.constant 128 : index
        %get3A_401 = tpu.vector_load %arg6[%get3A_399, %get3A_400] {strides = array<i32>} : memref<128x256xf32, #tpu.memory_space<vmem>>, vector<1x16xf32>,
        %get3A_402 = vector.shape_cast %get3A_401 : vector<1x16xf32> to vector<16xf32>
        %max3A_403 = arith.maximumf %while3A_351, %get3A_402 : vector<16xf32>
        %get3A_404 = arith.index_cast %while3A_342 : i32 to index
        %get3A_405 = arith.constant 144 : index
        %get3A_406 = tpu.vector_load %arg6[%get3A_404, %get3A_405] {strides = array<i32>} : memref<128x256xf32, #tpu.memory_space<vmem>>, vector<1x16xf32>,
        %get3A_407 = vector.shape_cast %get3A_406 : vector<1x16xf32> to vector<16xf32>
        %max3A_408 = arith.maximumf %while3A_352, %get3A_407 : vector<16xf32>
        %get3A_409 = arith.index_cast %while3A_342 : i32 to index
        %get3A_410 = arith.constant 160 : index
        %get3A_411 = tpu.vector_load %arg6[%get3A_409, %get3A_410] {strides = array<i32>} : memref<128x256xf32, #tpu.memory_space<vmem>>, vector<1x16xf32>,
        %get3A_412 = vector.shape_cast %get3A_411 : vector<1x16xf32> to vector<16xf32>
        %max3A_413 = arith.maximumf %while3A_353, %get3A_412 : vector<16xf32>
        %get3A_414 = arith.index_cast %while3A_342 : i32 to index
        %get3A_415 = arith.constant 176 : index
        %get3A_416 = tpu.vector_load %arg6[%get3A_414, %get3A_415] {strides = array<i32>} : memref<128x256xf32, #tpu.memory_space<vmem>>, vector<1x16xf32>,
        %get3A_417 = vector.shape_cast %get3A_416 : vector<1x16xf32> to vector<16xf32>
        %max3A_418 = arith.maximumf %while3A_354, %get3A_417 : vector<16xf32>
        %get3A_419 = arith.index_cast %while3A_342 : i32 to index
        %get3A_420 = arith.constant 192 : index
        %get3A_421 = tpu.vector_load %arg6[%get3A_419, %get3A_420] {strides = array<i32>} : memref<128x256xf32, #tpu.memory_space<vmem>>, vector<1x16xf32>,
        %get3A_422 = vector.shape_cast %get3A_421 : vector<1x16xf32> to vector<16xf32>
        %max3A_423 = arith.maximumf %while3A_355, %get3A_422 : vector<16xf32>
        %get3A_424 = arith.index_cast %while3A_342 : i32 to index
        %get3A_425 = arith.constant 208 : index
        %get3A_426 = tpu.vector_load %arg6[%get3A_424, %get3A_425] {strides = array<i32>} : memref<128x256xf32, #tpu.memory_space<vmem>>, vector<1x16xf32>,
        %get3A_427 = vector.shape_cast %get3A_426 : vector<1x16xf32> to vector<16xf32>
        %max3A_428 = arith.maximumf %while3A_356, %get3A_427 : vector<16xf32>
        %get3A_429 = arith.index_cast %while3A_342 : i32 to index
        %get3A_430 = arith.constant 224 : index
        %get3A_431 = tpu.vector_load %arg6[%get3A_429, %get3A_430] {strides = array<i32>} : memref<128x256xf32, #tpu.memory_space<vmem>>, vector<1x16xf32>,
        %get3A_432 = vector.shape_cast %get3A_431 : vector<1x16xf32> to vector<16xf32>
        %max3A_433 = arith.maximumf %while3A_357, %get3A_432 : vector<16xf32>
        %get3A_434 = arith.index_cast %while3A_342 : i32 to index
        %get3A_435 = arith.constant 240 : index
        %get3A_436 = tpu.vector_load %arg6[%get3A_434, %get3A_435] {strides = array<i32>} : memref<128x256xf32, #tpu.memory_space<vmem>>, vector<1x16xf32>,
        %get3A_437 = vector.shape_cast %get3A_436 : vector<1x16xf32> to vector<16xf32>
        %max3A_438 = arith.maximumf %while3A_358, %get3A_437 : vector<16xf32>
        scf.yield %max3A_363, %max3A_368, %max3A_373, %max3A_378, %max3A_383, %max3A_388, %max3A_393, %max3A_398, %max3A_403, %max3A_408, %max3A_413, %max3A_418, %max3A_423, %max3A_428, %max3A_433, %max3A_438 : vector<16xf32>, vector<16xf32>, vector<16xf32>, vector<16xf32>, vector<16xf32>, vector<16xf32>, vector<16xf32>, vector<16xf32>, vector<16xf32>, vector<16xf32>, vector<16xf32>, vector<16xf32>, vector<16xf32>, vector<16xf32>, vector<16xf32>, vector<16xf32>
      }
      %while3A_149 = arith.constant 1 : i32
      %while3A_150:16 = scf.for %while3A_342 = %while3A_146 to %while3A_142 step %while3A_149 iter_args(%while3A_343 = %while3A_148#0, %while3A_344 = %while3A_148#1, %while3A_345 = %while3A_148#2, %while3A_346 = %while3A_148#3, %while3A_347 = %while3A_148#4, %while3A_348 = %while3A_148#5, %while3A_349 = %while3A_148#6, %while3A_350 = %while3A_148#7, %while3A_351 = %while3A_148#8, %while3A_352 = %while3A_148#9, %while3A_353 = %while3A_148#10, %while3A_354 = %while3A_148#11, %while3A_355 = %while3A_148#12, %while3A_356 = %while3A_148#13, %while3A_357 = %while3A_148#14, %while3A_358 = %while3A_148#15) -> (vector<16xf32>, vector<16xf32>, vector<16xf32>, vector<16xf32>, vector<16xf32>, vector<16xf32>, vector<16xf32>, vector<16xf32>, vector<16xf32>, vector<16xf32>, vector<16xf32>, vector<16xf32>, vector<16xf32>, vector<16xf32>, vector<16xf32>, vector<16xf32>)  : i32 {
        %get3A_359 = arith.index_cast %while3A_342 : i32 to index
        %get3A_360 = arith.constant 0 : index
        %get3A_361 = tpu.vector_load %arg6[%get3A_359, %get3A_360] {strides = array<i32>} : memref<128x256xf32, #tpu.memory_space<vmem>>, vector<1x16xf32>,
        %get3A_362 = vector.shape_cast %get3A_361 : vector<1x16xf32> to vector<16xf32>
        %max3A_363 = arith.maximumf %while3A_343, %get3A_362 : vector<16xf32>
        %get3A_364 = arith.index_cast %while3A_342 : i32 to index
        %get3A_365 = arith.constant 16 : index
        %get3A_366 = tpu.vector_load %arg6[%get3A_364, %get3A_365] {strides = array<i32>} : memref<128x256xf32, #tpu.memory_space<vmem>>, vector<1x16xf32>,
        %get3A_367 = vector.shape_cast %get3A_366 : vector<1x16xf32> to vector<16xf32>
        %max3A_368 = arith.maximumf %while3A_344, %get3A_367 : vector<16xf32>
        %get3A_369 = arith.index_cast %while3A_342 : i32 to index
        %get3A_370 = arith.constant 32 : index
        %get3A_371 = tpu.vector_load %arg6[%get3A_369, %get3A_370] {strides = array<i32>} : memref<128x256xf32, #tpu.memory_space<vmem>>, vector<1x16xf32>,
        %get3A_372 = vector.shape_cast %get3A_371 : vector<1x16xf32> to vector<16xf32>
        %max3A_373 = arith.maximumf %while3A_345, %get3A_372 : vector<16xf32>
        %get3A_374 = arith.index_cast %while3A_342 : i32 to index
        %get3A_375 = arith.constant 48 : index
        %get3A_376 = tpu.vector_load %arg6[%get3A_374, %get3A_375] {strides = array<i32>} : memref<128x256xf32, #tpu.memory_space<vmem>>, vector<1x16xf32>,
        %get3A_377 = vector.shape_cast %get3A_376 : vector<1x16xf32> to vector<16xf32>
        %max3A_378 = arith.maximumf %while3A_346, %get3A_377 : vector<16xf32>
        %get3A_379 = arith.index_cast %while3A_342 : i32 to index
        %get3A_380 = arith.constant 64 : index
        %get3A_381 = tpu.vector_load %arg6[%get3A_379, %get3A_380] {strides = array<i32>} : memref<128x256xf32, #tpu.memory_space<vmem>>, vector<1x16xf32>,
        %get3A_382 = vector.shape_cast %get3A_381 : vector<1x16xf32> to vector<16xf32>
        %max3A_383 = arith.maximumf %while3A_347, %get3A_382 : vector<16xf32>
        %get3A_384 = arith.index_cast %while3A_342 : i32 to index
        %get3A_385 = arith.constant 80 : index
        %get3A_386 = tpu.vector_load %arg6[%get3A_384, %get3A_385] {strides = array<i32>} : memref<128x256xf32, #tpu.memory_space<vmem>>, vector<1x16xf32>,
        %get3A_387 = vector.shape_cast %get3A_386 : vector<1x16xf32> to vector<16xf32>
        %max3A_388 = arith.maximumf %while3A_348, %get3A_387 : vector<16xf32>
        %get3A_389 = arith.index_cast %while3A_342 : i32 to index
        %get3A_390 = arith.constant 96 : index
        %get3A_391 = tpu.vector_load %arg6[%get3A_389, %get3A_390] {strides = array<i32>} : memref<128x256xf32, #tpu.memory_space<vmem>>, vector<1x16xf32>,
        %get3A_392 = vector.shape_cast %get3A_391 : vector<1x16xf32> to vector<16xf32>
        %max3A_393 = arith.maximumf %while3A_349, %get3A_392 : vector<16xf32>
        %get3A_394 = arith.index_cast %while3A_342 : i32 to index
        %get3A_395 = arith.constant 112 : index
        %get3A_396 = tpu.vector_load %arg6[%get3A_394, %get3A_395] {strides = array<i32>} : memref<128x256xf32, #tpu.memory_space<vmem>>, vector<1x16xf32>,
        %get3A_397 = vector.shape_cast %get3A_396 : vector<1x16xf32> to vector<16xf32>
        %max3A_398 = arith.maximumf %while3A_350, %get3A_397 : vector<16xf32>
        %get3A_399 = arith.index_cast %while3A_342 : i32 to index
        %get3A_400 = arith.constant 128 : index
        %get3A_401 = tpu.vector_load %arg6[%get3A_399, %get3A_400] {strides = array<i32>} : memref<128x256xf32, #tpu.memory_space<vmem>>, vector<1x16xf32>,
        %get3A_402 = vector.shape_cast %get3A_401 : vector<1x16xf32> to vector<16xf32>
        %max3A_403 = arith.maximumf %while3A_351, %get3A_402 : vector<16xf32>
        %get3A_404 = arith.index_cast %while3A_342 : i32 to index
        %get3A_405 = arith.constant 144 : index
        %get3A_406 = tpu.vector_load %arg6[%get3A_404, %get3A_405] {strides = array<i32>} : memref<128x256xf32, #tpu.memory_space<vmem>>, vector<1x16xf32>,
        %get3A_407 = vector.shape_cast %get3A_406 : vector<1x16xf32> to vector<16xf32>
        %max3A_408 = arith.maximumf %while3A_352, %get3A_407 : vector<16xf32>
        %get3A_409 = arith.index_cast %while3A_342 : i32 to index
        %get3A_410 = arith.constant 160 : index
        %get3A_411 = tpu.vector_load %arg6[%get3A_409, %get3A_410] {strides = array<i32>} : memref<128x256xf32, #tpu.memory_space<vmem>>, vector<1x16xf32>,
        %get3A_412 = vector.shape_cast %get3A_411 : vector<1x16xf32> to vector<16xf32>
        %max3A_413 = arith.maximumf %while3A_353, %get3A_412 : vector<16xf32>
        %get3A_414 = arith.index_cast %while3A_342 : i32 to index
        %get3A_415 = arith.constant 176 : index
        %get3A_416 = tpu.vector_load %arg6[%get3A_414, %get3A_415] {strides = array<i32>} : memref<128x256xf32, #tpu.memory_space<vmem>>, vector<1x16xf32>,
        %get3A_417 = vector.shape_cast %get3A_416 : vector<1x16xf32> to vector<16xf32>
        %max3A_418 = arith.maximumf %while3A_354, %get3A_417 : vector<16xf32>
        %get3A_419 = arith.index_cast %while3A_342 : i32 to index
        %get3A_420 = arith.constant 192 : index
        %get3A_421 = tpu.vector_load %arg6[%get3A_419, %get3A_420] {strides = array<i32>} : memref<128x256xf32, #tpu.memory_space<vmem>>, vector<1x16xf32>,
        %get3A_422 = vector.shape_cast %get3A_421 : vector<1x16xf32> to vector<16xf32>
        %max3A_423 = arith.maximumf %while3A_355, %get3A_422 : vector<16xf32>
        %get3A_424 = arith.index_cast %while3A_342 : i32 to index
        %get3A_425 = arith.constant 208 : index
        %get3A_426 = tpu.vector_load %arg6[%get3A_424, %get3A_425] {strides = array<i32>} : memref<128x256xf32, #tpu.memory_space<vmem>>, vector<1x16xf32>,
        %get3A_427 = vector.shape_cast %get3A_426 : vector<1x16xf32> to vector<16xf32>
        %max3A_428 = arith.maximumf %while3A_356, %get3A_427 : vector<16xf32>
        %get3A_429 = arith.index_cast %while3A_342 : i32 to index
        %get3A_430 = arith.constant 224 : index
        %get3A_431 = tpu.vector_load %arg6[%get3A_429, %get3A_430] {strides = array<i32>} : memref<128x256xf32, #tpu.memory_space<vmem>>, vector<1x16xf32>,
        %get3A_432 = vector.shape_cast %get3A_431 : vector<1x16xf32> to vector<16xf32>
        %max3A_433 = arith.maximumf %while3A_357, %get3A_432 : vector<16xf32>
        %get3A_434 = arith.index_cast %while3A_342 : i32 to index
        %get3A_435 = arith.constant 240 : index
        %get3A_436 = tpu.vector_load %arg6[%get3A_434, %get3A_435] {strides = array<i32>} : memref<128x256xf32, #tpu.memory_space<vmem>>, vector<1x16xf32>,
        %get3A_437 = vector.shape_cast %get3A_436 : vector<1x16xf32> to vector<16xf32>
        %max3A_438 = arith.maximumf %while3A_358, %get3A_437 : vector<16xf32>
        scf.yield %max3A_363, %max3A_368, %max3A_373, %max3A_378, %max3A_383, %max3A_388, %max3A_393, %max3A_398, %max3A_403, %max3A_408, %max3A_413, %max3A_418, %max3A_423, %max3A_428, %max3A_433, %max3A_438 : vector<16xf32>, vector<16xf32>, vector<16xf32>, vector<16xf32>, vector<16xf32>, vector<16xf32>, vector<16xf32>, vector<16xf32>, vector<16xf32>, vector<16xf32>, vector<16xf32>, vector<16xf32>, vector<16xf32>, vector<16xf32>, vector<16xf32>, vector<16xf32>
      }
      %add3A_151 = arith.constant 0 : i32
      %add3A_152 = arith.addi %mul3A_141, %add3A_151 : i32
      %get3A_153 = arith.index_cast %add3A_152 : i32 to index
      %get3A_154 = tpu.vector_load %arg7[%get3A_153] {strides = array<i32>} : memref<8192xf32, #tpu.memory_space<vmem>>, vector<16xf32>,
      %get3A_155 = vector.shape_cast %get3A_154 : vector<16xf32> to vector<16xf32>
      %max3A_156 = arith.maximumf %get3A_155, %while3A_150#0 : vector<16xf32>
      %add3A_157 = arith.constant 0 : i32
      %add3A_158 = arith.addi %mul3A_141, %add3A_157 : i32
      %swap3A = arith.index_cast %add3A_158 : i32 to index
      %swap3A_159 = tpu.vector_load %arg7[%swap3A] {strides = array<i32>} : memref<8192xf32, #tpu.memory_space<vmem>>, vector<16xf32>,
      %swap3A_160 = vector.shape_cast %swap3A_159 : vector<16xf32> to vector<16xf32>
      %swap3A_161 = vector.shape_cast %max3A_156 : vector<16xf32> to vector<16xf32>
      tpu.vector_store %arg7[%swap3A], %swap3A_161 {strides = array<i32>} : memref<8192xf32, #tpu.memory_space<vmem>>, vector<16xf32>,
      %add3A_162 = arith.constant 16 : i32
      %add3A_163 = arith.addi %mul3A_141, %add3A_162 : i32
      %get3A_164 = arith.index_cast %add3A_163 : i32 to index
      %get3A_165 = tpu.vector_load %arg7[%get3A_164] {strides = array<i32>} : memref<8192xf32, #tpu.memory_space<vmem>>, vector<16xf32>,
      %get3A_166 = vector.shape_cast %get3A_165 : vector<16xf32> to vector<16xf32>
      %max3A_167 = arith.maximumf %get3A_166, %while3A_150#1 : vector<16xf32>
      %add3A_168 = arith.constant 16 : i32
      %add3A_169 = arith.addi %mul3A_141, %add3A_168 : i32
      %swap3A_170 = arith.index_cast %add3A_169 : i32 to index
      %swap3A_171 = tpu.vector_load %arg7[%swap3A_170] {strides = array<i32>} : memref<8192xf32, #tpu.memory_space<vmem>>, vector<16xf32>,
      %swap3A_172 = vector.shape_cast %swap3A_171 : vector<16xf32> to vector<16xf32>
      %swap3A_173 = vector.shape_cast %max3A_167 : vector<16xf32> to vector<16xf32>
      tpu.vector_store %arg7[%swap3A_170], %swap3A_173 {strides = array<i32>} : memref<8192xf32, #tpu.memory_space<vmem>>, vector<16xf32>,
      %add3A_174 = arith.constant 32 : i32
      %add3A_175 = arith.addi %mul3A_141, %add3A_174 : i32
      %get3A_176 = arith.index_cast %add3A_175 : i32 to index
      %get3A_177 = tpu.vector_load %arg7[%get3A_176] {strides = array<i32>} : memref<8192xf32, #tpu.memory_space<vmem>>, vector<16xf32>,
      %get3A_178 = vector.shape_cast %get3A_177 : vector<16xf32> to vector<16xf32>
      %max3A_179 = arith.maximumf %get3A_178, %while3A_150#2 : vector<16xf32>
      %add3A_180 = arith.constant 32 : i32
      %add3A_181 = arith.addi %mul3A_141, %add3A_180 : i32
      %swap3A_182 = arith.index_cast %add3A_181 : i32 to index
      %swap3A_183 = tpu.vector_load %arg7[%swap3A_182] {strides = array<i32>} : memref<8192xf32, #tpu.memory_space<vmem>>, vector<16xf32>,
      %swap3A_184 = vector.shape_cast %swap3A_183 : vector<16xf32> to vector<16xf32>
      %swap3A_185 = vector.shape_cast %max3A_179 : vector<16xf32> to vector<16xf32>
      tpu.vector_store %arg7[%swap3A_182], %swap3A_185 {strides = array<i32>} : memref<8192xf32, #tpu.memory_space<vmem>>, vector<16xf32>,
      %add3A_186 = arith.constant 48 : i32
      %add3A_187 = arith.addi %mul3A_141, %add3A_186 : i32
      %get3A_188 = arith.index_cast %add3A_187 : i32 to index
      %get3A_189 = tpu.vector_load %arg7[%get3A_188] {strides = array<i32>} : memref<8192xf32, #tpu.memory_space<vmem>>, vector<16xf32>,
      %get3A_190 = vector.shape_cast %get3A_189 : vector<16xf32> to vector<16xf32>
      %max3A_191 = arith.maximumf %get3A_190, %while3A_150#3 : vector<16xf32>
      %add3A_192 = arith.constant 48 : i32
      %add3A_193 = arith.addi %mul3A_141, %add3A_192 : i32
      %swap3A_194 = arith.index_cast %add3A_193 : i32 to index
      %swap3A_195 = tpu.vector_load %arg7[%swap3A_194] {strides = array<i32>} : memref<8192xf32, #tpu.memory_space<vmem>>, vector<16xf32>,
      %swap3A_196 = vector.shape_cast %swap3A_195 : vector<16xf32> to vector<16xf32>
      %swap3A_197 = vector.shape_cast %max3A_191 : vector<16xf32> to vector<16xf32>
      tpu.vector_store %arg7[%swap3A_194], %swap3A_197 {strides = array<i32>} : memref<8192xf32, #tpu.memory_space<vmem>>, vector<16xf32>,
      %add3A_198 = arith.constant 64 : i32
      %add3A_199 = arith.addi %mul3A_141, %add3A_198 : i32
      %get3A_200 = arith.index_cast %add3A_199 : i32 to index
      %get3A_201 = tpu.vector_load %arg7[%get3A_200] {strides = array<i32>} : memref<8192xf32, #tpu.memory_space<vmem>>, vector<16xf32>,
      %get3A_202 = vector.shape_cast %get3A_201 : vector<16xf32> to vector<16xf32>
      %max3A_203 = arith.maximumf %get3A_202, %while3A_150#4 : vector<16xf32>
      %add3A_204 = arith.constant 64 : i32
      %add3A_205 = arith.addi %mul3A_141, %add3A_204 : i32
      %swap3A_206 = arith.index_cast %add3A_205 : i32 to index
      %swap3A_207 = tpu.vector_load %arg7[%swap3A_206] {strides = array<i32>} : memref<8192xf32, #tpu.memory_space<vmem>>, vector<16xf32>,
      %swap3A_208 = vector.shape_cast %swap3A_207 : vector<16xf32> to vector<16xf32>
      %swap3A_209 = vector.shape_cast %max3A_203 : vector<16xf32> to vector<16xf32>
      tpu.vector_store %arg7[%swap3A_206], %swap3A_209 {strides = array<i32>} : memref<8192xf32, #tpu.memory_space<vmem>>, vector<16xf32>,
      %add3A_210 = arith.constant 80 : i32
      %add3A_211 = arith.addi %mul3A_141, %add3A_210 : i32
      %get3A_212 = arith.index_cast %add3A_211 : i32 to index
      %get3A_213 = tpu.vector_load %arg7[%get3A_212] {strides = array<i32>} : memref<8192xf32, #tpu.memory_space<vmem>>, vector<16xf32>,
      %get3A_214 = vector.shape_cast %get3A_213 : vector<16xf32> to vector<16xf32>
      %max3A_215 = arith.maximumf %get3A_214, %while3A_150#5 : vector<16xf32>
      %add3A_216 = arith.constant 80 : i32
      %add3A_217 = arith.addi %mul3A_141, %add3A_216 : i32
      %swap3A_218 = arith.index_cast %add3A_217 : i32 to index
      %swap3A_219 = tpu.vector_load %arg7[%swap3A_218] {strides = array<i32>} : memref<8192xf32, #tpu.memory_space<vmem>>, vector<16xf32>,
      %swap3A_220 = vector.shape_cast %swap3A_219 : vector<16xf32> to vector<16xf32>
      %swap3A_221 = vector.shape_cast %max3A_215 : vector<16xf32> to vector<16xf32>
      tpu.vector_store %arg7[%swap3A_218], %swap3A_221 {strides = array<i32>} : memref<8192xf32, #tpu.memory_space<vmem>>, vector<16xf32>,
      %add3A_222 = arith.constant 96 : i32
      %add3A_223 = arith.addi %mul3A_141, %add3A_222 : i32
      %get3A_224 = arith.index_cast %add3A_223 : i32 to index
      %get3A_225 = tpu.vector_load %arg7[%get3A_224] {strides = array<i32>} : memref<8192xf32, #tpu.memory_space<vmem>>, vector<16xf32>,
      %get3A_226 = vector.shape_cast %get3A_225 : vector<16xf32> to vector<16xf32>
      %max3A_227 = arith.maximumf %get3A_226, %while3A_150#6 : vector<16xf32>
      %add3A_228 = arith.constant 96 : i32
      %add3A_229 = arith.addi %mul3A_141, %add3A_228 : i32
      %swap3A_230 = arith.index_cast %add3A_229 : i32 to index
      %swap3A_231 = tpu.vector_load %arg7[%swap3A_230] {strides = array<i32>} : memref<8192xf32, #tpu.memory_space<vmem>>, vector<16xf32>,
      %swap3A_232 = vector.shape_cast %swap3A_231 : vector<16xf32> to vector<16xf32>
      %swap3A_233 = vector.shape_cast %max3A_227 : vector<16xf32> to vector<16xf32>
      tpu.vector_store %arg7[%swap3A_230], %swap3A_233 {strides = array<i32>} : memref<8192xf32, #tpu.memory_space<vmem>>, vector<16xf32>,
      %add3A_234 = arith.constant 112 : i32
      %add3A_235 = arith.addi %mul3A_141, %add3A_234 : i32
      %get3A_236 = arith.index_cast %add3A_235 : i32 to index
      %get3A_237 = tpu.vector_load %arg7[%get3A_236] {strides = array<i32>} : memref<8192xf32, #tpu.memory_space<vmem>>, vector<16xf32>,
      %get3A_238 = vector.shape_cast %get3A_237 : vector<16xf32> to vector<16xf32>
      %max3A_239 = arith.maximumf %get3A_238, %while3A_150#7 : vector<16xf32>
      %add3A_240 = arith.constant 112 : i32
      %add3A_241 = arith.addi %mul3A_141, %add3A_240 : i32
      %swap3A_242 = arith.index_cast %add3A_241 : i32 to index
      %swap3A_243 = tpu.vector_load %arg7[%swap3A_242] {strides = array<i32>} : memref<8192xf32, #tpu.memory_space<vmem>>, vector<16xf32>,
      %swap3A_244 = vector.shape_cast %swap3A_243 : vector<16xf32> to vector<16xf32>
      %swap3A_245 = vector.shape_cast %max3A_239 : vector<16xf32> to vector<16xf32>
      tpu.vector_store %arg7[%swap3A_242], %swap3A_245 {strides = array<i32>} : memref<8192xf32, #tpu.memory_space<vmem>>, vector<16xf32>,
      %add3A_246 = arith.constant 128 : i32
      %add3A_247 = arith.addi %mul3A_141, %add3A_246 : i32
      %get3A_248 = arith.index_cast %add3A_247 : i32 to index
      %get3A_249 = tpu.vector_load %arg7[%get3A_248] {strides = array<i32>} : memref<8192xf32, #tpu.memory_space<vmem>>, vector<16xf32>,
      %get3A_250 = vector.shape_cast %get3A_249 : vector<16xf32> to vector<16xf32>
      %max3A_251 = arith.maximumf %get3A_250, %while3A_150#8 : vector<16xf32>
      %add3A_252 = arith.constant 128 : i32
      %add3A_253 = arith.addi %mul3A_141, %add3A_252 : i32
      %swap3A_254 = arith.index_cast %add3A_253 : i32 to index
      %swap3A_255 = tpu.vector_load %arg7[%swap3A_254] {strides = array<i32>} : memref<8192xf32, #tpu.memory_space<vmem>>, vector<16xf32>,
      %swap3A_256 = vector.shape_cast %swap3A_255 : vector<16xf32> to vector<16xf32>
      %swap3A_257 = vector.shape_cast %max3A_251 : vector<16xf32> to vector<16xf32>
      tpu.vector_store %arg7[%swap3A_254], %swap3A_257 {strides = array<i32>} : memref<8192xf32, #tpu.memory_space<vmem>>, vector<16xf32>,
      %add3A_258 = arith.constant 144 : i32
      %add3A_259 = arith.addi %mul3A_141, %add3A_258 : i32
      %get3A_260 = arith.index_cast %add3A_259 : i32 to index
      %get3A_261 = tpu.vector_load %arg7[%get3A_260] {strides = array<i32>} : memref<8192xf32, #tpu.memory_space<vmem>>, vector<16xf32>,
      %get3A_262 = vector.shape_cast %get3A_261 : vector<16xf32> to vector<16xf32>
      %max3A_263 = arith.maximumf %get3A_262, %while3A_150#9 : vector<16xf32>
      %add3A_264 = arith.constant 144 : i32
      %add3A_265 = arith.addi %mul3A_141, %add3A_264 : i32
      %swap3A_266 = arith.index_cast %add3A_265 : i32 to index
      %swap3A_267 = tpu.vector_load %arg7[%swap3A_266] {strides = array<i32>} : memref<8192xf32, #tpu.memory_space<vmem>>, vector<16xf32>,
      %swap3A_268 = vector.shape_cast %swap3A_267 : vector<16xf32> to vector<16xf32>
      %swap3A_269 = vector.shape_cast %max3A_263 : vector<16xf32> to vector<16xf32>
      tpu.vector_store %arg7[%swap3A_266], %swap3A_269 {strides = array<i32>} : memref<8192xf32, #tpu.memory_space<vmem>>, vector<16xf32>,
      %add3A_270 = arith.constant 160 : i32
      %add3A_271 = arith.addi %mul3A_141, %add3A_270 : i32
      %get3A_272 = arith.index_cast %add3A_271 : i32 to index
      %get3A_273 = tpu.vector_load %arg7[%get3A_272] {strides = array<i32>} : memref<8192xf32, #tpu.memory_space<vmem>>, vector<16xf32>,
      %get3A_274 = vector.shape_cast %get3A_273 : vector<16xf32> to vector<16xf32>
      %max3A_275 = arith.maximumf %get3A_274, %while3A_150#10 : vector<16xf32>
      %add3A_276 = arith.constant 160 : i32
      %add3A_277 = arith.addi %mul3A_141, %add3A_276 : i32
      %swap3A_278 = arith.index_cast %add3A_277 : i32 to index
      %swap3A_279 = tpu.vector_load %arg7[%swap3A_278] {strides = array<i32>} : memref<8192xf32, #tpu.memory_space<vmem>>, vector<16xf32>,
      %swap3A_280 = vector.shape_cast %swap3A_279 : vector<16xf32> to vector<16xf32>
      %swap3A_281 = vector.shape_cast %max3A_275 : vector<16xf32> to vector<16xf32>
      tpu.vector_store %arg7[%swap3A_278], %swap3A_281 {strides = array<i32>} : memref<8192xf32, #tpu.memory_space<vmem>>, vector<16xf32>,
      %add3A_282 = arith.constant 176 : i32
      %add3A_283 = arith.addi %mul3A_141, %add3A_282 : i32
      %get3A_284 = arith.index_cast %add3A_283 : i32 to index
      %get3A_285 = tpu.vector_load %arg7[%get3A_284] {strides = array<i32>} : memref<8192xf32, #tpu.memory_space<vmem>>, vector<16xf32>,
      %get3A_286 = vector.shape_cast %get3A_285 : vector<16xf32> to vector<16xf32>
      %max3A_287 = arith.maximumf %get3A_286, %while3A_150#11 : vector<16xf32>
      %add3A_288 = arith.constant 176 : i32
      %add3A_289 = arith.addi %mul3A_141, %add3A_288 : i32
      %swap3A_290 = arith.index_cast %add3A_289 : i32 to index
      %swap3A_291 = tpu.vector_load %arg7[%swap3A_290] {strides = array<i32>} : memref<8192xf32, #tpu.memory_space<vmem>>, vector<16xf32>,
      %swap3A_292 = vector.shape_cast %swap3A_291 : vector<16xf32> to vector<16xf32>
      %swap3A_293 = vector.shape_cast %max3A_287 : vector<16xf32> to vector<16xf32>
      tpu.vector_store %arg7[%swap3A_290], %swap3A_293 {strides = array<i32>} : memref<8192xf32, #tpu.memory_space<vmem>>, vector<16xf32>,
      %add3A_294 = arith.constant 192 : i32
      %add3A_295 = arith.addi %mul3A_141, %add3A_294 : i32
      %get3A_296 = arith.index_cast %add3A_295 : i32 to index
      %get3A_297 = tpu.vector_load %arg7[%get3A_296] {strides = array<i32>} : memref<8192xf32, #tpu.memory_space<vmem>>, vector<16xf32>,
      %get3A_298 = vector.shape_cast %get3A_297 : vector<16xf32> to vector<16xf32>
      %max3A_299 = arith.maximumf %get3A_298, %while3A_150#12 : vector<16xf32>
      %add3A_300 = arith.constant 192 : i32
      %add3A_301 = arith.addi %mul3A_141, %add3A_300 : i32
      %swap3A_302 = arith.index_cast %add3A_301 : i32 to index
      %swap3A_303 = tpu.vector_load %arg7[%swap3A_302] {strides = array<i32>} : memref<8192xf32, #tpu.memory_space<vmem>>, vector<16xf32>,
      %swap3A_304 = vector.shape_cast %swap3A_303 : vector<16xf32> to vector<16xf32>
      %swap3A_305 = vector.shape_cast %max3A_299 : vector<16xf32> to vector<16xf32>
      tpu.vector_store %arg7[%swap3A_302], %swap3A_305 {strides = array<i32>} : memref<8192xf32, #tpu.memory_space<vmem>>, vector<16xf32>,
      %add3A_306 = arith.constant 208 : i32
      %add3A_307 = arith.addi %mul3A_141, %add3A_306 : i32
      %get3A_308 = arith.index_cast %add3A_307 : i32 to index
      %get3A_309 = tpu.vector_load %arg7[%get3A_308] {strides = array<i32>} : memref<8192xf32, #tpu.memory_space<vmem>>, vector<16xf32>,
      %get3A_310 = vector.shape_cast %get3A_309 : vector<16xf32> to vector<16xf32>
      %max3A_311 = arith.maximumf %get3A_310, %while3A_150#13 : vector<16xf32>
      %add3A_312 = arith.constant 208 : i32
      %add3A_313 = arith.addi %mul3A_141, %add3A_312 : i32
      %swap3A_314 = arith.index_cast %add3A_313 : i32 to index
      %swap3A_315 = tpu.vector_load %arg7[%swap3A_314] {strides = array<i32>} : memref<8192xf32, #tpu.memory_space<vmem>>, vector<16xf32>,
      %swap3A_316 = vector.shape_cast %swap3A_315 : vector<16xf32> to vector<16xf32>
      %swap3A_317 = vector.shape_cast %max3A_311 : vector<16xf32> to vector<16xf32>
      tpu.vector_store %arg7[%swap3A_314], %swap3A_317 {strides = array<i32>} : memref<8192xf32, #tpu.memory_space<vmem>>, vector<16xf32>,
      %add3A_318 = arith.constant 224 : i32
      %add3A_319 = arith.addi %mul3A_141, %add3A_318 : i32
      %get3A_320 = arith.index_cast %add3A_319 : i32 to index
      %get3A_321 = tpu.vector_load %arg7[%get3A_320] {strides = array<i32>} : memref<8192xf32, #tpu.memory_space<vmem>>, vector<16xf32>,
      %get3A_322 = vector.shape_cast %get3A_321 : vector<16xf32> to vector<16xf32>
      %max3A_323 = arith.maximumf %get3A_322, %while3A_150#14 : vector<16xf32>
      %add3A_324 = arith.constant 224 : i32
      %add3A_325 = arith.addi %mul3A_141, %add3A_324 : i32
      %swap3A_326 = arith.index_cast %add3A_325 : i32 to index
      %swap3A_327 = tpu.vector_load %arg7[%swap3A_326] {strides = array<i32>} : memref<8192xf32, #tpu.memory_space<vmem>>, vector<16xf32>,
      %swap3A_328 = vector.shape_cast %swap3A_327 : vector<16xf32> to vector<16xf32>
      %swap3A_329 = vector.shape_cast %max3A_323 : vector<16xf32> to vector<16xf32>
      tpu.vector_store %arg7[%swap3A_326], %swap3A_329 {strides = array<i32>} : memref<8192xf32, #tpu.memory_space<vmem>>, vector<16xf32>,
      %add3A_330 = arith.constant 240 : i32
      %add3A_331 = arith.addi %mul3A_141, %add3A_330 : i32
      %get3A_332 = arith.index_cast %add3A_331 : i32 to index
      %get3A_333 = tpu.vector_load %arg7[%get3A_332] {strides = array<i32>} : memref<8192xf32, #tpu.memory_space<vmem>>, vector<16xf32>,
      %get3A_334 = vector.shape_cast %get3A_333 : vector<16xf32> to vector<16xf32>
      %max3A_335 = arith.maximumf %get3A_334, %while3A_150#15 : vector<16xf32>
      %add3A_336 = arith.constant 240 : i32
      %add3A_337 = arith.addi %mul3A_141, %add3A_336 : i32
      %swap3A_338 = arith.index_cast %add3A_337 : i32 to index
      %swap3A_339 = tpu.vector_load %arg7[%swap3A_338] {strides = array<i32>} : memref<8192xf32, #tpu.memory_space<vmem>>, vector<16xf32>,
      %swap3A_340 = vector.shape_cast %swap3A_339 : vector<16xf32> to vector<16xf32>
      %swap3A_341 = vector.shape_cast %max3A_335 : vector<16xf32> to vector<16xf32>
      tpu.vector_store %arg7[%swap3A_338], %swap3A_341 {strides = array<i32>} : memref<8192xf32, #tpu.memory_space<vmem>>, vector<16xf32>,
    }
    %scan3A_90 = arith.constant 31 : i32
    %add3A_91 = arith.constant 384 : i32
    %add3A_92 = arith.addi %mul3A_32, %add3A_91 : i32
    %dma_start3A_93 = arith.constant 0 : i32
    %dma_start3A_94 = tpu.memref_slice %arg3[%select_n3A, %add3A_92, %dma_start3A_93] : memref<8x2048x256xf32, #tpu.memory_space<hbm>> -> memref<1x128x256xf32, #tpu.memory_space<hbm>>
    %dma_start3A_95 = tpu.memref_squeeze %dma_start3A_94 : memref<1x128x256xf32, #tpu.memory_space<hbm>> -> memref<128x256xf32, #tpu.memory_space<hbm>>
    %dma_start3A_96 = arith.constant 0 : i32
    %dma_start3A_97 = tpu.memref_slice %arg3[%select_n3A, %add3A_92, %dma_start3A_96] : memref<8x2048x256xf32, #tpu.memory_space<hbm>> -> memref<1x128x256xf32, #tpu.memory_space<hbm>>
    %dma_start3A_98 = tpu.memref_squeeze %dma_start3A_97 : memref<1x128x256xf32, #tpu.memory_space<hbm>> -> memref<128x256xf32, #tpu.memory_space<hbm>>
    tpu.enqueue_dma source(%dma_start3A_98 : memref<128x256xf32, #tpu.memory_space<hbm>>) target(%arg6 : memref<128x256xf32, #tpu.memory_space<vmem>>) target_semaphore(%arg10 : memref<!tpu.dma_semaphore, #tpu.memory_space<semaphore_mem>>)
    %dma_wait3A_99 = arith.constant 0 : i32
    %dma_wait3A_100 = tpu.memref_slice %arg3[%select_n3A, %add3A_68, %dma_wait3A_99] : memref<8x2048x256xf32, #tpu.memory_space<hbm>> -> memref<1x128x256xf32, #tpu.memory_space<hbm>>
    %dma_wait3A_101 = tpu.memref_squeeze %dma_wait3A_100 : memref<1x128x256xf32, #tpu.memory_space<hbm>> -> memref<128x256xf32, #tpu.memory_space<hbm>>
    %dma_wait3A_102 = arith.constant 0 : i32
    %dma_wait3A_103 = tpu.memref_slice %arg3[%select_n3A, %add3A_68, %dma_wait3A_102] : memref<8x2048x256xf32, #tpu.memory_space<hbm>> -> memref<1x128x256xf32, #tpu.memory_space<hbm>>
    %dma_wait3A_104 = tpu.memref_squeeze %dma_wait3A_103 : memref<1x128x256xf32, #tpu.memory_space<hbm>> -> memref<128x256xf32, #tpu.memory_space<hbm>>
    tpu.wait_dma2 semaphore(%arg9 : memref<!tpu.dma_semaphore, #tpu.memory_space<semaphore_mem>>) src(%dma_wait3A_104 : memref<128x256xf32, #tpu.memory_space<hbm>>) dst(%arg5 : memref<128x256xf32, #tpu.memory_space<vmem>>)
    %add3A_105 = arith.constant 256 : i32
    %add3A_106 = arith.addi %mul3A_32, %add3A_105 : i32
    %scan3A_107 = arith.constant 0 : i32
    %scan3A_108 = arith.constant 0 : i32
    %scan3A_109 = arith.constant 128 : i32
    %scan3A_110 = arith.constant 0 : i32
    %scan3A_111 = arith.constant 31 : i32
    %scan3A_112 = arith.addi %scan3A_110, %scan3A_111 : i32
    %scan3A_113 = arith.constant 1 : i32
    scf.for %scan3A_131 = %scan3A_110 to %scan3A_112 step %scan3A_113  : i32 {
      %get3A = arith.index_cast %scan3A_131 : i32 to index
      %get3A_132 = tpu.vector_load %arg8[%get3A] {strides = array<i32>} : memref<48xi32, #tpu.memory_space<vmem>>, vector<16xi32>,
      %get3A_133 = vector.shape_cast %get3A_132 : vector<16xi32> to vector<16xi32>
      %slice3A = vector.extract_strided_slice %get3A_133 {offsets = [0], sizes = [1], strides = [1]} : vector<16xi32> to vector<1xi32>
      %squeeze3A = vector.extract %slice3A[0] : i32 from vector<1xi32>
      %sub3A_134 = arith.subi %squeeze3A, %add3A_106 : i32
      %max3A = arith.maxsi %scan3A_108, %sub3A_134 : i32
      %min3A = arith.minsi %scan3A_109, %max3A : i32
      %slice3A_135 = vector.extract_strided_slice %get3A_133 {offsets = [1], sizes = [1], strides = [1]} : vector<16xi32> to vector<1xi32>
      %squeeze3A_136 = vector.extract %slice3A_135[0] : i32 from vector<1xi32>
      %sub3A_137 = arith.subi %squeeze3A_136, %add3A_106 : i32
      %max3A_138 = arith.maxsi %scan3A_108, %sub3A_137 : i32
      %min3A_139 = arith.minsi %scan3A_109, %max3A_138 : i32
      %mul3A_140 = arith.constant 256 : i32
      %mul3A_141 = arith.muli %scan3A_131, %mul3A_140 : i32
      %while3A = arith.subi %min3A_139, %min3A : i32
      %while3A_142 = arith.addi %min3A, %while3A : i32
      %while3A_143 = arith.constant 1 : i32
      %while3A_144 = arith.divsi %while3A, %while3A_143 : i32
      %while3A_145 = arith.muli %while3A_144, %while3A_143 : i32
      %while3A_146 = arith.addi %min3A, %while3A_145 : i32
      %while3A_147 = arith.constant 1 : i32
      %while3A_148:16 = scf.for %while3A_342 = %min3A to %while3A_146 step %while3A_147 iter_args(%while3A_343 = %broadcast_in_dim3A_33, %while3A_344 = %broadcast_in_dim3A_33, %while3A_345 = %broadcast_in_dim3A_33, %while3A_346 = %broadcast_in_dim3A_33, %while3A_347 = %broadcast_in_dim3A_33, %while3A_348 = %broadcast_in_dim3A_33, %while3A_349 = %broadcast_in_dim3A_33, %while3A_350 = %broadcast_in_dim3A_33, %while3A_351 = %broadcast_in_dim3A_33, %while3A_352 = %broadcast_in_dim3A_33, %while3A_353 = %broadcast_in_dim3A_33, %while3A_354 = %broadcast_in_dim3A_33, %while3A_355 = %broadcast_in_dim3A_33, %while3A_356 = %broadcast_in_dim3A_33, %while3A_357 = %broadcast_in_dim3A_33, %while3A_358 = %broadcast_in_dim3A_33) -> (vector<16xf32>, vector<16xf32>, vector<16xf32>, vector<16xf32>, vector<16xf32>, vector<16xf32>, vector<16xf32>, vector<16xf32>, vector<16xf32>, vector<16xf32>, vector<16xf32>, vector<16xf32>, vector<16xf32>, vector<16xf32>, vector<16xf32>, vector<16xf32>)  : i32 {
        %get3A_359 = arith.index_cast %while3A_342 : i32 to index
        %get3A_360 = arith.constant 0 : index
        %get3A_361 = tpu.vector_load %arg5[%get3A_359, %get3A_360] {strides = array<i32>} : memref<128x256xf32, #tpu.memory_space<vmem>>, vector<1x16xf32>,
        %get3A_362 = vector.shape_cast %get3A_361 : vector<1x16xf32> to vector<16xf32>
        %max3A_363 = arith.maximumf %while3A_343, %get3A_362 : vector<16xf32>
        %get3A_364 = arith.index_cast %while3A_342 : i32 to index
        %get3A_365 = arith.constant 16 : index
        %get3A_366 = tpu.vector_load %arg5[%get3A_364, %get3A_365] {strides = array<i32>} : memref<128x256xf32, #tpu.memory_space<vmem>>, vector<1x16xf32>,
        %get3A_367 = vector.shape_cast %get3A_366 : vector<1x16xf32> to vector<16xf32>
        %max3A_368 = arith.maximumf %while3A_344, %get3A_367 : vector<16xf32>
        %get3A_369 = arith.index_cast %while3A_342 : i32 to index
        %get3A_370 = arith.constant 32 : index
        %get3A_371 = tpu.vector_load %arg5[%get3A_369, %get3A_370] {strides = array<i32>} : memref<128x256xf32, #tpu.memory_space<vmem>>, vector<1x16xf32>,
        %get3A_372 = vector.shape_cast %get3A_371 : vector<1x16xf32> to vector<16xf32>
        %max3A_373 = arith.maximumf %while3A_345, %get3A_372 : vector<16xf32>
        %get3A_374 = arith.index_cast %while3A_342 : i32 to index
        %get3A_375 = arith.constant 48 : index
        %get3A_376 = tpu.vector_load %arg5[%get3A_374, %get3A_375] {strides = array<i32>} : memref<128x256xf32, #tpu.memory_space<vmem>>, vector<1x16xf32>,
        %get3A_377 = vector.shape_cast %get3A_376 : vector<1x16xf32> to vector<16xf32>
        %max3A_378 = arith.maximumf %while3A_346, %get3A_377 : vector<16xf32>
        %get3A_379 = arith.index_cast %while3A_342 : i32 to index
        %get3A_380 = arith.constant 64 : index
        %get3A_381 = tpu.vector_load %arg5[%get3A_379, %get3A_380] {strides = array<i32>} : memref<128x256xf32, #tpu.memory_space<vmem>>, vector<1x16xf32>,
        %get3A_382 = vector.shape_cast %get3A_381 : vector<1x16xf32> to vector<16xf32>
        %max3A_383 = arith.maximumf %while3A_347, %get3A_382 : vector<16xf32>
        %get3A_384 = arith.index_cast %while3A_342 : i32 to index
        %get3A_385 = arith.constant 80 : index
        %get3A_386 = tpu.vector_load %arg5[%get3A_384, %get3A_385] {strides = array<i32>} : memref<128x256xf32, #tpu.memory_space<vmem>>, vector<1x16xf32>,
        %get3A_387 = vector.shape_cast %get3A_386 : vector<1x16xf32> to vector<16xf32>
        %max3A_388 = arith.maximumf %while3A_348, %get3A_387 : vector<16xf32>
        %get3A_389 = arith.index_cast %while3A_342 : i32 to index
        %get3A_390 = arith.constant 96 : index
        %get3A_391 = tpu.vector_load %arg5[%get3A_389, %get3A_390] {strides = array<i32>} : memref<128x256xf32, #tpu.memory_space<vmem>>, vector<1x16xf32>,
        %get3A_392 = vector.shape_cast %get3A_391 : vector<1x16xf32> to vector<16xf32>
        %max3A_393 = arith.maximumf %while3A_349, %get3A_392 : vector<16xf32>
        %get3A_394 = arith.index_cast %while3A_342 : i32 to index
        %get3A_395 = arith.constant 112 : index
        %get3A_396 = tpu.vector_load %arg5[%get3A_394, %get3A_395] {strides = array<i32>} : memref<128x256xf32, #tpu.memory_space<vmem>>, vector<1x16xf32>,
        %get3A_397 = vector.shape_cast %get3A_396 : vector<1x16xf32> to vector<16xf32>
        %max3A_398 = arith.maximumf %while3A_350, %get3A_397 : vector<16xf32>
        %get3A_399 = arith.index_cast %while3A_342 : i32 to index
        %get3A_400 = arith.constant 128 : index
        %get3A_401 = tpu.vector_load %arg5[%get3A_399, %get3A_400] {strides = array<i32>} : memref<128x256xf32, #tpu.memory_space<vmem>>, vector<1x16xf32>,
        %get3A_402 = vector.shape_cast %get3A_401 : vector<1x16xf32> to vector<16xf32>
        %max3A_403 = arith.maximumf %while3A_351, %get3A_402 : vector<16xf32>
        %get3A_404 = arith.index_cast %while3A_342 : i32 to index
        %get3A_405 = arith.constant 144 : index
        %get3A_406 = tpu.vector_load %arg5[%get3A_404, %get3A_405] {strides = array<i32>} : memref<128x256xf32, #tpu.memory_space<vmem>>, vector<1x16xf32>,
        %get3A_407 = vector.shape_cast %get3A_406 : vector<1x16xf32> to vector<16xf32>
        %max3A_408 = arith.maximumf %while3A_352, %get3A_407 : vector<16xf32>
        %get3A_409 = arith.index_cast %while3A_342 : i32 to index
        %get3A_410 = arith.constant 160 : index
        %get3A_411 = tpu.vector_load %arg5[%get3A_409, %get3A_410] {strides = array<i32>} : memref<128x256xf32, #tpu.memory_space<vmem>>, vector<1x16xf32>,
        %get3A_412 = vector.shape_cast %get3A_411 : vector<1x16xf32> to vector<16xf32>
        %max3A_413 = arith.maximumf %while3A_353, %get3A_412 : vector<16xf32>
        %get3A_414 = arith.index_cast %while3A_342 : i32 to index
        %get3A_415 = arith.constant 176 : index
        %get3A_416 = tpu.vector_load %arg5[%get3A_414, %get3A_415] {strides = array<i32>} : memref<128x256xf32, #tpu.memory_space<vmem>>, vector<1x16xf32>,
        %get3A_417 = vector.shape_cast %get3A_416 : vector<1x16xf32> to vector<16xf32>
        %max3A_418 = arith.maximumf %while3A_354, %get3A_417 : vector<16xf32>
        %get3A_419 = arith.index_cast %while3A_342 : i32 to index
        %get3A_420 = arith.constant 192 : index
        %get3A_421 = tpu.vector_load %arg5[%get3A_419, %get3A_420] {strides = array<i32>} : memref<128x256xf32, #tpu.memory_space<vmem>>, vector<1x16xf32>,
        %get3A_422 = vector.shape_cast %get3A_421 : vector<1x16xf32> to vector<16xf32>
        %max3A_423 = arith.maximumf %while3A_355, %get3A_422 : vector<16xf32>
        %get3A_424 = arith.index_cast %while3A_342 : i32 to index
        %get3A_425 = arith.constant 208 : index
        %get3A_426 = tpu.vector_load %arg5[%get3A_424, %get3A_425] {strides = array<i32>} : memref<128x256xf32, #tpu.memory_space<vmem>>, vector<1x16xf32>,
        %get3A_427 = vector.shape_cast %get3A_426 : vector<1x16xf32> to vector<16xf32>
        %max3A_428 = arith.maximumf %while3A_356, %get3A_427 : vector<16xf32>
        %get3A_429 = arith.index_cast %while3A_342 : i32 to index
        %get3A_430 = arith.constant 224 : index
        %get3A_431 = tpu.vector_load %arg5[%get3A_429, %get3A_430] {strides = array<i32>} : memref<128x256xf32, #tpu.memory_space<vmem>>, vector<1x16xf32>,
        %get3A_432 = vector.shape_cast %get3A_431 : vector<1x16xf32> to vector<16xf32>
        %max3A_433 = arith.maximumf %while3A_357, %get3A_432 : vector<16xf32>
        %get3A_434 = arith.index_cast %while3A_342 : i32 to index
        %get3A_435 = arith.constant 240 : index
        %get3A_436 = tpu.vector_load %arg5[%get3A_434, %get3A_435] {strides = array<i32>} : memref<128x256xf32, #tpu.memory_space<vmem>>, vector<1x16xf32>,
        %get3A_437 = vector.shape_cast %get3A_436 : vector<1x16xf32> to vector<16xf32>
        %max3A_438 = arith.maximumf %while3A_358, %get3A_437 : vector<16xf32>
        scf.yield %max3A_363, %max3A_368, %max3A_373, %max3A_378, %max3A_383, %max3A_388, %max3A_393, %max3A_398, %max3A_403, %max3A_408, %max3A_413, %max3A_418, %max3A_423, %max3A_428, %max3A_433, %max3A_438 : vector<16xf32>, vector<16xf32>, vector<16xf32>, vector<16xf32>, vector<16xf32>, vector<16xf32>, vector<16xf32>, vector<16xf32>, vector<16xf32>, vector<16xf32>, vector<16xf32>, vector<16xf32>, vector<16xf32>, vector<16xf32>, vector<16xf32>, vector<16xf32>
      }
      %while3A_149 = arith.constant 1 : i32
      %while3A_150:16 = scf.for %while3A_342 = %while3A_146 to %while3A_142 step %while3A_149 iter_args(%while3A_343 = %while3A_148#0, %while3A_344 = %while3A_148#1, %while3A_345 = %while3A_148#2, %while3A_346 = %while3A_148#3, %while3A_347 = %while3A_148#4, %while3A_348 = %while3A_148#5, %while3A_349 = %while3A_148#6, %while3A_350 = %while3A_148#7, %while3A_351 = %while3A_148#8, %while3A_352 = %while3A_148#9, %while3A_353 = %while3A_148#10, %while3A_354 = %while3A_148#11, %while3A_355 = %while3A_148#12, %while3A_356 = %while3A_148#13, %while3A_357 = %while3A_148#14, %while3A_358 = %while3A_148#15) -> (vector<16xf32>, vector<16xf32>, vector<16xf32>, vector<16xf32>, vector<16xf32>, vector<16xf32>, vector<16xf32>, vector<16xf32>, vector<16xf32>, vector<16xf32>, vector<16xf32>, vector<16xf32>, vector<16xf32>, vector<16xf32>, vector<16xf32>, vector<16xf32>)  : i32 {
        %get3A_359 = arith.index_cast %while3A_342 : i32 to index
        %get3A_360 = arith.constant 0 : index
        %get3A_361 = tpu.vector_load %arg5[%get3A_359, %get3A_360] {strides = array<i32>} : memref<128x256xf32, #tpu.memory_space<vmem>>, vector<1x16xf32>,
        %get3A_362 = vector.shape_cast %get3A_361 : vector<1x16xf32> to vector<16xf32>
        %max3A_363 = arith.maximumf %while3A_343, %get3A_362 : vector<16xf32>
        %get3A_364 = arith.index_cast %while3A_342 : i32 to index
        %get3A_365 = arith.constant 16 : index
        %get3A_366 = tpu.vector_load %arg5[%get3A_364, %get3A_365] {strides = array<i32>} : memref<128x256xf32, #tpu.memory_space<vmem>>, vector<1x16xf32>,
        %get3A_367 = vector.shape_cast %get3A_366 : vector<1x16xf32> to vector<16xf32>
        %max3A_368 = arith.maximumf %while3A_344, %get3A_367 : vector<16xf32>
        %get3A_369 = arith.index_cast %while3A_342 : i32 to index
        %get3A_370 = arith.constant 32 : index
        %get3A_371 = tpu.vector_load %arg5[%get3A_369, %get3A_370] {strides = array<i32>} : memref<128x256xf32, #tpu.memory_space<vmem>>, vector<1x16xf32>,
        %get3A_372 = vector.shape_cast %get3A_371 : vector<1x16xf32> to vector<16xf32>
        %max3A_373 = arith.maximumf %while3A_345, %get3A_372 : vector<16xf32>
        %get3A_374 = arith.index_cast %while3A_342 : i32 to index
        %get3A_375 = arith.constant 48 : index
        %get3A_376 = tpu.vector_load %arg5[%get3A_374, %get3A_375] {strides = array<i32>} : memref<128x256xf32, #tpu.memory_space<vmem>>, vector<1x16xf32>,
        %get3A_377 = vector.shape_cast %get3A_376 : vector<1x16xf32> to vector<16xf32>
        %max3A_378 = arith.maximumf %while3A_346, %get3A_377 : vector<16xf32>
        %get3A_379 = arith.index_cast %while3A_342 : i32 to index
        %get3A_380 = arith.constant 64 : index
        %get3A_381 = tpu.vector_load %arg5[%get3A_379, %get3A_380] {strides = array<i32>} : memref<128x256xf32, #tpu.memory_space<vmem>>, vector<1x16xf32>,
        %get3A_382 = vector.shape_cast %get3A_381 : vector<1x16xf32> to vector<16xf32>
        %max3A_383 = arith.maximumf %while3A_347, %get3A_382 : vector<16xf32>
        %get3A_384 = arith.index_cast %while3A_342 : i32 to index
        %get3A_385 = arith.constant 80 : index
        %get3A_386 = tpu.vector_load %arg5[%get3A_384, %get3A_385] {strides = array<i32>} : memref<128x256xf32, #tpu.memory_space<vmem>>, vector<1x16xf32>,
        %get3A_387 = vector.shape_cast %get3A_386 : vector<1x16xf32> to vector<16xf32>
        %max3A_388 = arith.maximumf %while3A_348, %get3A_387 : vector<16xf32>
        %get3A_389 = arith.index_cast %while3A_342 : i32 to index
        %get3A_390 = arith.constant 96 : index
        %get3A_391 = tpu.vector_load %arg5[%get3A_389, %get3A_390] {strides = array<i32>} : memref<128x256xf32, #tpu.memory_space<vmem>>, vector<1x16xf32>,
        %get3A_392 = vector.shape_cast %get3A_391 : vector<1x16xf32> to vector<16xf32>
        %max3A_393 = arith.maximumf %while3A_349, %get3A_392 : vector<16xf32>
        %get3A_394 = arith.index_cast %while3A_342 : i32 to index
        %get3A_395 = arith.constant 112 : index
        %get3A_396 = tpu.vector_load %arg5[%get3A_394, %get3A_395] {strides = array<i32>} : memref<128x256xf32, #tpu.memory_space<vmem>>, vector<1x16xf32>,
        %get3A_397 = vector.shape_cast %get3A_396 : vector<1x16xf32> to vector<16xf32>
        %max3A_398 = arith.maximumf %while3A_350, %get3A_397 : vector<16xf32>
        %get3A_399 = arith.index_cast %while3A_342 : i32 to index
        %get3A_400 = arith.constant 128 : index
        %get3A_401 = tpu.vector_load %arg5[%get3A_399, %get3A_400] {strides = array<i32>} : memref<128x256xf32, #tpu.memory_space<vmem>>, vector<1x16xf32>,
        %get3A_402 = vector.shape_cast %get3A_401 : vector<1x16xf32> to vector<16xf32>
        %max3A_403 = arith.maximumf %while3A_351, %get3A_402 : vector<16xf32>
        %get3A_404 = arith.index_cast %while3A_342 : i32 to index
        %get3A_405 = arith.constant 144 : index
        %get3A_406 = tpu.vector_load %arg5[%get3A_404, %get3A_405] {strides = array<i32>} : memref<128x256xf32, #tpu.memory_space<vmem>>, vector<1x16xf32>,
        %get3A_407 = vector.shape_cast %get3A_406 : vector<1x16xf32> to vector<16xf32>
        %max3A_408 = arith.maximumf %while3A_352, %get3A_407 : vector<16xf32>
        %get3A_409 = arith.index_cast %while3A_342 : i32 to index
        %get3A_410 = arith.constant 160 : index
        %get3A_411 = tpu.vector_load %arg5[%get3A_409, %get3A_410] {strides = array<i32>} : memref<128x256xf32, #tpu.memory_space<vmem>>, vector<1x16xf32>,
        %get3A_412 = vector.shape_cast %get3A_411 : vector<1x16xf32> to vector<16xf32>
        %max3A_413 = arith.maximumf %while3A_353, %get3A_412 : vector<16xf32>
        %get3A_414 = arith.index_cast %while3A_342 : i32 to index
        %get3A_415 = arith.constant 176 : index
        %get3A_416 = tpu.vector_load %arg5[%get3A_414, %get3A_415] {strides = array<i32>} : memref<128x256xf32, #tpu.memory_space<vmem>>, vector<1x16xf32>,
        %get3A_417 = vector.shape_cast %get3A_416 : vector<1x16xf32> to vector<16xf32>
        %max3A_418 = arith.maximumf %while3A_354, %get3A_417 : vector<16xf32>
        %get3A_419 = arith.index_cast %while3A_342 : i32 to index
        %get3A_420 = arith.constant 192 : index
        %get3A_421 = tpu.vector_load %arg5[%get3A_419, %get3A_420] {strides = array<i32>} : memref<128x256xf32, #tpu.memory_space<vmem>>, vector<1x16xf32>,
        %get3A_422 = vector.shape_cast %get3A_421 : vector<1x16xf32> to vector<16xf32>
        %max3A_423 = arith.maximumf %while3A_355, %get3A_422 : vector<16xf32>
        %get3A_424 = arith.index_cast %while3A_342 : i32 to index
        %get3A_425 = arith.constant 208 : index
        %get3A_426 = tpu.vector_load %arg5[%get3A_424, %get3A_425] {strides = array<i32>} : memref<128x256xf32, #tpu.memory_space<vmem>>, vector<1x16xf32>,
        %get3A_427 = vector.shape_cast %get3A_426 : vector<1x16xf32> to vector<16xf32>
        %max3A_428 = arith.maximumf %while3A_356, %get3A_427 : vector<16xf32>
        %get3A_429 = arith.index_cast %while3A_342 : i32 to index
        %get3A_430 = arith.constant 224 : index
        %get3A_431 = tpu.vector_load %arg5[%get3A_429, %get3A_430] {strides = array<i32>} : memref<128x256xf32, #tpu.memory_space<vmem>>, vector<1x16xf32>,
        %get3A_432 = vector.shape_cast %get3A_431 : vector<1x16xf32> to vector<16xf32>
        %max3A_433 = arith.maximumf %while3A_357, %get3A_432 : vector<16xf32>
        %get3A_434 = arith.index_cast %while3A_342 : i32 to index
        %get3A_435 = arith.constant 240 : index
        %get3A_436 = tpu.vector_load %arg5[%get3A_434, %get3A_435] {strides = array<i32>} : memref<128x256xf32, #tpu.memory_space<vmem>>, vector<1x16xf32>,
        %get3A_437 = vector.shape_cast %get3A_436 : vector<1x16xf32> to vector<16xf32>
        %max3A_438 = arith.maximumf %while3A_358, %get3A_437 : vector<16xf32>
        scf.yield %max3A_363, %max3A_368, %max3A_373, %max3A_378, %max3A_383, %max3A_388, %max3A_393, %max3A_398, %max3A_403, %max3A_408, %max3A_413, %max3A_418, %max3A_423, %max3A_428, %max3A_433, %max3A_438 : vector<16xf32>, vector<16xf32>, vector<16xf32>, vector<16xf32>, vector<16xf32>, vector<16xf32>, vector<16xf32>, vector<16xf32>, vector<16xf32>, vector<16xf32>, vector<16xf32>, vector<16xf32>, vector<16xf32>, vector<16xf32>, vector<16xf32>, vector<16xf32>
      }
      %add3A_151 = arith.constant 0 : i32
      %add3A_152 = arith.addi %mul3A_141, %add3A_151 : i32
      %get3A_153 = arith.index_cast %add3A_152 : i32 to index
      %get3A_154 = tpu.vector_load %arg7[%get3A_153] {strides = array<i32>} : memref<8192xf32, #tpu.memory_space<vmem>>, vector<16xf32>,
      %get3A_155 = vector.shape_cast %get3A_154 : vector<16xf32> to vector<16xf32>
      %max3A_156 = arith.maximumf %get3A_155, %while3A_150#0 : vector<16xf32>
      %add3A_157 = arith.constant 0 : i32
      %add3A_158 = arith.addi %mul3A_141, %add3A_157 : i32
      %swap3A = arith.index_cast %add3A_158 : i32 to index
      %swap3A_159 = tpu.vector_load %arg7[%swap3A] {strides = array<i32>} : memref<8192xf32, #tpu.memory_space<vmem>>, vector<16xf32>,
      %swap3A_160 = vector.shape_cast %swap3A_159 : vector<16xf32> to vector<16xf32>
      %swap3A_161 = vector.shape_cast %max3A_156 : vector<16xf32> to vector<16xf32>
      tpu.vector_store %arg7[%swap3A], %swap3A_161 {strides = array<i32>} : memref<8192xf32, #tpu.memory_space<vmem>>, vector<16xf32>,
      %add3A_162 = arith.constant 16 : i32
      %add3A_163 = arith.addi %mul3A_141, %add3A_162 : i32
      %get3A_164 = arith.index_cast %add3A_163 : i32 to index
      %get3A_165 = tpu.vector_load %arg7[%get3A_164] {strides = array<i32>} : memref<8192xf32, #tpu.memory_space<vmem>>, vector<16xf32>,
      %get3A_166 = vector.shape_cast %get3A_165 : vector<16xf32> to vector<16xf32>
      %max3A_167 = arith.maximumf %get3A_166, %while3A_150#1 : vector<16xf32>
      %add3A_168 = arith.constant 16 : i32
      %add3A_169 = arith.addi %mul3A_141, %add3A_168 : i32
      %swap3A_170 = arith.index_cast %add3A_169 : i32 to index
      %swap3A_171 = tpu.vector_load %arg7[%swap3A_170] {strides = array<i32>} : memref<8192xf32, #tpu.memory_space<vmem>>, vector<16xf32>,
      %swap3A_172 = vector.shape_cast %swap3A_171 : vector<16xf32> to vector<16xf32>
      %swap3A_173 = vector.shape_cast %max3A_167 : vector<16xf32> to vector<16xf32>
      tpu.vector_store %arg7[%swap3A_170], %swap3A_173 {strides = array<i32>} : memref<8192xf32, #tpu.memory_space<vmem>>, vector<16xf32>,
      %add3A_174 = arith.constant 32 : i32
      %add3A_175 = arith.addi %mul3A_141, %add3A_174 : i32
      %get3A_176 = arith.index_cast %add3A_175 : i32 to index
      %get3A_177 = tpu.vector_load %arg7[%get3A_176] {strides = array<i32>} : memref<8192xf32, #tpu.memory_space<vmem>>, vector<16xf32>,
      %get3A_178 = vector.shape_cast %get3A_177 : vector<16xf32> to vector<16xf32>
      %max3A_179 = arith.maximumf %get3A_178, %while3A_150#2 : vector<16xf32>
      %add3A_180 = arith.constant 32 : i32
      %add3A_181 = arith.addi %mul3A_141, %add3A_180 : i32
      %swap3A_182 = arith.index_cast %add3A_181 : i32 to index
      %swap3A_183 = tpu.vector_load %arg7[%swap3A_182] {strides = array<i32>} : memref<8192xf32, #tpu.memory_space<vmem>>, vector<16xf32>,
      %swap3A_184 = vector.shape_cast %swap3A_183 : vector<16xf32> to vector<16xf32>
      %swap3A_185 = vector.shape_cast %max3A_179 : vector<16xf32> to vector<16xf32>
      tpu.vector_store %arg7[%swap3A_182], %swap3A_185 {strides = array<i32>} : memref<8192xf32, #tpu.memory_space<vmem>>, vector<16xf32>,
      %add3A_186 = arith.constant 48 : i32
      %add3A_187 = arith.addi %mul3A_141, %add3A_186 : i32
      %get3A_188 = arith.index_cast %add3A_187 : i32 to index
      %get3A_189 = tpu.vector_load %arg7[%get3A_188] {strides = array<i32>} : memref<8192xf32, #tpu.memory_space<vmem>>, vector<16xf32>,
      %get3A_190 = vector.shape_cast %get3A_189 : vector<16xf32> to vector<16xf32>
      %max3A_191 = arith.maximumf %get3A_190, %while3A_150#3 : vector<16xf32>
      %add3A_192 = arith.constant 48 : i32
      %add3A_193 = arith.addi %mul3A_141, %add3A_192 : i32
      %swap3A_194 = arith.index_cast %add3A_193 : i32 to index
      %swap3A_195 = tpu.vector_load %arg7[%swap3A_194] {strides = array<i32>} : memref<8192xf32, #tpu.memory_space<vmem>>, vector<16xf32>,
      %swap3A_196 = vector.shape_cast %swap3A_195 : vector<16xf32> to vector<16xf32>
      %swap3A_197 = vector.shape_cast %max3A_191 : vector<16xf32> to vector<16xf32>
      tpu.vector_store %arg7[%swap3A_194], %swap3A_197 {strides = array<i32>} : memref<8192xf32, #tpu.memory_space<vmem>>, vector<16xf32>,
      %add3A_198 = arith.constant 64 : i32
      %add3A_199 = arith.addi %mul3A_141, %add3A_198 : i32
      %get3A_200 = arith.index_cast %add3A_199 : i32 to index
      %get3A_201 = tpu.vector_load %arg7[%get3A_200] {strides = array<i32>} : memref<8192xf32, #tpu.memory_space<vmem>>, vector<16xf32>,
      %get3A_202 = vector.shape_cast %get3A_201 : vector<16xf32> to vector<16xf32>
      %max3A_203 = arith.maximumf %get3A_202, %while3A_150#4 : vector<16xf32>
      %add3A_204 = arith.constant 64 : i32
      %add3A_205 = arith.addi %mul3A_141, %add3A_204 : i32
      %swap3A_206 = arith.index_cast %add3A_205 : i32 to index
      %swap3A_207 = tpu.vector_load %arg7[%swap3A_206] {strides = array<i32>} : memref<8192xf32, #tpu.memory_space<vmem>>, vector<16xf32>,
      %swap3A_208 = vector.shape_cast %swap3A_207 : vector<16xf32> to vector<16xf32>
      %swap3A_209 = vector.shape_cast %max3A_203 : vector<16xf32> to vector<16xf32>
      tpu.vector_store %arg7[%swap3A_206], %swap3A_209 {strides = array<i32>} : memref<8192xf32, #tpu.memory_space<vmem>>, vector<16xf32>,
      %add3A_210 = arith.constant 80 : i32
      %add3A_211 = arith.addi %mul3A_141, %add3A_210 : i32
      %get3A_212 = arith.index_cast %add3A_211 : i32 to index
      %get3A_213 = tpu.vector_load %arg7[%get3A_212] {strides = array<i32>} : memref<8192xf32, #tpu.memory_space<vmem>>, vector<16xf32>,
      %get3A_214 = vector.shape_cast %get3A_213 : vector<16xf32> to vector<16xf32>
      %max3A_215 = arith.maximumf %get3A_214, %while3A_150#5 : vector<16xf32>
      %add3A_216 = arith.constant 80 : i32
      %add3A_217 = arith.addi %mul3A_141, %add3A_216 : i32
      %swap3A_218 = arith.index_cast %add3A_217 : i32 to index
      %swap3A_219 = tpu.vector_load %arg7[%swap3A_218] {strides = array<i32>} : memref<8192xf32, #tpu.memory_space<vmem>>, vector<16xf32>,
      %swap3A_220 = vector.shape_cast %swap3A_219 : vector<16xf32> to vector<16xf32>
      %swap3A_221 = vector.shape_cast %max3A_215 : vector<16xf32> to vector<16xf32>
      tpu.vector_store %arg7[%swap3A_218], %swap3A_221 {strides = array<i32>} : memref<8192xf32, #tpu.memory_space<vmem>>, vector<16xf32>,
      %add3A_222 = arith.constant 96 : i32
      %add3A_223 = arith.addi %mul3A_141, %add3A_222 : i32
      %get3A_224 = arith.index_cast %add3A_223 : i32 to index
      %get3A_225 = tpu.vector_load %arg7[%get3A_224] {strides = array<i32>} : memref<8192xf32, #tpu.memory_space<vmem>>, vector<16xf32>,
      %get3A_226 = vector.shape_cast %get3A_225 : vector<16xf32> to vector<16xf32>
      %max3A_227 = arith.maximumf %get3A_226, %while3A_150#6 : vector<16xf32>
      %add3A_228 = arith.constant 96 : i32
      %add3A_229 = arith.addi %mul3A_141, %add3A_228 : i32
      %swap3A_230 = arith.index_cast %add3A_229 : i32 to index
      %swap3A_231 = tpu.vector_load %arg7[%swap3A_230] {strides = array<i32>} : memref<8192xf32, #tpu.memory_space<vmem>>, vector<16xf32>,
      %swap3A_232 = vector.shape_cast %swap3A_231 : vector<16xf32> to vector<16xf32>
      %swap3A_233 = vector.shape_cast %max3A_227 : vector<16xf32> to vector<16xf32>
      tpu.vector_store %arg7[%swap3A_230], %swap3A_233 {strides = array<i32>} : memref<8192xf32, #tpu.memory_space<vmem>>, vector<16xf32>,
      %add3A_234 = arith.constant 112 : i32
      %add3A_235 = arith.addi %mul3A_141, %add3A_234 : i32
      %get3A_236 = arith.index_cast %add3A_235 : i32 to index
      %get3A_237 = tpu.vector_load %arg7[%get3A_236] {strides = array<i32>} : memref<8192xf32, #tpu.memory_space<vmem>>, vector<16xf32>,
      %get3A_238 = vector.shape_cast %get3A_237 : vector<16xf32> to vector<16xf32>
      %max3A_239 = arith.maximumf %get3A_238, %while3A_150#7 : vector<16xf32>
      %add3A_240 = arith.constant 112 : i32
      %add3A_241 = arith.addi %mul3A_141, %add3A_240 : i32
      %swap3A_242 = arith.index_cast %add3A_241 : i32 to index
      %swap3A_243 = tpu.vector_load %arg7[%swap3A_242] {strides = array<i32>} : memref<8192xf32, #tpu.memory_space<vmem>>, vector<16xf32>,
      %swap3A_244 = vector.shape_cast %swap3A_243 : vector<16xf32> to vector<16xf32>
      %swap3A_245 = vector.shape_cast %max3A_239 : vector<16xf32> to vector<16xf32>
      tpu.vector_store %arg7[%swap3A_242], %swap3A_245 {strides = array<i32>} : memref<8192xf32, #tpu.memory_space<vmem>>, vector<16xf32>,
      %add3A_246 = arith.constant 128 : i32
      %add3A_247 = arith.addi %mul3A_141, %add3A_246 : i32
      %get3A_248 = arith.index_cast %add3A_247 : i32 to index
      %get3A_249 = tpu.vector_load %arg7[%get3A_248] {strides = array<i32>} : memref<8192xf32, #tpu.memory_space<vmem>>, vector<16xf32>,
      %get3A_250 = vector.shape_cast %get3A_249 : vector<16xf32> to vector<16xf32>
      %max3A_251 = arith.maximumf %get3A_250, %while3A_150#8 : vector<16xf32>
      %add3A_252 = arith.constant 128 : i32
      %add3A_253 = arith.addi %mul3A_141, %add3A_252 : i32
      %swap3A_254 = arith.index_cast %add3A_253 : i32 to index
      %swap3A_255 = tpu.vector_load %arg7[%swap3A_254] {strides = array<i32>} : memref<8192xf32, #tpu.memory_space<vmem>>, vector<16xf32>,
      %swap3A_256 = vector.shape_cast %swap3A_255 : vector<16xf32> to vector<16xf32>
      %swap3A_257 = vector.shape_cast %max3A_251 : vector<16xf32> to vector<16xf32>
      tpu.vector_store %arg7[%swap3A_254], %swap3A_257 {strides = array<i32>} : memref<8192xf32, #tpu.memory_space<vmem>>, vector<16xf32>,
      %add3A_258 = arith.constant 144 : i32
      %add3A_259 = arith.addi %mul3A_141, %add3A_258 : i32
      %get3A_260 = arith.index_cast %add3A_259 : i32 to index
      %get3A_261 = tpu.vector_load %arg7[%get3A_260] {strides = array<i32>} : memref<8192xf32, #tpu.memory_space<vmem>>, vector<16xf32>,
      %get3A_262 = vector.shape_cast %get3A_261 : vector<16xf32> to vector<16xf32>
      %max3A_263 = arith.maximumf %get3A_262, %while3A_150#9 : vector<16xf32>
      %add3A_264 = arith.constant 144 : i32
      %add3A_265 = arith.addi %mul3A_141, %add3A_264 : i32
      %swap3A_266 = arith.index_cast %add3A_265 : i32 to index
      %swap3A_267 = tpu.vector_load %arg7[%swap3A_266] {strides = array<i32>} : memref<8192xf32, #tpu.memory_space<vmem>>, vector<16xf32>,
      %swap3A_268 = vector.shape_cast %swap3A_267 : vector<16xf32> to vector<16xf32>
      %swap3A_269 = vector.shape_cast %max3A_263 : vector<16xf32> to vector<16xf32>
      tpu.vector_store %arg7[%swap3A_266], %swap3A_269 {strides = array<i32>} : memref<8192xf32, #tpu.memory_space<vmem>>, vector<16xf32>,
      %add3A_270 = arith.constant 160 : i32
      %add3A_271 = arith.addi %mul3A_141, %add3A_270 : i32
      %get3A_272 = arith.index_cast %add3A_271 : i32 to index
      %get3A_273 = tpu.vector_load %arg7[%get3A_272] {strides = array<i32>} : memref<8192xf32, #tpu.memory_space<vmem>>, vector<16xf32>,
      %get3A_274 = vector.shape_cast %get3A_273 : vector<16xf32> to vector<16xf32>
      %max3A_275 = arith.maximumf %get3A_274, %while3A_150#10 : vector<16xf32>
      %add3A_276 = arith.constant 160 : i32
      %add3A_277 = arith.addi %mul3A_141, %add3A_276 : i32
      %swap3A_278 = arith.index_cast %add3A_277 : i32 to index
      %swap3A_279 = tpu.vector_load %arg7[%swap3A_278] {strides = array<i32>} : memref<8192xf32, #tpu.memory_space<vmem>>, vector<16xf32>,
      %swap3A_280 = vector.shape_cast %swap3A_279 : vector<16xf32> to vector<16xf32>
      %swap3A_281 = vector.shape_cast %max3A_275 : vector<16xf32> to vector<16xf32>
      tpu.vector_store %arg7[%swap3A_278], %swap3A_281 {strides = array<i32>} : memref<8192xf32, #tpu.memory_space<vmem>>, vector<16xf32>,
      %add3A_282 = arith.constant 176 : i32
      %add3A_283 = arith.addi %mul3A_141, %add3A_282 : i32
      %get3A_284 = arith.index_cast %add3A_283 : i32 to index
      %get3A_285 = tpu.vector_load %arg7[%get3A_284] {strides = array<i32>} : memref<8192xf32, #tpu.memory_space<vmem>>, vector<16xf32>,
      %get3A_286 = vector.shape_cast %get3A_285 : vector<16xf32> to vector<16xf32>
      %max3A_287 = arith.maximumf %get3A_286, %while3A_150#11 : vector<16xf32>
      %add3A_288 = arith.constant 176 : i32
      %add3A_289 = arith.addi %mul3A_141, %add3A_288 : i32
      %swap3A_290 = arith.index_cast %add3A_289 : i32 to index
      %swap3A_291 = tpu.vector_load %arg7[%swap3A_290] {strides = array<i32>} : memref<8192xf32, #tpu.memory_space<vmem>>, vector<16xf32>,
      %swap3A_292 = vector.shape_cast %swap3A_291 : vector<16xf32> to vector<16xf32>
      %swap3A_293 = vector.shape_cast %max3A_287 : vector<16xf32> to vector<16xf32>
      tpu.vector_store %arg7[%swap3A_290], %swap3A_293 {strides = array<i32>} : memref<8192xf32, #tpu.memory_space<vmem>>, vector<16xf32>,
      %add3A_294 = arith.constant 192 : i32
      %add3A_295 = arith.addi %mul3A_141, %add3A_294 : i32
      %get3A_296 = arith.index_cast %add3A_295 : i32 to index
      %get3A_297 = tpu.vector_load %arg7[%get3A_296] {strides = array<i32>} : memref<8192xf32, #tpu.memory_space<vmem>>, vector<16xf32>,
      %get3A_298 = vector.shape_cast %get3A_297 : vector<16xf32> to vector<16xf32>
      %max3A_299 = arith.maximumf %get3A_298, %while3A_150#12 : vector<16xf32>
      %add3A_300 = arith.constant 192 : i32
      %add3A_301 = arith.addi %mul3A_141, %add3A_300 : i32
      %swap3A_302 = arith.index_cast %add3A_301 : i32 to index
      %swap3A_303 = tpu.vector_load %arg7[%swap3A_302] {strides = array<i32>} : memref<8192xf32, #tpu.memory_space<vmem>>, vector<16xf32>,
      %swap3A_304 = vector.shape_cast %swap3A_303 : vector<16xf32> to vector<16xf32>
      %swap3A_305 = vector.shape_cast %max3A_299 : vector<16xf32> to vector<16xf32>
      tpu.vector_store %arg7[%swap3A_302], %swap3A_305 {strides = array<i32>} : memref<8192xf32, #tpu.memory_space<vmem>>, vector<16xf32>,
      %add3A_306 = arith.constant 208 : i32
      %add3A_307 = arith.addi %mul3A_141, %add3A_306 : i32
      %get3A_308 = arith.index_cast %add3A_307 : i32 to index
      %get3A_309 = tpu.vector_load %arg7[%get3A_308] {strides = array<i32>} : memref<8192xf32, #tpu.memory_space<vmem>>, vector<16xf32>,
      %get3A_310 = vector.shape_cast %get3A_309 : vector<16xf32> to vector<16xf32>
      %max3A_311 = arith.maximumf %get3A_310, %while3A_150#13 : vector<16xf32>
      %add3A_312 = arith.constant 208 : i32
      %add3A_313 = arith.addi %mul3A_141, %add3A_312 : i32
      %swap3A_314 = arith.index_cast %add3A_313 : i32 to index
      %swap3A_315 = tpu.vector_load %arg7[%swap3A_314] {strides = array<i32>} : memref<8192xf32, #tpu.memory_space<vmem>>, vector<16xf32>,
      %swap3A_316 = vector.shape_cast %swap3A_315 : vector<16xf32> to vector<16xf32>
      %swap3A_317 = vector.shape_cast %max3A_311 : vector<16xf32> to vector<16xf32>
      tpu.vector_store %arg7[%swap3A_314], %swap3A_317 {strides = array<i32>} : memref<8192xf32, #tpu.memory_space<vmem>>, vector<16xf32>,
      %add3A_318 = arith.constant 224 : i32
      %add3A_319 = arith.addi %mul3A_141, %add3A_318 : i32
      %get3A_320 = arith.index_cast %add3A_319 : i32 to index
      %get3A_321 = tpu.vector_load %arg7[%get3A_320] {strides = array<i32>} : memref<8192xf32, #tpu.memory_space<vmem>>, vector<16xf32>,
      %get3A_322 = vector.shape_cast %get3A_321 : vector<16xf32> to vector<16xf32>
      %max3A_323 = arith.maximumf %get3A_322, %while3A_150#14 : vector<16xf32>
      %add3A_324 = arith.constant 224 : i32
      %add3A_325 = arith.addi %mul3A_141, %add3A_324 : i32
      %swap3A_326 = arith.index_cast %add3A_325 : i32 to index
      %swap3A_327 = tpu.vector_load %arg7[%swap3A_326] {strides = array<i32>} : memref<8192xf32, #tpu.memory_space<vmem>>, vector<16xf32>,
      %swap3A_328 = vector.shape_cast %swap3A_327 : vector<16xf32> to vector<16xf32>
      %swap3A_329 = vector.shape_cast %max3A_323 : vector<16xf32> to vector<16xf32>
      tpu.vector_store %arg7[%swap3A_326], %swap3A_329 {strides = array<i32>} : memref<8192xf32, #tpu.memory_space<vmem>>, vector<16xf32>,
      %add3A_330 = arith.constant 240 : i32
      %add3A_331 = arith.addi %mul3A_141, %add3A_330 : i32
      %get3A_332 = arith.index_cast %add3A_331 : i32 to index
      %get3A_333 = tpu.vector_load %arg7[%get3A_332] {strides = array<i32>} : memref<8192xf32, #tpu.memory_space<vmem>>, vector<16xf32>,
      %get3A_334 = vector.shape_cast %get3A_333 : vector<16xf32> to vector<16xf32>
      %max3A_335 = arith.maximumf %get3A_334, %while3A_150#15 : vector<16xf32>
      %add3A_336 = arith.constant 240 : i32
      %add3A_337 = arith.addi %mul3A_141, %add3A_336 : i32
      %swap3A_338 = arith.index_cast %add3A_337 : i32 to index
      %swap3A_339 = tpu.vector_load %arg7[%swap3A_338] {strides = array<i32>} : memref<8192xf32, #tpu.memory_space<vmem>>, vector<16xf32>,
      %swap3A_340 = vector.shape_cast %swap3A_339 : vector<16xf32> to vector<16xf32>
      %swap3A_341 = vector.shape_cast %max3A_335 : vector<16xf32> to vector<16xf32>
      tpu.vector_store %arg7[%swap3A_338], %swap3A_341 {strides = array<i32>} : memref<8192xf32, #tpu.memory_space<vmem>>, vector<16xf32>,
    }
    %scan3A_114 = arith.constant 31 : i32
    %dma_wait3A_115 = arith.constant 0 : i32
    %dma_wait3A_116 = tpu.memref_slice %arg3[%select_n3A, %add3A_92, %dma_wait3A_115] : memref<8x2048x256xf32, #tpu.memory_space<hbm>> -> memref<1x128x256xf32, #tpu.memory_space<hbm>>
    %dma_wait3A_117 = tpu.memref_squeeze %dma_wait3A_116 : memref<1x128x256xf32, #tpu.memory_space<hbm>> -> memref<128x256xf32, #tpu.memory_space<hbm>>
    %dma_wait3A_118 = arith.constant 0 : i32
    %dma_wait3A_119 = tpu.memref_slice %arg3[%select_n3A, %add3A_92, %dma_wait3A_118] : memref<8x2048x256xf32, #tpu.memory_space<hbm>> -> memref<1x128x256xf32, #tpu.memory_space<hbm>>
    %dma_wait3A_120 = tpu.memref_squeeze %dma_wait3A_119 : memref<1x128x256xf32, #tpu.memory_space<hbm>> -> memref<128x256xf32, #tpu.memory_space<hbm>>
    tpu.wait_dma2 semaphore(%arg10 : memref<!tpu.dma_semaphore, #tpu.memory_space<semaphore_mem>>) src(%dma_wait3A_120 : memref<128x256xf32, #tpu.memory_space<hbm>>) dst(%arg6 : memref<128x256xf32, #tpu.memory_space<vmem>>)
    %add3A_121 = arith.constant 384 : i32
    %add3A_122 = arith.addi %mul3A_32, %add3A_121 : i32
    %scan3A_123 = arith.constant 0 : i32
    %scan3A_124 = arith.constant 0 : i32
    %scan3A_125 = arith.constant 128 : i32
    %scan3A_126 = arith.constant 0 : i32
    %scan3A_127 = arith.constant 31 : i32
    %scan3A_128 = arith.addi %scan3A_126, %scan3A_127 : i32
    %scan3A_129 = arith.constant 1 : i32
    scf.for %scan3A_131 = %scan3A_126 to %scan3A_128 step %scan3A_129  : i32 {
      %get3A = arith.index_cast %scan3A_131 : i32 to index
      %get3A_132 = tpu.vector_load %arg8[%get3A] {strides = array<i32>} : memref<48xi32, #tpu.memory_space<vmem>>, vector<16xi32>,
      %get3A_133 = vector.shape_cast %get3A_132 : vector<16xi32> to vector<16xi32>
      %slice3A = vector.extract_strided_slice %get3A_133 {offsets = [0], sizes = [1], strides = [1]} : vector<16xi32> to vector<1xi32>
      %squeeze3A = vector.extract %slice3A[0] : i32 from vector<1xi32>
      %sub3A_134 = arith.subi %squeeze3A, %add3A_122 : i32
      %max3A = arith.maxsi %scan3A_124, %sub3A_134 : i32
      %min3A = arith.minsi %scan3A_125, %max3A : i32
      %slice3A_135 = vector.extract_strided_slice %get3A_133 {offsets = [1], sizes = [1], strides = [1]} : vector<16xi32> to vector<1xi32>
      %squeeze3A_136 = vector.extract %slice3A_135[0] : i32 from vector<1xi32>
      %sub3A_137 = arith.subi %squeeze3A_136, %add3A_122 : i32
      %max3A_138 = arith.maxsi %scan3A_124, %sub3A_137 : i32
      %min3A_139 = arith.minsi %scan3A_125, %max3A_138 : i32
      %mul3A_140 = arith.constant 256 : i32
      %mul3A_141 = arith.muli %scan3A_131, %mul3A_140 : i32
      %while3A = arith.subi %min3A_139, %min3A : i32
      %while3A_142 = arith.addi %min3A, %while3A : i32
      %while3A_143 = arith.constant 1 : i32
      %while3A_144 = arith.divsi %while3A, %while3A_143 : i32
      %while3A_145 = arith.muli %while3A_144, %while3A_143 : i32
      %while3A_146 = arith.addi %min3A, %while3A_145 : i32
      %while3A_147 = arith.constant 1 : i32
      %while3A_148:16 = scf.for %while3A_342 = %min3A to %while3A_146 step %while3A_147 iter_args(%while3A_343 = %broadcast_in_dim3A_33, %while3A_344 = %broadcast_in_dim3A_33, %while3A_345 = %broadcast_in_dim3A_33, %while3A_346 = %broadcast_in_dim3A_33, %while3A_347 = %broadcast_in_dim3A_33, %while3A_348 = %broadcast_in_dim3A_33, %while3A_349 = %broadcast_in_dim3A_33, %while3A_350 = %broadcast_in_dim3A_33, %while3A_351 = %broadcast_in_dim3A_33, %while3A_352 = %broadcast_in_dim3A_33, %while3A_353 = %broadcast_in_dim3A_33, %while3A_354 = %broadcast_in_dim3A_33, %while3A_355 = %broadcast_in_dim3A_33, %while3A_356 = %broadcast_in_dim3A_33, %while3A_357 = %broadcast_in_dim3A_33, %while3A_358 = %broadcast_in_dim3A_33) -> (vector<16xf32>, vector<16xf32>, vector<16xf32>, vector<16xf32>, vector<16xf32>, vector<16xf32>, vector<16xf32>, vector<16xf32>, vector<16xf32>, vector<16xf32>, vector<16xf32>, vector<16xf32>, vector<16xf32>, vector<16xf32>, vector<16xf32>, vector<16xf32>)  : i32 {
        %get3A_359 = arith.index_cast %while3A_342 : i32 to index
        %get3A_360 = arith.constant 0 : index
        %get3A_361 = tpu.vector_load %arg6[%get3A_359, %get3A_360] {strides = array<i32>} : memref<128x256xf32, #tpu.memory_space<vmem>>, vector<1x16xf32>,
        %get3A_362 = vector.shape_cast %get3A_361 : vector<1x16xf32> to vector<16xf32>
        %max3A_363 = arith.maximumf %while3A_343, %get3A_362 : vector<16xf32>
        %get3A_364 = arith.index_cast %while3A_342 : i32 to index
        %get3A_365 = arith.constant 16 : index
        %get3A_366 = tpu.vector_load %arg6[%get3A_364, %get3A_365] {strides = array<i32>} : memref<128x256xf32, #tpu.memory_space<vmem>>, vector<1x16xf32>,
        %get3A_367 = vector.shape_cast %get3A_366 : vector<1x16xf32> to vector<16xf32>
        %max3A_368 = arith.maximumf %while3A_344, %get3A_367 : vector<16xf32>
        %get3A_369 = arith.index_cast %while3A_342 : i32 to index
        %get3A_370 = arith.constant 32 : index
        %get3A_371 = tpu.vector_load %arg6[%get3A_369, %get3A_370] {strides = array<i32>} : memref<128x256xf32, #tpu.memory_space<vmem>>, vector<1x16xf32>,
        %get3A_372 = vector.shape_cast %get3A_371 : vector<1x16xf32> to vector<16xf32>
        %max3A_373 = arith.maximumf %while3A_345, %get3A_372 : vector<16xf32>
        %get3A_374 = arith.index_cast %while3A_342 : i32 to index
        %get3A_375 = arith.constant 48 : index
        %get3A_376 = tpu.vector_load %arg6[%get3A_374, %get3A_375] {strides = array<i32>} : memref<128x256xf32, #tpu.memory_space<vmem>>, vector<1x16xf32>,
        %get3A_377 = vector.shape_cast %get3A_376 : vector<1x16xf32> to vector<16xf32>
        %max3A_378 = arith.maximumf %while3A_346, %get3A_377 : vector<16xf32>
        %get3A_379 = arith.index_cast %while3A_342 : i32 to index
        %get3A_380 = arith.constant 64 : index
        %get3A_381 = tpu.vector_load %arg6[%get3A_379, %get3A_380] {strides = array<i32>} : memref<128x256xf32, #tpu.memory_space<vmem>>, vector<1x16xf32>,
        %get3A_382 = vector.shape_cast %get3A_381 : vector<1x16xf32> to vector<16xf32>
        %max3A_383 = arith.maximumf %while3A_347, %get3A_382 : vector<16xf32>
        %get3A_384 = arith.index_cast %while3A_342 : i32 to index
        %get3A_385 = arith.constant 80 : index
        %get3A_386 = tpu.vector_load %arg6[%get3A_384, %get3A_385] {strides = array<i32>} : memref<128x256xf32, #tpu.memory_space<vmem>>, vector<1x16xf32>,
        %get3A_387 = vector.shape_cast %get3A_386 : vector<1x16xf32> to vector<16xf32>
        %max3A_388 = arith.maximumf %while3A_348, %get3A_387 : vector<16xf32>
        %get3A_389 = arith.index_cast %while3A_342 : i32 to index
        %get3A_390 = arith.constant 96 : index
        %get3A_391 = tpu.vector_load %arg6[%get3A_389, %get3A_390] {strides = array<i32>} : memref<128x256xf32, #tpu.memory_space<vmem>>, vector<1x16xf32>,
        %get3A_392 = vector.shape_cast %get3A_391 : vector<1x16xf32> to vector<16xf32>
        %max3A_393 = arith.maximumf %while3A_349, %get3A_392 : vector<16xf32>
        %get3A_394 = arith.index_cast %while3A_342 : i32 to index
        %get3A_395 = arith.constant 112 : index
        %get3A_396 = tpu.vector_load %arg6[%get3A_394, %get3A_395] {strides = array<i32>} : memref<128x256xf32, #tpu.memory_space<vmem>>, vector<1x16xf32>,
        %get3A_397 = vector.shape_cast %get3A_396 : vector<1x16xf32> to vector<16xf32>
        %max3A_398 = arith.maximumf %while3A_350, %get3A_397 : vector<16xf32>
        %get3A_399 = arith.index_cast %while3A_342 : i32 to index
        %get3A_400 = arith.constant 128 : index
        %get3A_401 = tpu.vector_load %arg6[%get3A_399, %get3A_400] {strides = array<i32>} : memref<128x256xf32, #tpu.memory_space<vmem>>, vector<1x16xf32>,
        %get3A_402 = vector.shape_cast %get3A_401 : vector<1x16xf32> to vector<16xf32>
        %max3A_403 = arith.maximumf %while3A_351, %get3A_402 : vector<16xf32>
        %get3A_404 = arith.index_cast %while3A_342 : i32 to index
        %get3A_405 = arith.constant 144 : index
        %get3A_406 = tpu.vector_load %arg6[%get3A_404, %get3A_405] {strides = array<i32>} : memref<128x256xf32, #tpu.memory_space<vmem>>, vector<1x16xf32>,
        %get3A_407 = vector.shape_cast %get3A_406 : vector<1x16xf32> to vector<16xf32>
        %max3A_408 = arith.maximumf %while3A_352, %get3A_407 : vector<16xf32>
        %get3A_409 = arith.index_cast %while3A_342 : i32 to index
        %get3A_410 = arith.constant 160 : index
        %get3A_411 = tpu.vector_load %arg6[%get3A_409, %get3A_410] {strides = array<i32>} : memref<128x256xf32, #tpu.memory_space<vmem>>, vector<1x16xf32>,
        %get3A_412 = vector.shape_cast %get3A_411 : vector<1x16xf32> to vector<16xf32>
        %max3A_413 = arith.maximumf %while3A_353, %get3A_412 : vector<16xf32>
        %get3A_414 = arith.index_cast %while3A_342 : i32 to index
        %get3A_415 = arith.constant 176 : index
        %get3A_416 = tpu.vector_load %arg6[%get3A_414, %get3A_415] {strides = array<i32>} : memref<128x256xf32, #tpu.memory_space<vmem>>, vector<1x16xf32>,
        %get3A_417 = vector.shape_cast %get3A_416 : vector<1x16xf32> to vector<16xf32>
        %max3A_418 = arith.maximumf %while3A_354, %get3A_417 : vector<16xf32>
        %get3A_419 = arith.index_cast %while3A_342 : i32 to index
        %get3A_420 = arith.constant 192 : index
        %get3A_421 = tpu.vector_load %arg6[%get3A_419, %get3A_420] {strides = array<i32>} : memref<128x256xf32, #tpu.memory_space<vmem>>, vector<1x16xf32>,
        %get3A_422 = vector.shape_cast %get3A_421 : vector<1x16xf32> to vector<16xf32>
        %max3A_423 = arith.maximumf %while3A_355, %get3A_422 : vector<16xf32>
        %get3A_424 = arith.index_cast %while3A_342 : i32 to index
        %get3A_425 = arith.constant 208 : index
        %get3A_426 = tpu.vector_load %arg6[%get3A_424, %get3A_425] {strides = array<i32>} : memref<128x256xf32, #tpu.memory_space<vmem>>, vector<1x16xf32>,
        %get3A_427 = vector.shape_cast %get3A_426 : vector<1x16xf32> to vector<16xf32>
        %max3A_428 = arith.maximumf %while3A_356, %get3A_427 : vector<16xf32>
        %get3A_429 = arith.index_cast %while3A_342 : i32 to index
        %get3A_430 = arith.constant 224 : index
        %get3A_431 = tpu.vector_load %arg6[%get3A_429, %get3A_430] {strides = array<i32>} : memref<128x256xf32, #tpu.memory_space<vmem>>, vector<1x16xf32>,
        %get3A_432 = vector.shape_cast %get3A_431 : vector<1x16xf32> to vector<16xf32>
        %max3A_433 = arith.maximumf %while3A_357, %get3A_432 : vector<16xf32>
        %get3A_434 = arith.index_cast %while3A_342 : i32 to index
        %get3A_435 = arith.constant 240 : index
        %get3A_436 = tpu.vector_load %arg6[%get3A_434, %get3A_435] {strides = array<i32>} : memref<128x256xf32, #tpu.memory_space<vmem>>, vector<1x16xf32>,
        %get3A_437 = vector.shape_cast %get3A_436 : vector<1x16xf32> to vector<16xf32>
        %max3A_438 = arith.maximumf %while3A_358, %get3A_437 : vector<16xf32>
        scf.yield %max3A_363, %max3A_368, %max3A_373, %max3A_378, %max3A_383, %max3A_388, %max3A_393, %max3A_398, %max3A_403, %max3A_408, %max3A_413, %max3A_418, %max3A_423, %max3A_428, %max3A_433, %max3A_438 : vector<16xf32>, vector<16xf32>, vector<16xf32>, vector<16xf32>, vector<16xf32>, vector<16xf32>, vector<16xf32>, vector<16xf32>, vector<16xf32>, vector<16xf32>, vector<16xf32>, vector<16xf32>, vector<16xf32>, vector<16xf32>, vector<16xf32>, vector<16xf32>
      }
      %while3A_149 = arith.constant 1 : i32
      %while3A_150:16 = scf.for %while3A_342 = %while3A_146 to %while3A_142 step %while3A_149 iter_args(%while3A_343 = %while3A_148#0, %while3A_344 = %while3A_148#1, %while3A_345 = %while3A_148#2, %while3A_346 = %while3A_148#3, %while3A_347 = %while3A_148#4, %while3A_348 = %while3A_148#5, %while3A_349 = %while3A_148#6, %while3A_350 = %while3A_148#7, %while3A_351 = %while3A_148#8, %while3A_352 = %while3A_148#9, %while3A_353 = %while3A_148#10, %while3A_354 = %while3A_148#11, %while3A_355 = %while3A_148#12, %while3A_356 = %while3A_148#13, %while3A_357 = %while3A_148#14, %while3A_358 = %while3A_148#15) -> (vector<16xf32>, vector<16xf32>, vector<16xf32>, vector<16xf32>, vector<16xf32>, vector<16xf32>, vector<16xf32>, vector<16xf32>, vector<16xf32>, vector<16xf32>, vector<16xf32>, vector<16xf32>, vector<16xf32>, vector<16xf32>, vector<16xf32>, vector<16xf32>)  : i32 {
        %get3A_359 = arith.index_cast %while3A_342 : i32 to index
        %get3A_360 = arith.constant 0 : index
        %get3A_361 = tpu.vector_load %arg6[%get3A_359, %get3A_360] {strides = array<i32>} : memref<128x256xf32, #tpu.memory_space<vmem>>, vector<1x16xf32>,
        %get3A_362 = vector.shape_cast %get3A_361 : vector<1x16xf32> to vector<16xf32>
        %max3A_363 = arith.maximumf %while3A_343, %get3A_362 : vector<16xf32>
        %get3A_364 = arith.index_cast %while3A_342 : i32 to index
        %get3A_365 = arith.constant 16 : index
        %get3A_366 = tpu.vector_load %arg6[%get3A_364, %get3A_365] {strides = array<i32>} : memref<128x256xf32, #tpu.memory_space<vmem>>, vector<1x16xf32>,
        %get3A_367 = vector.shape_cast %get3A_366 : vector<1x16xf32> to vector<16xf32>
        %max3A_368 = arith.maximumf %while3A_344, %get3A_367 : vector<16xf32>
        %get3A_369 = arith.index_cast %while3A_342 : i32 to index
        %get3A_370 = arith.constant 32 : index
        %get3A_371 = tpu.vector_load %arg6[%get3A_369, %get3A_370] {strides = array<i32>} : memref<128x256xf32, #tpu.memory_space<vmem>>, vector<1x16xf32>,
        %get3A_372 = vector.shape_cast %get3A_371 : vector<1x16xf32> to vector<16xf32>
        %max3A_373 = arith.maximumf %while3A_345, %get3A_372 : vector<16xf32>
        %get3A_374 = arith.index_cast %while3A_342 : i32 to index
        %get3A_375 = arith.constant 48 : index
        %get3A_376 = tpu.vector_load %arg6[%get3A_374, %get3A_375] {strides = array<i32>} : memref<128x256xf32, #tpu.memory_space<vmem>>, vector<1x16xf32>,
        %get3A_377 = vector.shape_cast %get3A_376 : vector<1x16xf32> to vector<16xf32>
        %max3A_378 = arith.maximumf %while3A_346, %get3A_377 : vector<16xf32>
        %get3A_379 = arith.index_cast %while3A_342 : i32 to index
        %get3A_380 = arith.constant 64 : index
        %get3A_381 = tpu.vector_load %arg6[%get3A_379, %get3A_380] {strides = array<i32>} : memref<128x256xf32, #tpu.memory_space<vmem>>, vector<1x16xf32>,
        %get3A_382 = vector.shape_cast %get3A_381 : vector<1x16xf32> to vector<16xf32>
        %max3A_383 = arith.maximumf %while3A_347, %get3A_382 : vector<16xf32>
        %get3A_384 = arith.index_cast %while3A_342 : i32 to index
        %get3A_385 = arith.constant 80 : index
        %get3A_386 = tpu.vector_load %arg6[%get3A_384, %get3A_385] {strides = array<i32>} : memref<128x256xf32, #tpu.memory_space<vmem>>, vector<1x16xf32>,
        %get3A_387 = vector.shape_cast %get3A_386 : vector<1x16xf32> to vector<16xf32>
        %max3A_388 = arith.maximumf %while3A_348, %get3A_387 : vector<16xf32>
        %get3A_389 = arith.index_cast %while3A_342 : i32 to index
        %get3A_390 = arith.constant 96 : index
        %get3A_391 = tpu.vector_load %arg6[%get3A_389, %get3A_390] {strides = array<i32>} : memref<128x256xf32, #tpu.memory_space<vmem>>, vector<1x16xf32>,
        %get3A_392 = vector.shape_cast %get3A_391 : vector<1x16xf32> to vector<16xf32>
        %max3A_393 = arith.maximumf %while3A_349, %get3A_392 : vector<16xf32>
        %get3A_394 = arith.index_cast %while3A_342 : i32 to index
        %get3A_395 = arith.constant 112 : index
        %get3A_396 = tpu.vector_load %arg6[%get3A_394, %get3A_395] {strides = array<i32>} : memref<128x256xf32, #tpu.memory_space<vmem>>, vector<1x16xf32>,
        %get3A_397 = vector.shape_cast %get3A_396 : vector<1x16xf32> to vector<16xf32>
        %max3A_398 = arith.maximumf %while3A_350, %get3A_397 : vector<16xf32>
        %get3A_399 = arith.index_cast %while3A_342 : i32 to index
        %get3A_400 = arith.constant 128 : index
        %get3A_401 = tpu.vector_load %arg6[%get3A_399, %get3A_400] {strides = array<i32>} : memref<128x256xf32, #tpu.memory_space<vmem>>, vector<1x16xf32>,
        %get3A_402 = vector.shape_cast %get3A_401 : vector<1x16xf32> to vector<16xf32>
        %max3A_403 = arith.maximumf %while3A_351, %get3A_402 : vector<16xf32>
        %get3A_404 = arith.index_cast %while3A_342 : i32 to index
        %get3A_405 = arith.constant 144 : index
        %get3A_406 = tpu.vector_load %arg6[%get3A_404, %get3A_405] {strides = array<i32>} : memref<128x256xf32, #tpu.memory_space<vmem>>, vector<1x16xf32>,
        %get3A_407 = vector.shape_cast %get3A_406 : vector<1x16xf32> to vector<16xf32>
        %max3A_408 = arith.maximumf %while3A_352, %get3A_407 : vector<16xf32>
        %get3A_409 = arith.index_cast %while3A_342 : i32 to index
        %get3A_410 = arith.constant 160 : index
        %get3A_411 = tpu.vector_load %arg6[%get3A_409, %get3A_410] {strides = array<i32>} : memref<128x256xf32, #tpu.memory_space<vmem>>, vector<1x16xf32>,
        %get3A_412 = vector.shape_cast %get3A_411 : vector<1x16xf32> to vector<16xf32>
        %max3A_413 = arith.maximumf %while3A_353, %get3A_412 : vector<16xf32>
        %get3A_414 = arith.index_cast %while3A_342 : i32 to index
        %get3A_415 = arith.constant 176 : index
        %get3A_416 = tpu.vector_load %arg6[%get3A_414, %get3A_415] {strides = array<i32>} : memref<128x256xf32, #tpu.memory_space<vmem>>, vector<1x16xf32>,
        %get3A_417 = vector.shape_cast %get3A_416 : vector<1x16xf32> to vector<16xf32>
        %max3A_418 = arith.maximumf %while3A_354, %get3A_417 : vector<16xf32>
        %get3A_419 = arith.index_cast %while3A_342 : i32 to index
        %get3A_420 = arith.constant 192 : index
        %get3A_421 = tpu.vector_load %arg6[%get3A_419, %get3A_420] {strides = array<i32>} : memref<128x256xf32, #tpu.memory_space<vmem>>, vector<1x16xf32>,
        %get3A_422 = vector.shape_cast %get3A_421 : vector<1x16xf32> to vector<16xf32>
        %max3A_423 = arith.maximumf %while3A_355, %get3A_422 : vector<16xf32>
        %get3A_424 = arith.index_cast %while3A_342 : i32 to index
        %get3A_425 = arith.constant 208 : index
        %get3A_426 = tpu.vector_load %arg6[%get3A_424, %get3A_425] {strides = array<i32>} : memref<128x256xf32, #tpu.memory_space<vmem>>, vector<1x16xf32>,
        %get3A_427 = vector.shape_cast %get3A_426 : vector<1x16xf32> to vector<16xf32>
        %max3A_428 = arith.maximumf %while3A_356, %get3A_427 : vector<16xf32>
        %get3A_429 = arith.index_cast %while3A_342 : i32 to index
        %get3A_430 = arith.constant 224 : index
        %get3A_431 = tpu.vector_load %arg6[%get3A_429, %get3A_430] {strides = array<i32>} : memref<128x256xf32, #tpu.memory_space<vmem>>, vector<1x16xf32>,
        %get3A_432 = vector.shape_cast %get3A_431 : vector<1x16xf32> to vector<16xf32>
        %max3A_433 = arith.maximumf %while3A_357, %get3A_432 : vector<16xf32>
        %get3A_434 = arith.index_cast %while3A_342 : i32 to index
        %get3A_435 = arith.constant 240 : index
        %get3A_436 = tpu.vector_load %arg6[%get3A_434, %get3A_435] {strides = array<i32>} : memref<128x256xf32, #tpu.memory_space<vmem>>, vector<1x16xf32>,
        %get3A_437 = vector.shape_cast %get3A_436 : vector<1x16xf32> to vector<16xf32>
        %max3A_438 = arith.maximumf %while3A_358, %get3A_437 : vector<16xf32>
        scf.yield %max3A_363, %max3A_368, %max3A_373, %max3A_378, %max3A_383, %max3A_388, %max3A_393, %max3A_398, %max3A_403, %max3A_408, %max3A_413, %max3A_418, %max3A_423, %max3A_428, %max3A_433, %max3A_438 : vector<16xf32>, vector<16xf32>, vector<16xf32>, vector<16xf32>, vector<16xf32>, vector<16xf32>, vector<16xf32>, vector<16xf32>, vector<16xf32>, vector<16xf32>, vector<16xf32>, vector<16xf32>, vector<16xf32>, vector<16xf32>, vector<16xf32>, vector<16xf32>
      }
      %add3A_151 = arith.constant 0 : i32
      %add3A_152 = arith.addi %mul3A_141, %add3A_151 : i32
      %get3A_153 = arith.index_cast %add3A_152 : i32 to index
      %get3A_154 = tpu.vector_load %arg7[%get3A_153] {strides = array<i32>} : memref<8192xf32, #tpu.memory_space<vmem>>, vector<16xf32>,
      %get3A_155 = vector.shape_cast %get3A_154 : vector<16xf32> to vector<16xf32>
      %max3A_156 = arith.maximumf %get3A_155, %while3A_150#0 : vector<16xf32>
      %add3A_157 = arith.constant 0 : i32
      %add3A_158 = arith.addi %mul3A_141, %add3A_157 : i32
      %swap3A = arith.index_cast %add3A_158 : i32 to index
      %swap3A_159 = tpu.vector_load %arg7[%swap3A] {strides = array<i32>} : memref<8192xf32, #tpu.memory_space<vmem>>, vector<16xf32>,
      %swap3A_160 = vector.shape_cast %swap3A_159 : vector<16xf32> to vector<16xf32>
      %swap3A_161 = vector.shape_cast %max3A_156 : vector<16xf32> to vector<16xf32>
      tpu.vector_store %arg7[%swap3A], %swap3A_161 {strides = array<i32>} : memref<8192xf32, #tpu.memory_space<vmem>>, vector<16xf32>,
      %add3A_162 = arith.constant 16 : i32
      %add3A_163 = arith.addi %mul3A_141, %add3A_162 : i32
      %get3A_164 = arith.index_cast %add3A_163 : i32 to index
      %get3A_165 = tpu.vector_load %arg7[%get3A_164] {strides = array<i32>} : memref<8192xf32, #tpu.memory_space<vmem>>, vector<16xf32>,
      %get3A_166 = vector.shape_cast %get3A_165 : vector<16xf32> to vector<16xf32>
      %max3A_167 = arith.maximumf %get3A_166, %while3A_150#1 : vector<16xf32>
      %add3A_168 = arith.constant 16 : i32
      %add3A_169 = arith.addi %mul3A_141, %add3A_168 : i32
      %swap3A_170 = arith.index_cast %add3A_169 : i32 to index
      %swap3A_171 = tpu.vector_load %arg7[%swap3A_170] {strides = array<i32>} : memref<8192xf32, #tpu.memory_space<vmem>>, vector<16xf32>,
      %swap3A_172 = vector.shape_cast %swap3A_171 : vector<16xf32> to vector<16xf32>
      %swap3A_173 = vector.shape_cast %max3A_167 : vector<16xf32> to vector<16xf32>
      tpu.vector_store %arg7[%swap3A_170], %swap3A_173 {strides = array<i32>} : memref<8192xf32, #tpu.memory_space<vmem>>, vector<16xf32>,
      %add3A_174 = arith.constant 32 : i32
      %add3A_175 = arith.addi %mul3A_141, %add3A_174 : i32
      %get3A_176 = arith.index_cast %add3A_175 : i32 to index
      %get3A_177 = tpu.vector_load %arg7[%get3A_176] {strides = array<i32>} : memref<8192xf32, #tpu.memory_space<vmem>>, vector<16xf32>,
      %get3A_178 = vector.shape_cast %get3A_177 : vector<16xf32> to vector<16xf32>
      %max3A_179 = arith.maximumf %get3A_178, %while3A_150#2 : vector<16xf32>
      %add3A_180 = arith.constant 32 : i32
      %add3A_181 = arith.addi %mul3A_141, %add3A_180 : i32
      %swap3A_182 = arith.index_cast %add3A_181 : i32 to index
      %swap3A_183 = tpu.vector_load %arg7[%swap3A_182] {strides = array<i32>} : memref<8192xf32, #tpu.memory_space<vmem>>, vector<16xf32>,
      %swap3A_184 = vector.shape_cast %swap3A_183 : vector<16xf32> to vector<16xf32>
      %swap3A_185 = vector.shape_cast %max3A_179 : vector<16xf32> to vector<16xf32>
      tpu.vector_store %arg7[%swap3A_182], %swap3A_185 {strides = array<i32>} : memref<8192xf32, #tpu.memory_space<vmem>>, vector<16xf32>,
      %add3A_186 = arith.constant 48 : i32
      %add3A_187 = arith.addi %mul3A_141, %add3A_186 : i32
      %get3A_188 = arith.index_cast %add3A_187 : i32 to index
      %get3A_189 = tpu.vector_load %arg7[%get3A_188] {strides = array<i32>} : memref<8192xf32, #tpu.memory_space<vmem>>, vector<16xf32>,
      %get3A_190 = vector.shape_cast %get3A_189 : vector<16xf32> to vector<16xf32>
      %max3A_191 = arith.maximumf %get3A_190, %while3A_150#3 : vector<16xf32>
      %add3A_192 = arith.constant 48 : i32
      %add3A_193 = arith.addi %mul3A_141, %add3A_192 : i32
      %swap3A_194 = arith.index_cast %add3A_193 : i32 to index
      %swap3A_195 = tpu.vector_load %arg7[%swap3A_194] {strides = array<i32>} : memref<8192xf32, #tpu.memory_space<vmem>>, vector<16xf32>,
      %swap3A_196 = vector.shape_cast %swap3A_195 : vector<16xf32> to vector<16xf32>
      %swap3A_197 = vector.shape_cast %max3A_191 : vector<16xf32> to vector<16xf32>
      tpu.vector_store %arg7[%swap3A_194], %swap3A_197 {strides = array<i32>} : memref<8192xf32, #tpu.memory_space<vmem>>, vector<16xf32>,
      %add3A_198 = arith.constant 64 : i32
      %add3A_199 = arith.addi %mul3A_141, %add3A_198 : i32
      %get3A_200 = arith.index_cast %add3A_199 : i32 to index
      %get3A_201 = tpu.vector_load %arg7[%get3A_200] {strides = array<i32>} : memref<8192xf32, #tpu.memory_space<vmem>>, vector<16xf32>,
      %get3A_202 = vector.shape_cast %get3A_201 : vector<16xf32> to vector<16xf32>
      %max3A_203 = arith.maximumf %get3A_202, %while3A_150#4 : vector<16xf32>
      %add3A_204 = arith.constant 64 : i32
      %add3A_205 = arith.addi %mul3A_141, %add3A_204 : i32
      %swap3A_206 = arith.index_cast %add3A_205 : i32 to index
      %swap3A_207 = tpu.vector_load %arg7[%swap3A_206] {strides = array<i32>} : memref<8192xf32, #tpu.memory_space<vmem>>, vector<16xf32>,
      %swap3A_208 = vector.shape_cast %swap3A_207 : vector<16xf32> to vector<16xf32>
      %swap3A_209 = vector.shape_cast %max3A_203 : vector<16xf32> to vector<16xf32>
      tpu.vector_store %arg7[%swap3A_206], %swap3A_209 {strides = array<i32>} : memref<8192xf32, #tpu.memory_space<vmem>>, vector<16xf32>,
      %add3A_210 = arith.constant 80 : i32
      %add3A_211 = arith.addi %mul3A_141, %add3A_210 : i32
      %get3A_212 = arith.index_cast %add3A_211 : i32 to index
      %get3A_213 = tpu.vector_load %arg7[%get3A_212] {strides = array<i32>} : memref<8192xf32, #tpu.memory_space<vmem>>, vector<16xf32>,
      %get3A_214 = vector.shape_cast %get3A_213 : vector<16xf32> to vector<16xf32>
      %max3A_215 = arith.maximumf %get3A_214, %while3A_150#5 : vector<16xf32>
      %add3A_216 = arith.constant 80 : i32
      %add3A_217 = arith.addi %mul3A_141, %add3A_216 : i32
      %swap3A_218 = arith.index_cast %add3A_217 : i32 to index
      %swap3A_219 = tpu.vector_load %arg7[%swap3A_218] {strides = array<i32>} : memref<8192xf32, #tpu.memory_space<vmem>>, vector<16xf32>,
      %swap3A_220 = vector.shape_cast %swap3A_219 : vector<16xf32> to vector<16xf32>
      %swap3A_221 = vector.shape_cast %max3A_215 : vector<16xf32> to vector<16xf32>
      tpu.vector_store %arg7[%swap3A_218], %swap3A_221 {strides = array<i32>} : memref<8192xf32, #tpu.memory_space<vmem>>, vector<16xf32>,
      %add3A_222 = arith.constant 96 : i32
      %add3A_223 = arith.addi %mul3A_141, %add3A_222 : i32
      %get3A_224 = arith.index_cast %add3A_223 : i32 to index
      %get3A_225 = tpu.vector_load %arg7[%get3A_224] {strides = array<i32>} : memref<8192xf32, #tpu.memory_space<vmem>>, vector<16xf32>,
      %get3A_226 = vector.shape_cast %get3A_225 : vector<16xf32> to vector<16xf32>
      %max3A_227 = arith.maximumf %get3A_226, %while3A_150#6 : vector<16xf32>
      %add3A_228 = arith.constant 96 : i32
      %add3A_229 = arith.addi %mul3A_141, %add3A_228 : i32
      %swap3A_230 = arith.index_cast %add3A_229 : i32 to index
      %swap3A_231 = tpu.vector_load %arg7[%swap3A_230] {strides = array<i32>} : memref<8192xf32, #tpu.memory_space<vmem>>, vector<16xf32>,
      %swap3A_232 = vector.shape_cast %swap3A_231 : vector<16xf32> to vector<16xf32>
      %swap3A_233 = vector.shape_cast %max3A_227 : vector<16xf32> to vector<16xf32>
      tpu.vector_store %arg7[%swap3A_230], %swap3A_233 {strides = array<i32>} : memref<8192xf32, #tpu.memory_space<vmem>>, vector<16xf32>,
      %add3A_234 = arith.constant 112 : i32
      %add3A_235 = arith.addi %mul3A_141, %add3A_234 : i32
      %get3A_236 = arith.index_cast %add3A_235 : i32 to index
      %get3A_237 = tpu.vector_load %arg7[%get3A_236] {strides = array<i32>} : memref<8192xf32, #tpu.memory_space<vmem>>, vector<16xf32>,
      %get3A_238 = vector.shape_cast %get3A_237 : vector<16xf32> to vector<16xf32>
      %max3A_239 = arith.maximumf %get3A_238, %while3A_150#7 : vector<16xf32>
      %add3A_240 = arith.constant 112 : i32
      %add3A_241 = arith.addi %mul3A_141, %add3A_240 : i32
      %swap3A_242 = arith.index_cast %add3A_241 : i32 to index
      %swap3A_243 = tpu.vector_load %arg7[%swap3A_242] {strides = array<i32>} : memref<8192xf32, #tpu.memory_space<vmem>>, vector<16xf32>,
      %swap3A_244 = vector.shape_cast %swap3A_243 : vector<16xf32> to vector<16xf32>
      %swap3A_245 = vector.shape_cast %max3A_239 : vector<16xf32> to vector<16xf32>
      tpu.vector_store %arg7[%swap3A_242], %swap3A_245 {strides = array<i32>} : memref<8192xf32, #tpu.memory_space<vmem>>, vector<16xf32>,
      %add3A_246 = arith.constant 128 : i32
      %add3A_247 = arith.addi %mul3A_141, %add3A_246 : i32
      %get3A_248 = arith.index_cast %add3A_247 : i32 to index
      %get3A_249 = tpu.vector_load %arg7[%get3A_248] {strides = array<i32>} : memref<8192xf32, #tpu.memory_space<vmem>>, vector<16xf32>,
      %get3A_250 = vector.shape_cast %get3A_249 : vector<16xf32> to vector<16xf32>
      %max3A_251 = arith.maximumf %get3A_250, %while3A_150#8 : vector<16xf32>
      %add3A_252 = arith.constant 128 : i32
      %add3A_253 = arith.addi %mul3A_141, %add3A_252 : i32
      %swap3A_254 = arith.index_cast %add3A_253 : i32 to index
      %swap3A_255 = tpu.vector_load %arg7[%swap3A_254] {strides = array<i32>} : memref<8192xf32, #tpu.memory_space<vmem>>, vector<16xf32>,
      %swap3A_256 = vector.shape_cast %swap3A_255 : vector<16xf32> to vector<16xf32>
      %swap3A_257 = vector.shape_cast %max3A_251 : vector<16xf32> to vector<16xf32>
      tpu.vector_store %arg7[%swap3A_254], %swap3A_257 {strides = array<i32>} : memref<8192xf32, #tpu.memory_space<vmem>>, vector<16xf32>,
      %add3A_258 = arith.constant 144 : i32
      %add3A_259 = arith.addi %mul3A_141, %add3A_258 : i32
      %get3A_260 = arith.index_cast %add3A_259 : i32 to index
      %get3A_261 = tpu.vector_load %arg7[%get3A_260] {strides = array<i32>} : memref<8192xf32, #tpu.memory_space<vmem>>, vector<16xf32>,
      %get3A_262 = vector.shape_cast %get3A_261 : vector<16xf32> to vector<16xf32>
      %max3A_263 = arith.maximumf %get3A_262, %while3A_150#9 : vector<16xf32>
      %add3A_264 = arith.constant 144 : i32
      %add3A_265 = arith.addi %mul3A_141, %add3A_264 : i32
      %swap3A_266 = arith.index_cast %add3A_265 : i32 to index
      %swap3A_267 = tpu.vector_load %arg7[%swap3A_266] {strides = array<i32>} : memref<8192xf32, #tpu.memory_space<vmem>>, vector<16xf32>,
      %swap3A_268 = vector.shape_cast %swap3A_267 : vector<16xf32> to vector<16xf32>
      %swap3A_269 = vector.shape_cast %max3A_263 : vector<16xf32> to vector<16xf32>
      tpu.vector_store %arg7[%swap3A_266], %swap3A_269 {strides = array<i32>} : memref<8192xf32, #tpu.memory_space<vmem>>, vector<16xf32>,
      %add3A_270 = arith.constant 160 : i32
      %add3A_271 = arith.addi %mul3A_141, %add3A_270 : i32
      %get3A_272 = arith.index_cast %add3A_271 : i32 to index
      %get3A_273 = tpu.vector_load %arg7[%get3A_272] {strides = array<i32>} : memref<8192xf32, #tpu.memory_space<vmem>>, vector<16xf32>,
      %get3A_274 = vector.shape_cast %get3A_273 : vector<16xf32> to vector<16xf32>
      %max3A_275 = arith.maximumf %get3A_274, %while3A_150#10 : vector<16xf32>
      %add3A_276 = arith.constant 160 : i32
      %add3A_277 = arith.addi %mul3A_141, %add3A_276 : i32
      %swap3A_278 = arith.index_cast %add3A_277 : i32 to index
      %swap3A_279 = tpu.vector_load %arg7[%swap3A_278] {strides = array<i32>} : memref<8192xf32, #tpu.memory_space<vmem>>, vector<16xf32>,
      %swap3A_280 = vector.shape_cast %swap3A_279 : vector<16xf32> to vector<16xf32>
      %swap3A_281 = vector.shape_cast %max3A_275 : vector<16xf32> to vector<16xf32>
      tpu.vector_store %arg7[%swap3A_278], %swap3A_281 {strides = array<i32>} : memref<8192xf32, #tpu.memory_space<vmem>>, vector<16xf32>,
      %add3A_282 = arith.constant 176 : i32
      %add3A_283 = arith.addi %mul3A_141, %add3A_282 : i32
      %get3A_284 = arith.index_cast %add3A_283 : i32 to index
      %get3A_285 = tpu.vector_load %arg7[%get3A_284] {strides = array<i32>} : memref<8192xf32, #tpu.memory_space<vmem>>, vector<16xf32>,
      %get3A_286 = vector.shape_cast %get3A_285 : vector<16xf32> to vector<16xf32>
      %max3A_287 = arith.maximumf %get3A_286, %while3A_150#11 : vector<16xf32>
      %add3A_288 = arith.constant 176 : i32
      %add3A_289 = arith.addi %mul3A_141, %add3A_288 : i32
      %swap3A_290 = arith.index_cast %add3A_289 : i32 to index
      %swap3A_291 = tpu.vector_load %arg7[%swap3A_290] {strides = array<i32>} : memref<8192xf32, #tpu.memory_space<vmem>>, vector<16xf32>,
      %swap3A_292 = vector.shape_cast %swap3A_291 : vector<16xf32> to vector<16xf32>
      %swap3A_293 = vector.shape_cast %max3A_287 : vector<16xf32> to vector<16xf32>
      tpu.vector_store %arg7[%swap3A_290], %swap3A_293 {strides = array<i32>} : memref<8192xf32, #tpu.memory_space<vmem>>, vector<16xf32>,
      %add3A_294 = arith.constant 192 : i32
      %add3A_295 = arith.addi %mul3A_141, %add3A_294 : i32
      %get3A_296 = arith.index_cast %add3A_295 : i32 to index
      %get3A_297 = tpu.vector_load %arg7[%get3A_296] {strides = array<i32>} : memref<8192xf32, #tpu.memory_space<vmem>>, vector<16xf32>,
      %get3A_298 = vector.shape_cast %get3A_297 : vector<16xf32> to vector<16xf32>
      %max3A_299 = arith.maximumf %get3A_298, %while3A_150#12 : vector<16xf32>
      %add3A_300 = arith.constant 192 : i32
      %add3A_301 = arith.addi %mul3A_141, %add3A_300 : i32
      %swap3A_302 = arith.index_cast %add3A_301 : i32 to index
      %swap3A_303 = tpu.vector_load %arg7[%swap3A_302] {strides = array<i32>} : memref<8192xf32, #tpu.memory_space<vmem>>, vector<16xf32>,
      %swap3A_304 = vector.shape_cast %swap3A_303 : vector<16xf32> to vector<16xf32>
      %swap3A_305 = vector.shape_cast %max3A_299 : vector<16xf32> to vector<16xf32>
      tpu.vector_store %arg7[%swap3A_302], %swap3A_305 {strides = array<i32>} : memref<8192xf32, #tpu.memory_space<vmem>>, vector<16xf32>,
      %add3A_306 = arith.constant 208 : i32
      %add3A_307 = arith.addi %mul3A_141, %add3A_306 : i32
      %get3A_308 = arith.index_cast %add3A_307 : i32 to index
      %get3A_309 = tpu.vector_load %arg7[%get3A_308] {strides = array<i32>} : memref<8192xf32, #tpu.memory_space<vmem>>, vector<16xf32>,
      %get3A_310 = vector.shape_cast %get3A_309 : vector<16xf32> to vector<16xf32>
      %max3A_311 = arith.maximumf %get3A_310, %while3A_150#13 : vector<16xf32>
      %add3A_312 = arith.constant 208 : i32
      %add3A_313 = arith.addi %mul3A_141, %add3A_312 : i32
      %swap3A_314 = arith.index_cast %add3A_313 : i32 to index
      %swap3A_315 = tpu.vector_load %arg7[%swap3A_314] {strides = array<i32>} : memref<8192xf32, #tpu.memory_space<vmem>>, vector<16xf32>,
      %swap3A_316 = vector.shape_cast %swap3A_315 : vector<16xf32> to vector<16xf32>
      %swap3A_317 = vector.shape_cast %max3A_311 : vector<16xf32> to vector<16xf32>
      tpu.vector_store %arg7[%swap3A_314], %swap3A_317 {strides = array<i32>} : memref<8192xf32, #tpu.memory_space<vmem>>, vector<16xf32>,
      %add3A_318 = arith.constant 224 : i32
      %add3A_319 = arith.addi %mul3A_141, %add3A_318 : i32
      %get3A_320 = arith.index_cast %add3A_319 : i32 to index
      %get3A_321 = tpu.vector_load %arg7[%get3A_320] {strides = array<i32>} : memref<8192xf32, #tpu.memory_space<vmem>>, vector<16xf32>,
      %get3A_322 = vector.shape_cast %get3A_321 : vector<16xf32> to vector<16xf32>
      %max3A_323 = arith.maximumf %get3A_322, %while3A_150#14 : vector<16xf32>
      %add3A_324 = arith.constant 224 : i32
      %add3A_325 = arith.addi %mul3A_141, %add3A_324 : i32
      %swap3A_326 = arith.index_cast %add3A_325 : i32 to index
      %swap3A_327 = tpu.vector_load %arg7[%swap3A_326] {strides = array<i32>} : memref<8192xf32, #tpu.memory_space<vmem>>, vector<16xf32>,
      %swap3A_328 = vector.shape_cast %swap3A_327 : vector<16xf32> to vector<16xf32>
      %swap3A_329 = vector.shape_cast %max3A_323 : vector<16xf32> to vector<16xf32>
      tpu.vector_store %arg7[%swap3A_326], %swap3A_329 {strides = array<i32>} : memref<8192xf32, #tpu.memory_space<vmem>>, vector<16xf32>,
      %add3A_330 = arith.constant 240 : i32
      %add3A_331 = arith.addi %mul3A_141, %add3A_330 : i32
      %get3A_332 = arith.index_cast %add3A_331 : i32 to index
      %get3A_333 = tpu.vector_load %arg7[%get3A_332] {strides = array<i32>} : memref<8192xf32, #tpu.memory_space<vmem>>, vector<16xf32>,
      %get3A_334 = vector.shape_cast %get3A_333 : vector<16xf32> to vector<16xf32>
      %max3A_335 = arith.maximumf %get3A_334, %while3A_150#15 : vector<16xf32>
      %add3A_336 = arith.constant 240 : i32
      %add3A_337 = arith.addi %mul3A_141, %add3A_336 : i32
      %swap3A_338 = arith.index_cast %add3A_337 : i32 to index
      %swap3A_339 = tpu.vector_load %arg7[%swap3A_338] {strides = array<i32>} : memref<8192xf32, #tpu.memory_space<vmem>>, vector<16xf32>,
      %swap3A_340 = vector.shape_cast %swap3A_339 : vector<16xf32> to vector<16xf32>
      %swap3A_341 = vector.shape_cast %max3A_335 : vector<16xf32> to vector<16xf32>
      tpu.vector_store %arg7[%swap3A_338], %swap3A_341 {strides = array<i32>} : memref<8192xf32, #tpu.memory_space<vmem>>, vector<16xf32>,
    }
    %scan3A_130 = arith.constant 31 : i32
    "tpu.region"() ({
      %run_scoped3A = tpu.sem_alloc : memref<!tpu.dma_semaphore, #tpu.memory_space<semaphore_mem>>
      %dma_start3A_131 = arith.constant 0 : i32
      %dma_start3A_132 = tpu.memref_slice %arg4[%select_n3A, %select_n3A_30, %dma_start3A_131] : memref<8x4x8192xf32, #tpu.memory_space<hbm>> -> memref<1x1x8192xf32, #tpu.memory_space<hbm>>
      %dma_start3A_133 = tpu.memref_squeeze %dma_start3A_132 : memref<1x1x8192xf32, #tpu.memory_space<hbm>> -> memref<8192xf32, #tpu.memory_space<hbm>>
      %dma_start3A_134 = arith.constant 0 : i32
      %dma_start3A_135 = tpu.memref_slice %arg4[%select_n3A, %select_n3A_30, %dma_start3A_134] : memref<8x4x8192xf32, #tpu.memory_space<hbm>> -> memref<1x1x8192xf32, #tpu.memory_space<hbm>>
      %dma_start3A_136 = tpu.memref_squeeze %dma_start3A_135 : memref<1x1x8192xf32, #tpu.memory_space<hbm>> -> memref<8192xf32, #tpu.memory_space<hbm>>
      tpu.enqueue_dma source(%arg7 : memref<8192xf32, #tpu.memory_space<vmem>>) target(%dma_start3A_136 : memref<8192xf32, #tpu.memory_space<hbm>>) target_semaphore(%run_scoped3A : memref<!tpu.dma_semaphore, #tpu.memory_space<semaphore_mem>>)
      %dma_wait3A_137 = arith.constant 0 : i32
      %dma_wait3A_138 = tpu.memref_slice %arg4[%select_n3A, %select_n3A_30, %dma_wait3A_137] : memref<8x4x8192xf32, #tpu.memory_space<hbm>> -> memref<1x1x8192xf32, #tpu.memory_space<hbm>>
      %dma_wait3A_139 = tpu.memref_squeeze %dma_wait3A_138 : memref<1x1x8192xf32, #tpu.memory_space<hbm>> -> memref<8192xf32, #tpu.memory_space<hbm>>
      %dma_wait3A_140 = arith.constant 0 : i32
      %dma_wait3A_141 = tpu.memref_slice %arg4[%select_n3A, %select_n3A_30, %dma_wait3A_140] : memref<8x4x8192xf32, #tpu.memory_space<hbm>> -> memref<1x1x8192xf32, #tpu.memory_space<hbm>>
      %dma_wait3A_142 = tpu.memref_squeeze %dma_wait3A_141 : memref<1x1x8192xf32, #tpu.memory_space<hbm>> -> memref<8192xf32, #tpu.memory_space<hbm>>
      tpu.wait_dma2 semaphore(%run_scoped3A : memref<!tpu.dma_semaphore, #tpu.memory_space<semaphore_mem>>) src(%arg7 : memref<8192xf32, #tpu.memory_space<vmem>>) dst(%dma_wait3A_142 : memref<8192xf32, #tpu.memory_space<hbm>>)
      tpu.yield
    }) : () -> ()
    return
  }
}

module attributes {stable_mosaic.version = 14 : i64} {
  func.func @_ffn_body(%arg0: i32, %arg1: memref<1x1x48xi32, #tpu.memory_space<vmem>>, %arg2: memref<1x256x1xi32, #tpu.memory_space<vmem>>, %arg3: memref<1x256x1xi32, #tpu.memory_space<vmem>>, %arg4: memref<1x4x32x256xf32, #tpu.memory_space<vmem>>, %arg5: memref<1x16x256xf32, #tpu.memory_space<vmem>>, %arg6: memref<256x16xf32, #tpu.memory_space<vmem>>, %arg7: memref<256x16xf32, #tpu.memory_space<vmem>>, %arg8: memref<768x1152xf32, #tpu.memory_space<vmem>>, %arg9: memref<1x1152xf32, #tpu.memory_space<vmem>>, %arg10: memref<1152x256xf32, #tpu.memory_space<vmem>>, %arg11: memref<1x256xf32, #tpu.memory_space<vmem>>, %arg12: memref<1x256x256xf32, #tpu.memory_space<vmem>>) attributes {dimension_semantics = [#tpu.dimension_semantics<arbitrary>], iteration_bounds = array<i64: 8>, scalar_prefetch = 0 : i64, scratch_operands = 0 : i64, tpu.core_type = #tpu.core_type<tc>, window_params = [{transform_indices = @transform_0, window_bounds = array<i64: 1, 1, 48>}, {transform_indices = @transform_1, window_bounds = array<i64: 1, 256, 1>}, {transform_indices = @transform_2, window_bounds = array<i64: 1, 256, 1>}, {transform_indices = @transform_3, window_bounds = array<i64: 1, 4, 32, 256>}, {transform_indices = @transform_4, window_bounds = array<i64: 1, 16, 256>}, {pipeline_mode = #tpu.pipeline_mode<synchronous>, transform_indices = @transform_5, window_bounds = array<i64: 256, 16>}, {pipeline_mode = #tpu.pipeline_mode<synchronous>, transform_indices = @transform_6, window_bounds = array<i64: 256, 16>}, {pipeline_mode = #tpu.pipeline_mode<synchronous>, transform_indices = @transform_7, window_bounds = array<i64: 768, 1152>}, {pipeline_mode = #tpu.pipeline_mode<synchronous>, transform_indices = @transform_8, window_bounds = array<i64: 1, 1152>}, {pipeline_mode = #tpu.pipeline_mode<synchronous>, transform_indices = @transform_9, window_bounds = array<i64: 1152, 256>}, {pipeline_mode = #tpu.pipeline_mode<synchronous>, transform_indices = @transform_10, window_bounds = array<i64: 1, 256>}, {transform_indices = @transform_11, window_bounds = array<i64: 1, 256, 256>}]} {
    %get3A = arith.constant 0 : index
    %get3A_0 = arith.constant 0 : index
    %get3A_1 = vector.load %arg6[%get3A, %get3A_0] : memref<256x16xf32, #tpu.memory_space<vmem>>, vector<256x16xf32>
    %get3A_2 = arith.constant 0 : index
    %get3A_3 = arith.constant 0 : index
    %get3A_4 = vector.load %arg7[%get3A_2, %get3A_3] : memref<256x16xf32, #tpu.memory_space<vmem>>, vector<256x16xf32>
    %get3A_5 = arith.constant 0 : index
    %get3A_6 = arith.constant 0 : index
    %get3A_7 = arith.constant 0 : index
    %get3A_8 = vector.load %arg1[%get3A_5, %get3A_6, %get3A_7] : memref<1x1x48xi32, #tpu.memory_space<vmem>>, vector<1x1x48xi32>
    %get3A_9 = vector.shape_cast %get3A_8 : vector<1x1x48xi32> to vector<1x48xi32>
    %get3A_10 = arith.constant 0 : index
    %get3A_11 = arith.constant 0 : index
    %get3A_12 = arith.constant 0 : index
    %get3A_13 = vector.load %arg2[%get3A_10, %get3A_11, %get3A_12] : memref<1x256x1xi32, #tpu.memory_space<vmem>>, vector<1x256x1xi32>
    %get3A_14 = vector.shape_cast %get3A_13 : vector<1x256x1xi32> to vector<256x1xi32>
    %get3A_15 = arith.constant 0 : index
    %get3A_16 = arith.constant 0 : index
    %get3A_17 = arith.constant 0 : index
    %get3A_18 = vector.load %arg3[%get3A_15, %get3A_16, %get3A_17] : memref<1x256x1xi32, #tpu.memory_space<vmem>>, vector<1x256x1xi32>
    %get3A_19 = vector.shape_cast %get3A_18 : vector<1x256x1xi32> to vector<256x1xi32>
    %slice3A = vector.extract_strided_slice %get3A_9 {offsets = [0, 0], sizes = [1, 31], strides = [1, 1]} : vector<1x48xi32> to vector<1x31xi32>
    %slice3A_20 = vector.extract_strided_slice %get3A_9 {offsets = [0, 1], sizes = [1, 31], strides = [1, 1]} : vector<1x48xi32> to vector<1x31xi32>
    %ge3A = vector.broadcast %slice3A : vector<1x31xi32> to vector<256x31xi32>
    %ge3A_21 = vector.broadcast %get3A_14 : vector<256x1xi32> to vector<256x31xi32>
    %ge3A_22 = arith.cmpi sge, %ge3A, %ge3A_21 : vector<256x31xi32>
    %le3A = vector.broadcast %slice3A_20 : vector<1x31xi32> to vector<256x31xi32>
    %le3A_23 = vector.broadcast %get3A_19 : vector<256x1xi32> to vector<256x31xi32>
    %le3A_24 = arith.cmpi sle, %le3A, %le3A_23 : vector<256x31xi32>
    %and3A = arith.andi %ge3A_22, %le3A_24 : vector<256x31xi1>
    %get3A_25 = arith.constant 0 : index
    %get3A_26 = arith.constant 0 : index
    %get3A_27 = arith.constant 0 : index
    %get3A_28 = arith.constant 0 : index
    %get3A_29 = vector.load %arg4[%get3A_25, %get3A_26, %get3A_27, %get3A_28] : memref<1x4x32x256xf32, #tpu.memory_space<vmem>>, vector<1x4x32x256xf32>
    %get3A_30 = vector.shape_cast %get3A_29 : vector<1x4x32x256xf32> to vector<4x32x256xf32>
    %reduce_max3A = arith.constant dense<0xFF800000> : vector<32x256xf32>
    %reduce_max3A_31 = vector.multi_reduction <maximumf>, %get3A_30, %reduce_max3A [0] : vector<4x32x256xf32> to vector<32x256xf32>
    %broadcast_in_dim3A = arith.constant 0xFF800000 : f32
    %broadcast_in_dim3A_32 = vector.broadcast %broadcast_in_dim3A : f32 to vector<256x256xf32>
    %slice3A_33 = vector.extract_strided_slice %reduce_max3A_31 {offsets = [0, 0], sizes = [1, 256], strides = [1, 1]} : vector<32x256xf32> to vector<1x256xf32>
    %slice3A_34 = vector.extract_strided_slice %and3A {offsets = [0, 0], sizes = [256, 1], strides = [1, 1]} : vector<256x31xi1> to vector<256x1xi1>
    %jit3A = arith.constant 0xFF800000 : f32
    %broadcast_in_dim3A_35 = vector.shape_cast %slice3A_34 : vector<256x1xi1> to vector<256x1xi1>
    %broadcast_in_dim3A_36 = vector.broadcast %broadcast_in_dim3A_35 : vector<256x1xi1> to vector<256x256xi1>
    %broadcast_in_dim3A_37 = vector.shape_cast %slice3A_33 : vector<1x256xf32> to vector<1x256xf32>
    %broadcast_in_dim3A_38 = vector.broadcast %broadcast_in_dim3A_37 : vector<1x256xf32> to vector<256x256xf32>
    %broadcast_in_dim3A_39 = vector.broadcast %jit3A : f32 to vector<256x256xf32>
    %select_n3A = arith.select %broadcast_in_dim3A_36, %broadcast_in_dim3A_38, %broadcast_in_dim3A_39 : vector<256x256xi1>, vector<256x256xf32>
    %max3A = arith.maximumf %broadcast_in_dim3A_32, %select_n3A : vector<256x256xf32>
    %slice3A_40 = vector.extract_strided_slice %reduce_max3A_31 {offsets = [1, 0], sizes = [1, 256], strides = [1, 1]} : vector<32x256xf32> to vector<1x256xf32>
    %slice3A_41 = vector.extract_strided_slice %and3A {offsets = [0, 1], sizes = [256, 1], strides = [1, 1]} : vector<256x31xi1> to vector<256x1xi1>
    %jit3A_42 = arith.constant 0xFF800000 : f32
    %broadcast_in_dim3A_43 = vector.shape_cast %slice3A_41 : vector<256x1xi1> to vector<256x1xi1>
    %broadcast_in_dim3A_44 = vector.broadcast %broadcast_in_dim3A_43 : vector<256x1xi1> to vector<256x256xi1>
    %broadcast_in_dim3A_45 = vector.shape_cast %slice3A_40 : vector<1x256xf32> to vector<1x256xf32>
    %broadcast_in_dim3A_46 = vector.broadcast %broadcast_in_dim3A_45 : vector<1x256xf32> to vector<256x256xf32>
    %broadcast_in_dim3A_47 = vector.broadcast %jit3A_42 : f32 to vector<256x256xf32>
    %select_n3A_48 = arith.select %broadcast_in_dim3A_44, %broadcast_in_dim3A_46, %broadcast_in_dim3A_47 : vector<256x256xi1>, vector<256x256xf32>
    %max3A_49 = arith.maximumf %max3A, %select_n3A_48 : vector<256x256xf32>
    %slice3A_50 = vector.extract_strided_slice %reduce_max3A_31 {offsets = [2, 0], sizes = [1, 256], strides = [1, 1]} : vector<32x256xf32> to vector<1x256xf32>
    %slice3A_51 = vector.extract_strided_slice %and3A {offsets = [0, 2], sizes = [256, 1], strides = [1, 1]} : vector<256x31xi1> to vector<256x1xi1>
    %jit3A_52 = arith.constant 0xFF800000 : f32
    %broadcast_in_dim3A_53 = vector.shape_cast %slice3A_51 : vector<256x1xi1> to vector<256x1xi1>
    %broadcast_in_dim3A_54 = vector.broadcast %broadcast_in_dim3A_53 : vector<256x1xi1> to vector<256x256xi1>
    %broadcast_in_dim3A_55 = vector.shape_cast %slice3A_50 : vector<1x256xf32> to vector<1x256xf32>
    %broadcast_in_dim3A_56 = vector.broadcast %broadcast_in_dim3A_55 : vector<1x256xf32> to vector<256x256xf32>
    %broadcast_in_dim3A_57 = vector.broadcast %jit3A_52 : f32 to vector<256x256xf32>
    %select_n3A_58 = arith.select %broadcast_in_dim3A_54, %broadcast_in_dim3A_56, %broadcast_in_dim3A_57 : vector<256x256xi1>, vector<256x256xf32>
    %max3A_59 = arith.maximumf %max3A_49, %select_n3A_58 : vector<256x256xf32>
    %slice3A_60 = vector.extract_strided_slice %reduce_max3A_31 {offsets = [3, 0], sizes = [1, 256], strides = [1, 1]} : vector<32x256xf32> to vector<1x256xf32>
    %slice3A_61 = vector.extract_strided_slice %and3A {offsets = [0, 3], sizes = [256, 1], strides = [1, 1]} : vector<256x31xi1> to vector<256x1xi1>
    %jit3A_62 = arith.constant 0xFF800000 : f32
    %broadcast_in_dim3A_63 = vector.shape_cast %slice3A_61 : vector<256x1xi1> to vector<256x1xi1>
    %broadcast_in_dim3A_64 = vector.broadcast %broadcast_in_dim3A_63 : vector<256x1xi1> to vector<256x256xi1>
    %broadcast_in_dim3A_65 = vector.shape_cast %slice3A_60 : vector<1x256xf32> to vector<1x256xf32>
    %broadcast_in_dim3A_66 = vector.broadcast %broadcast_in_dim3A_65 : vector<1x256xf32> to vector<256x256xf32>
    %broadcast_in_dim3A_67 = vector.broadcast %jit3A_62 : f32 to vector<256x256xf32>
    %select_n3A_68 = arith.select %broadcast_in_dim3A_64, %broadcast_in_dim3A_66, %broadcast_in_dim3A_67 : vector<256x256xi1>, vector<256x256xf32>
    %max3A_69 = arith.maximumf %max3A_59, %select_n3A_68 : vector<256x256xf32>
    %slice3A_70 = vector.extract_strided_slice %reduce_max3A_31 {offsets = [4, 0], sizes = [1, 256], strides = [1, 1]} : vector<32x256xf32> to vector<1x256xf32>
    %slice3A_71 = vector.extract_strided_slice %and3A {offsets = [0, 4], sizes = [256, 1], strides = [1, 1]} : vector<256x31xi1> to vector<256x1xi1>
    %jit3A_72 = arith.constant 0xFF800000 : f32
    %broadcast_in_dim3A_73 = vector.shape_cast %slice3A_71 : vector<256x1xi1> to vector<256x1xi1>
    %broadcast_in_dim3A_74 = vector.broadcast %broadcast_in_dim3A_73 : vector<256x1xi1> to vector<256x256xi1>
    %broadcast_in_dim3A_75 = vector.shape_cast %slice3A_70 : vector<1x256xf32> to vector<1x256xf32>
    %broadcast_in_dim3A_76 = vector.broadcast %broadcast_in_dim3A_75 : vector<1x256xf32> to vector<256x256xf32>
    %broadcast_in_dim3A_77 = vector.broadcast %jit3A_72 : f32 to vector<256x256xf32>
    %select_n3A_78 = arith.select %broadcast_in_dim3A_74, %broadcast_in_dim3A_76, %broadcast_in_dim3A_77 : vector<256x256xi1>, vector<256x256xf32>
    %max3A_79 = arith.maximumf %max3A_69, %select_n3A_78 : vector<256x256xf32>
    %slice3A_80 = vector.extract_strided_slice %reduce_max3A_31 {offsets = [5, 0], sizes = [1, 256], strides = [1, 1]} : vector<32x256xf32> to vector<1x256xf32>
    %slice3A_81 = vector.extract_strided_slice %and3A {offsets = [0, 5], sizes = [256, 1], strides = [1, 1]} : vector<256x31xi1> to vector<256x1xi1>
    %jit3A_82 = arith.constant 0xFF800000 : f32
    %broadcast_in_dim3A_83 = vector.shape_cast %slice3A_81 : vector<256x1xi1> to vector<256x1xi1>
    %broadcast_in_dim3A_84 = vector.broadcast %broadcast_in_dim3A_83 : vector<256x1xi1> to vector<256x256xi1>
    %broadcast_in_dim3A_85 = vector.shape_cast %slice3A_80 : vector<1x256xf32> to vector<1x256xf32>
    %broadcast_in_dim3A_86 = vector.broadcast %broadcast_in_dim3A_85 : vector<1x256xf32> to vector<256x256xf32>
    %broadcast_in_dim3A_87 = vector.broadcast %jit3A_82 : f32 to vector<256x256xf32>
    %select_n3A_88 = arith.select %broadcast_in_dim3A_84, %broadcast_in_dim3A_86, %broadcast_in_dim3A_87 : vector<256x256xi1>, vector<256x256xf32>
    %max3A_89 = arith.maximumf %max3A_79, %select_n3A_88 : vector<256x256xf32>
    %slice3A_90 = vector.extract_strided_slice %reduce_max3A_31 {offsets = [6, 0], sizes = [1, 256], strides = [1, 1]} : vector<32x256xf32> to vector<1x256xf32>
    %slice3A_91 = vector.extract_strided_slice %and3A {offsets = [0, 6], sizes = [256, 1], strides = [1, 1]} : vector<256x31xi1> to vector<256x1xi1>
    %jit3A_92 = arith.constant 0xFF800000 : f32
    %broadcast_in_dim3A_93 = vector.shape_cast %slice3A_91 : vector<256x1xi1> to vector<256x1xi1>
    %broadcast_in_dim3A_94 = vector.broadcast %broadcast_in_dim3A_93 : vector<256x1xi1> to vector<256x256xi1>
    %broadcast_in_dim3A_95 = vector.shape_cast %slice3A_90 : vector<1x256xf32> to vector<1x256xf32>
    %broadcast_in_dim3A_96 = vector.broadcast %broadcast_in_dim3A_95 : vector<1x256xf32> to vector<256x256xf32>
    %broadcast_in_dim3A_97 = vector.broadcast %jit3A_92 : f32 to vector<256x256xf32>
    %select_n3A_98 = arith.select %broadcast_in_dim3A_94, %broadcast_in_dim3A_96, %broadcast_in_dim3A_97 : vector<256x256xi1>, vector<256x256xf32>
    %max3A_99 = arith.maximumf %max3A_89, %select_n3A_98 : vector<256x256xf32>
    %slice3A_100 = vector.extract_strided_slice %reduce_max3A_31 {offsets = [7, 0], sizes = [1, 256], strides = [1, 1]} : vector<32x256xf32> to vector<1x256xf32>
    %slice3A_101 = vector.extract_strided_slice %and3A {offsets = [0, 7], sizes = [256, 1], strides = [1, 1]} : vector<256x31xi1> to vector<256x1xi1>
    %jit3A_102 = arith.constant 0xFF800000 : f32
    %broadcast_in_dim3A_103 = vector.shape_cast %slice3A_101 : vector<256x1xi1> to vector<256x1xi1>
    %broadcast_in_dim3A_104 = vector.broadcast %broadcast_in_dim3A_103 : vector<256x1xi1> to vector<256x256xi1>
    %broadcast_in_dim3A_105 = vector.shape_cast %slice3A_100 : vector<1x256xf32> to vector<1x256xf32>
    %broadcast_in_dim3A_106 = vector.broadcast %broadcast_in_dim3A_105 : vector<1x256xf32> to vector<256x256xf32>
    %broadcast_in_dim3A_107 = vector.broadcast %jit3A_102 : f32 to vector<256x256xf32>
    %select_n3A_108 = arith.select %broadcast_in_dim3A_104, %broadcast_in_dim3A_106, %broadcast_in_dim3A_107 : vector<256x256xi1>, vector<256x256xf32>
    %max3A_109 = arith.maximumf %max3A_99, %select_n3A_108 : vector<256x256xf32>
    %slice3A_110 = vector.extract_strided_slice %reduce_max3A_31 {offsets = [8, 0], sizes = [1, 256], strides = [1, 1]} : vector<32x256xf32> to vector<1x256xf32>
    %slice3A_111 = vector.extract_strided_slice %and3A {offsets = [0, 8], sizes = [256, 1], strides = [1, 1]} : vector<256x31xi1> to vector<256x1xi1>
    %jit3A_112 = arith.constant 0xFF800000 : f32
    %broadcast_in_dim3A_113 = vector.shape_cast %slice3A_111 : vector<256x1xi1> to vector<256x1xi1>
    %broadcast_in_dim3A_114 = vector.broadcast %broadcast_in_dim3A_113 : vector<256x1xi1> to vector<256x256xi1>
    %broadcast_in_dim3A_115 = vector.shape_cast %slice3A_110 : vector<1x256xf32> to vector<1x256xf32>
    %broadcast_in_dim3A_116 = vector.broadcast %broadcast_in_dim3A_115 : vector<1x256xf32> to vector<256x256xf32>
    %broadcast_in_dim3A_117 = vector.broadcast %jit3A_112 : f32 to vector<256x256xf32>
    %select_n3A_118 = arith.select %broadcast_in_dim3A_114, %broadcast_in_dim3A_116, %broadcast_in_dim3A_117 : vector<256x256xi1>, vector<256x256xf32>
    %max3A_119 = arith.maximumf %max3A_109, %select_n3A_118 : vector<256x256xf32>
    %slice3A_120 = vector.extract_strided_slice %reduce_max3A_31 {offsets = [9, 0], sizes = [1, 256], strides = [1, 1]} : vector<32x256xf32> to vector<1x256xf32>
    %slice3A_121 = vector.extract_strided_slice %and3A {offsets = [0, 9], sizes = [256, 1], strides = [1, 1]} : vector<256x31xi1> to vector<256x1xi1>
    %jit3A_122 = arith.constant 0xFF800000 : f32
    %broadcast_in_dim3A_123 = vector.shape_cast %slice3A_121 : vector<256x1xi1> to vector<256x1xi1>
    %broadcast_in_dim3A_124 = vector.broadcast %broadcast_in_dim3A_123 : vector<256x1xi1> to vector<256x256xi1>
    %broadcast_in_dim3A_125 = vector.shape_cast %slice3A_120 : vector<1x256xf32> to vector<1x256xf32>
    %broadcast_in_dim3A_126 = vector.broadcast %broadcast_in_dim3A_125 : vector<1x256xf32> to vector<256x256xf32>
    %broadcast_in_dim3A_127 = vector.broadcast %jit3A_122 : f32 to vector<256x256xf32>
    %select_n3A_128 = arith.select %broadcast_in_dim3A_124, %broadcast_in_dim3A_126, %broadcast_in_dim3A_127 : vector<256x256xi1>, vector<256x256xf32>
    %max3A_129 = arith.maximumf %max3A_119, %select_n3A_128 : vector<256x256xf32>
    %slice3A_130 = vector.extract_strided_slice %reduce_max3A_31 {offsets = [10, 0], sizes = [1, 256], strides = [1, 1]} : vector<32x256xf32> to vector<1x256xf32>
    %slice3A_131 = vector.extract_strided_slice %and3A {offsets = [0, 10], sizes = [256, 1], strides = [1, 1]} : vector<256x31xi1> to vector<256x1xi1>
    %jit3A_132 = arith.constant 0xFF800000 : f32
    %broadcast_in_dim3A_133 = vector.shape_cast %slice3A_131 : vector<256x1xi1> to vector<256x1xi1>
    %broadcast_in_dim3A_134 = vector.broadcast %broadcast_in_dim3A_133 : vector<256x1xi1> to vector<256x256xi1>
    %broadcast_in_dim3A_135 = vector.shape_cast %slice3A_130 : vector<1x256xf32> to vector<1x256xf32>
    %broadcast_in_dim3A_136 = vector.broadcast %broadcast_in_dim3A_135 : vector<1x256xf32> to vector<256x256xf32>
    %broadcast_in_dim3A_137 = vector.broadcast %jit3A_132 : f32 to vector<256x256xf32>
    %select_n3A_138 = arith.select %broadcast_in_dim3A_134, %broadcast_in_dim3A_136, %broadcast_in_dim3A_137 : vector<256x256xi1>, vector<256x256xf32>
    %max3A_139 = arith.maximumf %max3A_129, %select_n3A_138 : vector<256x256xf32>
    %slice3A_140 = vector.extract_strided_slice %reduce_max3A_31 {offsets = [11, 0], sizes = [1, 256], strides = [1, 1]} : vector<32x256xf32> to vector<1x256xf32>
    %slice3A_141 = vector.extract_strided_slice %and3A {offsets = [0, 11], sizes = [256, 1], strides = [1, 1]} : vector<256x31xi1> to vector<256x1xi1>
    %jit3A_142 = arith.constant 0xFF800000 : f32
    %broadcast_in_dim3A_143 = vector.shape_cast %slice3A_141 : vector<256x1xi1> to vector<256x1xi1>
    %broadcast_in_dim3A_144 = vector.broadcast %broadcast_in_dim3A_143 : vector<256x1xi1> to vector<256x256xi1>
    %broadcast_in_dim3A_145 = vector.shape_cast %slice3A_140 : vector<1x256xf32> to vector<1x256xf32>
    %broadcast_in_dim3A_146 = vector.broadcast %broadcast_in_dim3A_145 : vector<1x256xf32> to vector<256x256xf32>
    %broadcast_in_dim3A_147 = vector.broadcast %jit3A_142 : f32 to vector<256x256xf32>
    %select_n3A_148 = arith.select %broadcast_in_dim3A_144, %broadcast_in_dim3A_146, %broadcast_in_dim3A_147 : vector<256x256xi1>, vector<256x256xf32>
    %max3A_149 = arith.maximumf %max3A_139, %select_n3A_148 : vector<256x256xf32>
    %slice3A_150 = vector.extract_strided_slice %reduce_max3A_31 {offsets = [12, 0], sizes = [1, 256], strides = [1, 1]} : vector<32x256xf32> to vector<1x256xf32>
    %slice3A_151 = vector.extract_strided_slice %and3A {offsets = [0, 12], sizes = [256, 1], strides = [1, 1]} : vector<256x31xi1> to vector<256x1xi1>
    %jit3A_152 = arith.constant 0xFF800000 : f32
    %broadcast_in_dim3A_153 = vector.shape_cast %slice3A_151 : vector<256x1xi1> to vector<256x1xi1>
    %broadcast_in_dim3A_154 = vector.broadcast %broadcast_in_dim3A_153 : vector<256x1xi1> to vector<256x256xi1>
    %broadcast_in_dim3A_155 = vector.shape_cast %slice3A_150 : vector<1x256xf32> to vector<1x256xf32>
    %broadcast_in_dim3A_156 = vector.broadcast %broadcast_in_dim3A_155 : vector<1x256xf32> to vector<256x256xf32>
    %broadcast_in_dim3A_157 = vector.broadcast %jit3A_152 : f32 to vector<256x256xf32>
    %select_n3A_158 = arith.select %broadcast_in_dim3A_154, %broadcast_in_dim3A_156, %broadcast_in_dim3A_157 : vector<256x256xi1>, vector<256x256xf32>
    %max3A_159 = arith.maximumf %max3A_149, %select_n3A_158 : vector<256x256xf32>
    %slice3A_160 = vector.extract_strided_slice %reduce_max3A_31 {offsets = [13, 0], sizes = [1, 256], strides = [1, 1]} : vector<32x256xf32> to vector<1x256xf32>
    %slice3A_161 = vector.extract_strided_slice %and3A {offsets = [0, 13], sizes = [256, 1], strides = [1, 1]} : vector<256x31xi1> to vector<256x1xi1>
    %jit3A_162 = arith.constant 0xFF800000 : f32
    %broadcast_in_dim3A_163 = vector.shape_cast %slice3A_161 : vector<256x1xi1> to vector<256x1xi1>
    %broadcast_in_dim3A_164 = vector.broadcast %broadcast_in_dim3A_163 : vector<256x1xi1> to vector<256x256xi1>
    %broadcast_in_dim3A_165 = vector.shape_cast %slice3A_160 : vector<1x256xf32> to vector<1x256xf32>
    %broadcast_in_dim3A_166 = vector.broadcast %broadcast_in_dim3A_165 : vector<1x256xf32> to vector<256x256xf32>
    %broadcast_in_dim3A_167 = vector.broadcast %jit3A_162 : f32 to vector<256x256xf32>
    %select_n3A_168 = arith.select %broadcast_in_dim3A_164, %broadcast_in_dim3A_166, %broadcast_in_dim3A_167 : vector<256x256xi1>, vector<256x256xf32>
    %max3A_169 = arith.maximumf %max3A_159, %select_n3A_168 : vector<256x256xf32>
    %slice3A_170 = vector.extract_strided_slice %reduce_max3A_31 {offsets = [14, 0], sizes = [1, 256], strides = [1, 1]} : vector<32x256xf32> to vector<1x256xf32>
    %slice3A_171 = vector.extract_strided_slice %and3A {offsets = [0, 14], sizes = [256, 1], strides = [1, 1]} : vector<256x31xi1> to vector<256x1xi1>
    %jit3A_172 = arith.constant 0xFF800000 : f32
    %broadcast_in_dim3A_173 = vector.shape_cast %slice3A_171 : vector<256x1xi1> to vector<256x1xi1>
    %broadcast_in_dim3A_174 = vector.broadcast %broadcast_in_dim3A_173 : vector<256x1xi1> to vector<256x256xi1>
    %broadcast_in_dim3A_175 = vector.shape_cast %slice3A_170 : vector<1x256xf32> to vector<1x256xf32>
    %broadcast_in_dim3A_176 = vector.broadcast %broadcast_in_dim3A_175 : vector<1x256xf32> to vector<256x256xf32>
    %broadcast_in_dim3A_177 = vector.broadcast %jit3A_172 : f32 to vector<256x256xf32>
    %select_n3A_178 = arith.select %broadcast_in_dim3A_174, %broadcast_in_dim3A_176, %broadcast_in_dim3A_177 : vector<256x256xi1>, vector<256x256xf32>
    %max3A_179 = arith.maximumf %max3A_169, %select_n3A_178 : vector<256x256xf32>
    %slice3A_180 = vector.extract_strided_slice %reduce_max3A_31 {offsets = [15, 0], sizes = [1, 256], strides = [1, 1]} : vector<32x256xf32> to vector<1x256xf32>
    %slice3A_181 = vector.extract_strided_slice %and3A {offsets = [0, 15], sizes = [256, 1], strides = [1, 1]} : vector<256x31xi1> to vector<256x1xi1>
    %jit3A_182 = arith.constant 0xFF800000 : f32
    %broadcast_in_dim3A_183 = vector.shape_cast %slice3A_181 : vector<256x1xi1> to vector<256x1xi1>
    %broadcast_in_dim3A_184 = vector.broadcast %broadcast_in_dim3A_183 : vector<256x1xi1> to vector<256x256xi1>
    %broadcast_in_dim3A_185 = vector.shape_cast %slice3A_180 : vector<1x256xf32> to vector<1x256xf32>
    %broadcast_in_dim3A_186 = vector.broadcast %broadcast_in_dim3A_185 : vector<1x256xf32> to vector<256x256xf32>
    %broadcast_in_dim3A_187 = vector.broadcast %jit3A_182 : f32 to vector<256x256xf32>
    %select_n3A_188 = arith.select %broadcast_in_dim3A_184, %broadcast_in_dim3A_186, %broadcast_in_dim3A_187 : vector<256x256xi1>, vector<256x256xf32>
    %max3A_189 = arith.maximumf %max3A_179, %select_n3A_188 : vector<256x256xf32>
    %slice3A_190 = vector.extract_strided_slice %reduce_max3A_31 {offsets = [16, 0], sizes = [1, 256], strides = [1, 1]} : vector<32x256xf32> to vector<1x256xf32>
    %slice3A_191 = vector.extract_strided_slice %and3A {offsets = [0, 16], sizes = [256, 1], strides = [1, 1]} : vector<256x31xi1> to vector<256x1xi1>
    %jit3A_192 = arith.constant 0xFF800000 : f32
    %broadcast_in_dim3A_193 = vector.shape_cast %slice3A_191 : vector<256x1xi1> to vector<256x1xi1>
    %broadcast_in_dim3A_194 = vector.broadcast %broadcast_in_dim3A_193 : vector<256x1xi1> to vector<256x256xi1>
    %broadcast_in_dim3A_195 = vector.shape_cast %slice3A_190 : vector<1x256xf32> to vector<1x256xf32>
    %broadcast_in_dim3A_196 = vector.broadcast %broadcast_in_dim3A_195 : vector<1x256xf32> to vector<256x256xf32>
    %broadcast_in_dim3A_197 = vector.broadcast %jit3A_192 : f32 to vector<256x256xf32>
    %select_n3A_198 = arith.select %broadcast_in_dim3A_194, %broadcast_in_dim3A_196, %broadcast_in_dim3A_197 : vector<256x256xi1>, vector<256x256xf32>
    %max3A_199 = arith.maximumf %max3A_189, %select_n3A_198 : vector<256x256xf32>
    %slice3A_200 = vector.extract_strided_slice %reduce_max3A_31 {offsets = [17, 0], sizes = [1, 256], strides = [1, 1]} : vector<32x256xf32> to vector<1x256xf32>
    %slice3A_201 = vector.extract_strided_slice %and3A {offsets = [0, 17], sizes = [256, 1], strides = [1, 1]} : vector<256x31xi1> to vector<256x1xi1>
    %jit3A_202 = arith.constant 0xFF800000 : f32
    %broadcast_in_dim3A_203 = vector.shape_cast %slice3A_201 : vector<256x1xi1> to vector<256x1xi1>
    %broadcast_in_dim3A_204 = vector.broadcast %broadcast_in_dim3A_203 : vector<256x1xi1> to vector<256x256xi1>
    %broadcast_in_dim3A_205 = vector.shape_cast %slice3A_200 : vector<1x256xf32> to vector<1x256xf32>
    %broadcast_in_dim3A_206 = vector.broadcast %broadcast_in_dim3A_205 : vector<1x256xf32> to vector<256x256xf32>
    %broadcast_in_dim3A_207 = vector.broadcast %jit3A_202 : f32 to vector<256x256xf32>
    %select_n3A_208 = arith.select %broadcast_in_dim3A_204, %broadcast_in_dim3A_206, %broadcast_in_dim3A_207 : vector<256x256xi1>, vector<256x256xf32>
    %max3A_209 = arith.maximumf %max3A_199, %select_n3A_208 : vector<256x256xf32>
    %slice3A_210 = vector.extract_strided_slice %reduce_max3A_31 {offsets = [18, 0], sizes = [1, 256], strides = [1, 1]} : vector<32x256xf32> to vector<1x256xf32>
    %slice3A_211 = vector.extract_strided_slice %and3A {offsets = [0, 18], sizes = [256, 1], strides = [1, 1]} : vector<256x31xi1> to vector<256x1xi1>
    %jit3A_212 = arith.constant 0xFF800000 : f32
    %broadcast_in_dim3A_213 = vector.shape_cast %slice3A_211 : vector<256x1xi1> to vector<256x1xi1>
    %broadcast_in_dim3A_214 = vector.broadcast %broadcast_in_dim3A_213 : vector<256x1xi1> to vector<256x256xi1>
    %broadcast_in_dim3A_215 = vector.shape_cast %slice3A_210 : vector<1x256xf32> to vector<1x256xf32>
    %broadcast_in_dim3A_216 = vector.broadcast %broadcast_in_dim3A_215 : vector<1x256xf32> to vector<256x256xf32>
    %broadcast_in_dim3A_217 = vector.broadcast %jit3A_212 : f32 to vector<256x256xf32>
    %select_n3A_218 = arith.select %broadcast_in_dim3A_214, %broadcast_in_dim3A_216, %broadcast_in_dim3A_217 : vector<256x256xi1>, vector<256x256xf32>
    %max3A_219 = arith.maximumf %max3A_209, %select_n3A_218 : vector<256x256xf32>
    %slice3A_220 = vector.extract_strided_slice %reduce_max3A_31 {offsets = [19, 0], sizes = [1, 256], strides = [1, 1]} : vector<32x256xf32> to vector<1x256xf32>
    %slice3A_221 = vector.extract_strided_slice %and3A {offsets = [0, 19], sizes = [256, 1], strides = [1, 1]} : vector<256x31xi1> to vector<256x1xi1>
    %jit3A_222 = arith.constant 0xFF800000 : f32
    %broadcast_in_dim3A_223 = vector.shape_cast %slice3A_221 : vector<256x1xi1> to vector<256x1xi1>
    %broadcast_in_dim3A_224 = vector.broadcast %broadcast_in_dim3A_223 : vector<256x1xi1> to vector<256x256xi1>
    %broadcast_in_dim3A_225 = vector.shape_cast %slice3A_220 : vector<1x256xf32> to vector<1x256xf32>
    %broadcast_in_dim3A_226 = vector.broadcast %broadcast_in_dim3A_225 : vector<1x256xf32> to vector<256x256xf32>
    %broadcast_in_dim3A_227 = vector.broadcast %jit3A_222 : f32 to vector<256x256xf32>
    %select_n3A_228 = arith.select %broadcast_in_dim3A_224, %broadcast_in_dim3A_226, %broadcast_in_dim3A_227 : vector<256x256xi1>, vector<256x256xf32>
    %max3A_229 = arith.maximumf %max3A_219, %select_n3A_228 : vector<256x256xf32>
    %slice3A_230 = vector.extract_strided_slice %reduce_max3A_31 {offsets = [20, 0], sizes = [1, 256], strides = [1, 1]} : vector<32x256xf32> to vector<1x256xf32>
    %slice3A_231 = vector.extract_strided_slice %and3A {offsets = [0, 20], sizes = [256, 1], strides = [1, 1]} : vector<256x31xi1> to vector<256x1xi1>
    %jit3A_232 = arith.constant 0xFF800000 : f32
    %broadcast_in_dim3A_233 = vector.shape_cast %slice3A_231 : vector<256x1xi1> to vector<256x1xi1>
    %broadcast_in_dim3A_234 = vector.broadcast %broadcast_in_dim3A_233 : vector<256x1xi1> to vector<256x256xi1>
    %broadcast_in_dim3A_235 = vector.shape_cast %slice3A_230 : vector<1x256xf32> to vector<1x256xf32>
    %broadcast_in_dim3A_236 = vector.broadcast %broadcast_in_dim3A_235 : vector<1x256xf32> to vector<256x256xf32>
    %broadcast_in_dim3A_237 = vector.broadcast %jit3A_232 : f32 to vector<256x256xf32>
    %select_n3A_238 = arith.select %broadcast_in_dim3A_234, %broadcast_in_dim3A_236, %broadcast_in_dim3A_237 : vector<256x256xi1>, vector<256x256xf32>
    %max3A_239 = arith.maximumf %max3A_229, %select_n3A_238 : vector<256x256xf32>
    %slice3A_240 = vector.extract_strided_slice %reduce_max3A_31 {offsets = [21, 0], sizes = [1, 256], strides = [1, 1]} : vector<32x256xf32> to vector<1x256xf32>
    %slice3A_241 = vector.extract_strided_slice %and3A {offsets = [0, 21], sizes = [256, 1], strides = [1, 1]} : vector<256x31xi1> to vector<256x1xi1>
    %jit3A_242 = arith.constant 0xFF800000 : f32
    %broadcast_in_dim3A_243 = vector.shape_cast %slice3A_241 : vector<256x1xi1> to vector<256x1xi1>
    %broadcast_in_dim3A_244 = vector.broadcast %broadcast_in_dim3A_243 : vector<256x1xi1> to vector<256x256xi1>
    %broadcast_in_dim3A_245 = vector.shape_cast %slice3A_240 : vector<1x256xf32> to vector<1x256xf32>
    %broadcast_in_dim3A_246 = vector.broadcast %broadcast_in_dim3A_245 : vector<1x256xf32> to vector<256x256xf32>
    %broadcast_in_dim3A_247 = vector.broadcast %jit3A_242 : f32 to vector<256x256xf32>
    %select_n3A_248 = arith.select %broadcast_in_dim3A_244, %broadcast_in_dim3A_246, %broadcast_in_dim3A_247 : vector<256x256xi1>, vector<256x256xf32>
    %max3A_249 = arith.maximumf %max3A_239, %select_n3A_248 : vector<256x256xf32>
    %slice3A_250 = vector.extract_strided_slice %reduce_max3A_31 {offsets = [22, 0], sizes = [1, 256], strides = [1, 1]} : vector<32x256xf32> to vector<1x256xf32>
    %slice3A_251 = vector.extract_strided_slice %and3A {offsets = [0, 22], sizes = [256, 1], strides = [1, 1]} : vector<256x31xi1> to vector<256x1xi1>
    %jit3A_252 = arith.constant 0xFF800000 : f32
    %broadcast_in_dim3A_253 = vector.shape_cast %slice3A_251 : vector<256x1xi1> to vector<256x1xi1>
    %broadcast_in_dim3A_254 = vector.broadcast %broadcast_in_dim3A_253 : vector<256x1xi1> to vector<256x256xi1>
    %broadcast_in_dim3A_255 = vector.shape_cast %slice3A_250 : vector<1x256xf32> to vector<1x256xf32>
    %broadcast_in_dim3A_256 = vector.broadcast %broadcast_in_dim3A_255 : vector<1x256xf32> to vector<256x256xf32>
    %broadcast_in_dim3A_257 = vector.broadcast %jit3A_252 : f32 to vector<256x256xf32>
    %select_n3A_258 = arith.select %broadcast_in_dim3A_254, %broadcast_in_dim3A_256, %broadcast_in_dim3A_257 : vector<256x256xi1>, vector<256x256xf32>
    %max3A_259 = arith.maximumf %max3A_249, %select_n3A_258 : vector<256x256xf32>
    %slice3A_260 = vector.extract_strided_slice %reduce_max3A_31 {offsets = [23, 0], sizes = [1, 256], strides = [1, 1]} : vector<32x256xf32> to vector<1x256xf32>
    %slice3A_261 = vector.extract_strided_slice %and3A {offsets = [0, 23], sizes = [256, 1], strides = [1, 1]} : vector<256x31xi1> to vector<256x1xi1>
    %jit3A_262 = arith.constant 0xFF800000 : f32
    %broadcast_in_dim3A_263 = vector.shape_cast %slice3A_261 : vector<256x1xi1> to vector<256x1xi1>
    %broadcast_in_dim3A_264 = vector.broadcast %broadcast_in_dim3A_263 : vector<256x1xi1> to vector<256x256xi1>
    %broadcast_in_dim3A_265 = vector.shape_cast %slice3A_260 : vector<1x256xf32> to vector<1x256xf32>
    %broadcast_in_dim3A_266 = vector.broadcast %broadcast_in_dim3A_265 : vector<1x256xf32> to vector<256x256xf32>
    %broadcast_in_dim3A_267 = vector.broadcast %jit3A_262 : f32 to vector<256x256xf32>
    %select_n3A_268 = arith.select %broadcast_in_dim3A_264, %broadcast_in_dim3A_266, %broadcast_in_dim3A_267 : vector<256x256xi1>, vector<256x256xf32>
    %max3A_269 = arith.maximumf %max3A_259, %select_n3A_268 : vector<256x256xf32>
    %slice3A_270 = vector.extract_strided_slice %reduce_max3A_31 {offsets = [24, 0], sizes = [1, 256], strides = [1, 1]} : vector<32x256xf32> to vector<1x256xf32>
    %slice3A_271 = vector.extract_strided_slice %and3A {offsets = [0, 24], sizes = [256, 1], strides = [1, 1]} : vector<256x31xi1> to vector<256x1xi1>
    %jit3A_272 = arith.constant 0xFF800000 : f32
    %broadcast_in_dim3A_273 = vector.shape_cast %slice3A_271 : vector<256x1xi1> to vector<256x1xi1>
    %broadcast_in_dim3A_274 = vector.broadcast %broadcast_in_dim3A_273 : vector<256x1xi1> to vector<256x256xi1>
    %broadcast_in_dim3A_275 = vector.shape_cast %slice3A_270 : vector<1x256xf32> to vector<1x256xf32>
    %broadcast_in_dim3A_276 = vector.broadcast %broadcast_in_dim3A_275 : vector<1x256xf32> to vector<256x256xf32>
    %broadcast_in_dim3A_277 = vector.broadcast %jit3A_272 : f32 to vector<256x256xf32>
    %select_n3A_278 = arith.select %broadcast_in_dim3A_274, %broadcast_in_dim3A_276, %broadcast_in_dim3A_277 : vector<256x256xi1>, vector<256x256xf32>
    %max3A_279 = arith.maximumf %max3A_269, %select_n3A_278 : vector<256x256xf32>
    %slice3A_280 = vector.extract_strided_slice %reduce_max3A_31 {offsets = [25, 0], sizes = [1, 256], strides = [1, 1]} : vector<32x256xf32> to vector<1x256xf32>
    %slice3A_281 = vector.extract_strided_slice %and3A {offsets = [0, 25], sizes = [256, 1], strides = [1, 1]} : vector<256x31xi1> to vector<256x1xi1>
    %jit3A_282 = arith.constant 0xFF800000 : f32
    %broadcast_in_dim3A_283 = vector.shape_cast %slice3A_281 : vector<256x1xi1> to vector<256x1xi1>
    %broadcast_in_dim3A_284 = vector.broadcast %broadcast_in_dim3A_283 : vector<256x1xi1> to vector<256x256xi1>
    %broadcast_in_dim3A_285 = vector.shape_cast %slice3A_280 : vector<1x256xf32> to vector<1x256xf32>
    %broadcast_in_dim3A_286 = vector.broadcast %broadcast_in_dim3A_285 : vector<1x256xf32> to vector<256x256xf32>
    %broadcast_in_dim3A_287 = vector.broadcast %jit3A_282 : f32 to vector<256x256xf32>
    %select_n3A_288 = arith.select %broadcast_in_dim3A_284, %broadcast_in_dim3A_286, %broadcast_in_dim3A_287 : vector<256x256xi1>, vector<256x256xf32>
    %max3A_289 = arith.maximumf %max3A_279, %select_n3A_288 : vector<256x256xf32>
    %slice3A_290 = vector.extract_strided_slice %reduce_max3A_31 {offsets = [26, 0], sizes = [1, 256], strides = [1, 1]} : vector<32x256xf32> to vector<1x256xf32>
    %slice3A_291 = vector.extract_strided_slice %and3A {offsets = [0, 26], sizes = [256, 1], strides = [1, 1]} : vector<256x31xi1> to vector<256x1xi1>
    %jit3A_292 = arith.constant 0xFF800000 : f32
    %broadcast_in_dim3A_293 = vector.shape_cast %slice3A_291 : vector<256x1xi1> to vector<256x1xi1>
    %broadcast_in_dim3A_294 = vector.broadcast %broadcast_in_dim3A_293 : vector<256x1xi1> to vector<256x256xi1>
    %broadcast_in_dim3A_295 = vector.shape_cast %slice3A_290 : vector<1x256xf32> to vector<1x256xf32>
    %broadcast_in_dim3A_296 = vector.broadcast %broadcast_in_dim3A_295 : vector<1x256xf32> to vector<256x256xf32>
    %broadcast_in_dim3A_297 = vector.broadcast %jit3A_292 : f32 to vector<256x256xf32>
    %select_n3A_298 = arith.select %broadcast_in_dim3A_294, %broadcast_in_dim3A_296, %broadcast_in_dim3A_297 : vector<256x256xi1>, vector<256x256xf32>
    %max3A_299 = arith.maximumf %max3A_289, %select_n3A_298 : vector<256x256xf32>
    %slice3A_300 = vector.extract_strided_slice %reduce_max3A_31 {offsets = [27, 0], sizes = [1, 256], strides = [1, 1]} : vector<32x256xf32> to vector<1x256xf32>
    %slice3A_301 = vector.extract_strided_slice %and3A {offsets = [0, 27], sizes = [256, 1], strides = [1, 1]} : vector<256x31xi1> to vector<256x1xi1>
    %jit3A_302 = arith.constant 0xFF800000 : f32
    %broadcast_in_dim3A_303 = vector.shape_cast %slice3A_301 : vector<256x1xi1> to vector<256x1xi1>
    %broadcast_in_dim3A_304 = vector.broadcast %broadcast_in_dim3A_303 : vector<256x1xi1> to vector<256x256xi1>
    %broadcast_in_dim3A_305 = vector.shape_cast %slice3A_300 : vector<1x256xf32> to vector<1x256xf32>
    %broadcast_in_dim3A_306 = vector.broadcast %broadcast_in_dim3A_305 : vector<1x256xf32> to vector<256x256xf32>
    %broadcast_in_dim3A_307 = vector.broadcast %jit3A_302 : f32 to vector<256x256xf32>
    %select_n3A_308 = arith.select %broadcast_in_dim3A_304, %broadcast_in_dim3A_306, %broadcast_in_dim3A_307 : vector<256x256xi1>, vector<256x256xf32>
    %max3A_309 = arith.maximumf %max3A_299, %select_n3A_308 : vector<256x256xf32>
    %slice3A_310 = vector.extract_strided_slice %reduce_max3A_31 {offsets = [28, 0], sizes = [1, 256], strides = [1, 1]} : vector<32x256xf32> to vector<1x256xf32>
    %slice3A_311 = vector.extract_strided_slice %and3A {offsets = [0, 28], sizes = [256, 1], strides = [1, 1]} : vector<256x31xi1> to vector<256x1xi1>
    %jit3A_312 = arith.constant 0xFF800000 : f32
    %broadcast_in_dim3A_313 = vector.shape_cast %slice3A_311 : vector<256x1xi1> to vector<256x1xi1>
    %broadcast_in_dim3A_314 = vector.broadcast %broadcast_in_dim3A_313 : vector<256x1xi1> to vector<256x256xi1>
    %broadcast_in_dim3A_315 = vector.shape_cast %slice3A_310 : vector<1x256xf32> to vector<1x256xf32>
    %broadcast_in_dim3A_316 = vector.broadcast %broadcast_in_dim3A_315 : vector<1x256xf32> to vector<256x256xf32>
    %broadcast_in_dim3A_317 = vector.broadcast %jit3A_312 : f32 to vector<256x256xf32>
    %select_n3A_318 = arith.select %broadcast_in_dim3A_314, %broadcast_in_dim3A_316, %broadcast_in_dim3A_317 : vector<256x256xi1>, vector<256x256xf32>
    %max3A_319 = arith.maximumf %max3A_309, %select_n3A_318 : vector<256x256xf32>
    %slice3A_320 = vector.extract_strided_slice %reduce_max3A_31 {offsets = [29, 0], sizes = [1, 256], strides = [1, 1]} : vector<32x256xf32> to vector<1x256xf32>
    %slice3A_321 = vector.extract_strided_slice %and3A {offsets = [0, 29], sizes = [256, 1], strides = [1, 1]} : vector<256x31xi1> to vector<256x1xi1>
    %jit3A_322 = arith.constant 0xFF800000 : f32
    %broadcast_in_dim3A_323 = vector.shape_cast %slice3A_321 : vector<256x1xi1> to vector<256x1xi1>
    %broadcast_in_dim3A_324 = vector.broadcast %broadcast_in_dim3A_323 : vector<256x1xi1> to vector<256x256xi1>
    %broadcast_in_dim3A_325 = vector.shape_cast %slice3A_320 : vector<1x256xf32> to vector<1x256xf32>
    %broadcast_in_dim3A_326 = vector.broadcast %broadcast_in_dim3A_325 : vector<1x256xf32> to vector<256x256xf32>
    %broadcast_in_dim3A_327 = vector.broadcast %jit3A_322 : f32 to vector<256x256xf32>
    %select_n3A_328 = arith.select %broadcast_in_dim3A_324, %broadcast_in_dim3A_326, %broadcast_in_dim3A_327 : vector<256x256xi1>, vector<256x256xf32>
    %max3A_329 = arith.maximumf %max3A_319, %select_n3A_328 : vector<256x256xf32>
    %slice3A_330 = vector.extract_strided_slice %reduce_max3A_31 {offsets = [30, 0], sizes = [1, 256], strides = [1, 1]} : vector<32x256xf32> to vector<1x256xf32>
    %slice3A_331 = vector.extract_strided_slice %and3A {offsets = [0, 30], sizes = [256, 1], strides = [1, 1]} : vector<256x31xi1> to vector<256x1xi1>
    %jit3A_332 = arith.constant 0xFF800000 : f32
    %broadcast_in_dim3A_333 = vector.shape_cast %slice3A_331 : vector<256x1xi1> to vector<256x1xi1>
    %broadcast_in_dim3A_334 = vector.broadcast %broadcast_in_dim3A_333 : vector<256x1xi1> to vector<256x256xi1>
    %broadcast_in_dim3A_335 = vector.shape_cast %slice3A_330 : vector<1x256xf32> to vector<1x256xf32>
    %broadcast_in_dim3A_336 = vector.broadcast %broadcast_in_dim3A_335 : vector<1x256xf32> to vector<256x256xf32>
    %broadcast_in_dim3A_337 = vector.broadcast %jit3A_332 : f32 to vector<256x256xf32>
    %select_n3A_338 = arith.select %broadcast_in_dim3A_334, %broadcast_in_dim3A_336, %broadcast_in_dim3A_337 : vector<256x256xi1>, vector<256x256xf32>
    %max3A_339 = arith.maximumf %max3A_329, %select_n3A_338 : vector<256x256xf32>
    %get3A_340 = arith.constant 0 : index
    %get3A_341 = arith.constant 0 : index
    %get3A_342 = arith.constant 0 : index
    %get3A_343 = vector.load %arg5[%get3A_340, %get3A_341, %get3A_342] : memref<1x16x256xf32, #tpu.memory_space<vmem>>, vector<1x16x256xf32>
    %get3A_344 = vector.shape_cast %get3A_343 : vector<1x16x256xf32> to vector<16x256xf32>
    %dot_general3A = arith.constant dense<0.000000e+00> : vector<256x256xf32>
    %dot_general3A_345 = tpu.matmul %get3A_1, %get3A_344, %dot_general3A {dimension_numbers = #tpu.dot_dimension_numbers<[1], [0], [0], [1], [0, 0, 1, 1], [], []>, transpose_lhs_hint = false} : vector<256x16xf32>, vector<16x256xf32>, vector<256x256xf32> -> vector<256x256xf32>
    %lt3A = arith.cmpi slt, %get3A_14, %get3A_19 : vector<256x1xi32>
    %broadcast_in_dim3A_346 = vector.shape_cast %lt3A : vector<256x1xi1> to vector<256x1xi1>
    %broadcast_in_dim3A_347 = vector.broadcast %broadcast_in_dim3A_346 : vector<256x1xi1> to vector<256x256xi1>
    %select_n3A_348 = arith.select %broadcast_in_dim3A_347, %max3A_339, %dot_general3A_345 : vector<256x256xi1>, vector<256x256xf32>
    %get3A_349 = arith.constant 0 : index
    %get3A_350 = arith.constant 0 : index
    %get3A_351 = vector.load %arg8[%get3A_349, %get3A_350] : memref<768x1152xf32, #tpu.memory_space<vmem>>, vector<256x1152xf32>
    %get3A_352 = arith.constant 256 : index
    %get3A_353 = arith.constant 0 : index
    %get3A_354 = vector.load %arg8[%get3A_352, %get3A_353] : memref<768x1152xf32, #tpu.memory_space<vmem>>, vector<256x1152xf32>
    %get3A_355 = arith.constant 512 : index
    %get3A_356 = arith.constant 0 : index
    %get3A_357 = vector.load %arg8[%get3A_355, %get3A_356] : memref<768x1152xf32, #tpu.memory_space<vmem>>, vector<256x1152xf32>
    %dot_general3A_358 = arith.constant dense<0.000000e+00> : vector<16x1152xf32>
    %dot_general3A_359 = tpu.matmul %get3A_344, %get3A_351, %dot_general3A_358 {dimension_numbers = #tpu.dot_dimension_numbers<[1], [0], [0], [1], [0, 0, 1, 1], [], []>, transpose_lhs_hint = false} : vector<16x256xf32>, vector<256x1152xf32>, vector<16x1152xf32> -> vector<16x1152xf32>
    %dot_general3A_360 = arith.constant dense<0.000000e+00> : vector<16x1152xf32>
    %dot_general3A_361 = tpu.matmul %get3A_344, %get3A_354, %dot_general3A_360 {dimension_numbers = #tpu.dot_dimension_numbers<[1], [0], [0], [1], [0, 0, 1, 1], [], []>, transpose_lhs_hint = false} : vector<16x256xf32>, vector<256x1152xf32>, vector<16x1152xf32> -> vector<16x1152xf32>
    %dot_general3A_362 = arith.constant dense<0.000000e+00> : vector<256x1152xf32>
    %dot_general3A_363 = tpu.matmul %get3A_1, %dot_general3A_359, %dot_general3A_362 {dimension_numbers = #tpu.dot_dimension_numbers<[1], [0], [0], [1], [0, 0, 1, 1], [], []>, transpose_lhs_hint = false} : vector<256x16xf32>, vector<16x1152xf32>, vector<256x1152xf32> -> vector<256x1152xf32>
    %dot_general3A_364 = arith.constant dense<0.000000e+00> : vector<256x1152xf32>
    %dot_general3A_365 = tpu.matmul %get3A_4, %dot_general3A_361, %dot_general3A_364 {dimension_numbers = #tpu.dot_dimension_numbers<[1], [0], [0], [1], [0, 0, 1, 1], [], []>, transpose_lhs_hint = false} : vector<256x16xf32>, vector<16x1152xf32>, vector<256x1152xf32> -> vector<256x1152xf32>
    %add3A = arith.addf %dot_general3A_363, %dot_general3A_365 : vector<256x1152xf32>
    %dot_general3A_366 = arith.constant dense<0.000000e+00> : vector<256x1152xf32>
    %dot_general3A_367 = tpu.matmul %select_n3A_348, %get3A_357, %dot_general3A_366 {dimension_numbers = #tpu.dot_dimension_numbers<[1], [0], [0], [1], [0, 0, 1, 1], [], []>, transpose_lhs_hint = false} : vector<256x256xf32>, vector<256x1152xf32>, vector<256x1152xf32> -> vector<256x1152xf32>
    %add3A_368 = arith.addf %add3A, %dot_general3A_367 : vector<256x1152xf32>
    %get3A_369 = arith.constant 0 : index
    %get3A_370 = arith.constant 0 : index
    %get3A_371 = vector.load %arg9[%get3A_369, %get3A_370] : memref<1x1152xf32, #tpu.memory_space<vmem>>, vector<1x1152xf32>
    %add3A_372 = vector.broadcast %get3A_371 : vector<1x1152xf32> to vector<256x1152xf32>
    %add3A_373 = arith.addf %add3A_368, %add3A_372 : vector<256x1152xf32>
    %max3A_374 = arith.constant 0.000000e+00 : f32
    %max3A_375 = vector.broadcast %max3A_374 : f32 to vector<256x1152xf32>
    %max3A_376 = arith.maximumf %add3A_373, %max3A_375 : vector<256x1152xf32>
    %get3A_377 = arith.constant 0 : index
    %get3A_378 = arith.constant 0 : index
    %get3A_379 = vector.load %arg10[%get3A_377, %get3A_378] : memref<1152x256xf32, #tpu.memory_space<vmem>>, vector<1152x256xf32>
    %dot_general3A_380 = arith.constant dense<0.000000e+00> : vector<256x256xf32>
    %dot_general3A_381 = tpu.matmul %max3A_376, %get3A_379, %dot_general3A_380 {dimension_numbers = #tpu.dot_dimension_numbers<[1], [0], [0], [1], [0, 0, 1, 1], [], []>, transpose_lhs_hint = false} : vector<256x1152xf32>, vector<1152x256xf32>, vector<256x256xf32> -> vector<256x256xf32>
    %get3A_382 = arith.constant 0 : index
    %get3A_383 = arith.constant 0 : index
    %get3A_384 = vector.load %arg11[%get3A_382, %get3A_383] : memref<1x256xf32, #tpu.memory_space<vmem>>, vector<1x256xf32>
    %add3A_385 = vector.broadcast %get3A_384 : vector<1x256xf32> to vector<256x256xf32>
    %add3A_386 = arith.addf %dot_general3A_381, %add3A_385 : vector<256x256xf32>
    %swap3A = arith.constant 0 : index
    %swap3A_387 = arith.constant 0 : index
    %swap3A_388 = arith.constant 0 : index
    %swap3A_389 = vector.load %arg12[%swap3A, %swap3A_387, %swap3A_388] : memref<1x256x256xf32, #tpu.memory_space<vmem>>, vector<1x256x256xf32>
    %swap3A_390 = vector.shape_cast %swap3A_389 : vector<1x256x256xf32> to vector<256x256xf32>
    %swap3A_391 = vector.shape_cast %add3A_386 : vector<256x256xf32> to vector<1x256x256xf32>
    tpu.vector_store %arg12[%swap3A, %swap3A_387, %swap3A_388], %swap3A_391 {strides = array<i32>} : memref<1x256x256xf32, #tpu.memory_space<vmem>>, vector<1x256x256xf32>,
    return
  }
  func.func @transform_0(%arg0: i32) -> (i32, i32, i32) {
    %c0_i32 = arith.constant 0 : i32
    %c0_i32_0 = arith.constant 0 : i32
    %c0_i32_1 = arith.constant 0 : i32
    return %arg0, %c0_i32, %c0_i32_0 : i32, i32, i32
  }
  func.func @transform_1(%arg0: i32) -> (i32, i32, i32) {
    %c0_i32 = arith.constant 0 : i32
    %c0_i32_0 = arith.constant 0 : i32
    %c0_i32_1 = arith.constant 0 : i32
    return %arg0, %c0_i32, %c0_i32_0 : i32, i32, i32
  }
  func.func @transform_2(%arg0: i32) -> (i32, i32, i32) {
    %c0_i32 = arith.constant 0 : i32
    %c0_i32_0 = arith.constant 0 : i32
    %c0_i32_1 = arith.constant 0 : i32
    return %arg0, %c0_i32, %c0_i32_0 : i32, i32, i32
  }
  func.func @transform_3(%arg0: i32) -> (i32, i32, i32, i32) {
    %c0_i32 = arith.constant 0 : i32
    %c0_i32_0 = arith.constant 0 : i32
    %c0_i32_1 = arith.constant 0 : i32
    %c0_i32_2 = arith.constant 0 : i32
    return %arg0, %c0_i32, %c0_i32_0, %c0_i32_1 : i32, i32, i32, i32
  }
  func.func @transform_4(%arg0: i32) -> (i32, i32, i32) {
    %c0_i32 = arith.constant 0 : i32
    %c0_i32_0 = arith.constant 0 : i32
    %c0_i32_1 = arith.constant 0 : i32
    return %arg0, %c0_i32, %c0_i32_0 : i32, i32, i32
  }
  func.func @transform_5(%arg0: i32) -> (i32, i32) {
    %c0_i32 = arith.constant 0 : i32
    %c0_i32_0 = arith.constant 0 : i32
    %c0_i32_1 = arith.constant 0 : i32
    return %c0_i32, %c0_i32_0 : i32, i32
  }
  func.func @transform_6(%arg0: i32) -> (i32, i32) {
    %c0_i32 = arith.constant 0 : i32
    %c0_i32_0 = arith.constant 0 : i32
    %c0_i32_1 = arith.constant 0 : i32
    return %c0_i32, %c0_i32_0 : i32, i32
  }
  func.func @transform_7(%arg0: i32) -> (i32, i32) {
    %c0_i32 = arith.constant 0 : i32
    %c0_i32_0 = arith.constant 0 : i32
    %c0_i32_1 = arith.constant 0 : i32
    return %c0_i32, %c0_i32_0 : i32, i32
  }
  func.func @transform_8(%arg0: i32) -> (i32, i32) {
    %c0_i32 = arith.constant 0 : i32
    %c0_i32_0 = arith.constant 0 : i32
    %c0_i32_1 = arith.constant 0 : i32
    return %c0_i32, %c0_i32_0 : i32, i32
  }
  func.func @transform_9(%arg0: i32) -> (i32, i32) {
    %c0_i32 = arith.constant 0 : i32
    %c0_i32_0 = arith.constant 0 : i32
    %c0_i32_1 = arith.constant 0 : i32
    return %c0_i32, %c0_i32_0 : i32, i32
  }
  func.func @transform_10(%arg0: i32) -> (i32, i32) {
    %c0_i32 = arith.constant 0 : i32
    %c0_i32_0 = arith.constant 0 : i32
    %c0_i32_1 = arith.constant 0 : i32
    return %c0_i32, %c0_i32_0 : i32, i32
  }
  func.func @transform_11(%arg0: i32) -> (i32, i32, i32) {
    %c0_i32 = arith.constant 0 : i32
    %c0_i32_0 = arith.constant 0 : i32
    %c0_i32_1 = arith.constant 0 : i32
    return %arg0, %c0_i32, %c0_i32_0 : i32, i32, i32
  }
}

</mosaic_0001>

<sc_bundles>
// kernel: kernel.4.cloned.1.call-start
scs
__scs_entry_jumppad:
0x0: {  	(pc) =	sbr.rel $0x88, $3  }
0x1: {  	(tag) =	ssettag $0x0;
	lr =	simm.s32 $0x1  }
0x2: {  	[smem:$0x3F9A] =	sst lr;
	_ =	strace $0xD0000000  }
0x3: {  	_ = 	snop  }
0x4: {  	_ = 	snop  }
0x5: {  	_ = 	snop  }
0x6: {  	_ = 	snop  }
0x7: {  	_ = 	snop  }
__scs_overlays_trampoline_lowered:
0x8: {  	[smem:$0x3FA9] =	sst s0  }
0x9: {  	[smem:$0x3FAA] =	sst s1  }
0xa: {  	[smem:$0x3FAB] =	sst s2  }
0xb: {  	[smem:$0x3FAC] =	sst s3  }
0xc: {  	[smem:$0x3FAD] =	sst s4  }
0xd: {  	[smem:$0x3FAE] =	sst s5  }
0xe: {  	[smem:$0x3FAF] =	sst s6  }
0xf: {  	[smem:$0x3FB0] =	sst s7  }
0x10: {  	[smem:$0x3FB1] =	sst s8  }
0x11: {  	[smem:$0x3FB2] =	sst s9;
	s0 =	simm.s32 @!p0 $0x0  }
0x12: {  	s1 =	sld [smem:$0x3F98];
	s0 =	simm.s32 @p0 $0x1  }
0x13: {  	[smem:$0x3FB3] =	sst s0;
	s0 =	simm.s32 @!p1 $0x0  }
0x14: {  	s2 =	sld [smem:$0x3F97];
	s0 =	simm.s32 @p1 $0x1  }
0x15: {  	[smem:$0x3FB4] =	sst s0;
	s0 =	simm.s32 @!p2 $0x0  }
0x16: {  	s3 =	sld [smem:$0x3FDB];
	s0 =	simm.s32 @p2 $0x1  }
0x17: {  	s4 =	simm.s32 $0x1BF5;
	[smem:$0x3FB6] =	sst s0  }
0x18: {  	s0 =	sld [smem:$0x3F99];
	_ =	swait.ge [sflag:s4], $0x0  }
0x19: {  	s7 =	sld [smem:$0x3F9A]  }
0x1a: {  	s8 =	sadd.s32 $0xFFFFE003, lr  }
0x1b: {  	s9 =	sadd.s32 $0xFFFFFEF7, lr;
	s5 =	simm.s32 $0xFFFFFFFF;
	p2 =	slt.u32 s8, $0xFFFFF086  }
0x1c: {  	p1 =	slt.u32 s9, $0xF7A;
	s5 =	simm.s32 @!p2 $0x0  }
0x1d: {  	s5 =	simm.s32 @p1 $0x1;
	p0 =	seq.s32 s7, s2  }
0x1e: {  	s7 =	smul.u32 @!p0 $0xF7A, s2;
	p2 =	seq.s32 @!p0 s5, $0x0  }
0x1f: {  	s9 =	smul.u32 $0xF7A, s1;
	s8 =	simm.s32 @!p0 $0x1BF5;
	p2 =	por !p2, p0  }
0x20: {  	[sflag:s8] =	ssyncset.s32 @!p0 $0xFFFFF086;
	s6 =	sadd.s32 @!p0 s3, s7;
	s7 =	simm.s32 @!p0 $0x108  }
0x21: {  	s3 =	sadd.s32 s3, s9;
	s6 =	sadd.s32 @!p0 $0x88, s6;
	s7 =	simm.s32 @p2 $0x1082  }
0x22: {  	[simem:s7], [sflag:s8] =	dma.local @!p0 [hbm:s6], $0xF7A  }
0x23: {  	s9 =	sor.u32 $0xD0000000, s2;
	s6 =	simm.s32 $0x108;
	_ =	swait.ge @!p0 [sflag:s8], $0x0  }
0x24: {  	s3 =	sadd.s32 $0x88, s3;
	s6 =	simm.s32 @!p1 $0x1082;
	[sflag:s4] =	ssyncset.s32 $0xFFFFF086  }
0x25: {  	[simem:s6], [sflag:s4] =	dma.local [hbm:s3], $0xF7A  }
0x26: {  	[smem:$0x3F9A] =	sst s1;
	(tag) =	ssettag s2;
	_ =	strace s9  }
0x27: {  	s1 =	sld [smem:$0x3FAA]  }
0x28: {  	s2 =	sld [smem:$0x3FAB]  }
0x29: {  	s4 =	sld [smem:$0x3FAD]  }
0x2a: {  	p0 =	seq.s32 s5, $0x0;
	s5 =	sld [smem:$0x3FAE]  }
0x2b: {  	s6 =	sld [smem:$0x3FAF]  }
0x2c: {  	s7 =	sld [smem:$0x3FB0]  }
0x2d: {  	s3 =	simm.s32 $0x108;
	s8 =	sld [smem:$0x3FB1]  }
0x2e: {  	s3 =	simm.s32 @!p0 $0x1082;
	s9 =	sld [smem:$0x3FB2]  }
0x2f: {  	lr =	sadd.s32 s0, s3;
	s0 =	sld [smem:$0x3FA9]  }
0x30: {  	s3 =	sld [smem:$0x3FAC]  }
0x31: {  	[smem:$0x3FB5] =	sst s10  }
0x32: {  	s10 =	sld [smem:$0x3FB3];
	_ =	sdelay $0x3  }
0x33: {  	p0 =	seq.s32 s10, $0x1;
	s10 =	sld [smem:$0x3FB5];
	_ =	sdelay $0x3  }
0x34: {  	[smem:$0x3FB5] =	sst s10  }
0x35: {  	s10 =	sld [smem:$0x3FB4];
	_ =	sdelay $0x3  }
0x36: {  	p1 =	seq.s32 s10, $0x1;
	s10 =	sld [smem:$0x3FB5];
	_ =	sdelay $0x3  }
0x37: {  	[smem:$0x3FB5] =	sst s10  }
0x38: {  	s10 =	sld [smem:$0x3FB6]  }
0x39: {  	_ = 	snop;
	(pc) =	sbr.ind lr, $3  }
0x3a: {  	_ = 	snop  }
0x3b: {  	_ = 	snop  }
0x3c: {  	p2 =	seq.s32 s10, $0x1;
	s10 =	sld [smem:$0x3FB5]  }
0x3d: {  	_ =	shalt  }
0x3e: {  	_ =	shalt  }
0x3f: {  	_ =	shalt  }
0x40: {  	_ =	shalt  }
0x41: {  	_ =	shalt  }
0x42: {  	_ =	shalt  }
0x43: {  	_ =	shalt  }
0x44: {  	_ =	shalt  }
0x45: {  	_ =	shalt  }
0x46: {  	_ =	shalt  }
0x47: {  	_ =	shalt  }
0x48: {  	_ =	shalt  }
0x49: {  	_ =	shalt  }
0x4a: {  	_ =	shalt  }
0x4b: {  	_ =	shalt  }
0x4c: {  	_ =	shalt  }
0x4d: {  	_ =	shalt  }
0x4e: {  	_ =	shalt  }
0x4f: {  	_ =	shalt  }
0x50: {  	_ =	shalt  }
0x51: {  	_ =	shalt  }
0x52: {  	_ =	shalt  }
0x53: {  	_ =	shalt  }
0x54: {  	_ =	shalt  }
0x55: {  	_ =	shalt  }
0x56: {  	_ =	shalt  }
0x57: {  	_ =	shalt  }
0x58: {  	_ =	shalt  }
0x59: {  	_ =	shalt  }
0x5a: {  	_ =	shalt  }
0x5b: {  	_ =	shalt  }
0x5c: {  	_ =	shalt  }
0x5d: {  	_ =	shalt  }
0x5e: {  	_ =	shalt  }
0x5f: {  	_ =	shalt  }
0x60: {  	_ =	shalt  }
0x61: {  	_ =	shalt  }
0x62: {  	_ =	shalt  }
0x63: {  	_ =	shalt  }
0x64: {  	_ =	shalt  }
0x65: {  	_ =	shalt  }
0x66: {  	_ =	shalt  }
0x67: {  	_ =	shalt  }
0x68: {  	_ =	shalt  }
0x69: {  	_ =	shalt  }
0x6a: {  	_ =	shalt  }
0x6b: {  	_ =	shalt  }
0x6c: {  	_ =	shalt  }
0x6d: {  	_ =	shalt  }
0x6e: {  	_ =	shalt  }
0x6f: {  	_ =	shalt  }
0x70: {  	_ =	shalt  }
0x71: {  	_ =	shalt  }
0x72: {  	_ =	shalt  }
0x73: {  	_ =	shalt  }
0x74: {  	_ =	shalt  }
0x75: {  	_ =	shalt  }
0x76: {  	_ =	shalt  }
0x77: {  	_ =	shalt  }
0x78: {  	_ =	shalt  }
0x79: {  	_ =	shalt  }
0x7a: {  	_ =	shalt  }
0x7b: {  	_ =	shalt  }
0x7c: {  	_ =	shalt  }
0x7d: {  	_ =	shalt  }
0x7e: {  	_ =	shalt  }
0x7f: {  	_ =	shalt  }
0x80: {  	_ =	shalt  }
0x81: {  	_ =	shalt  }
0x82: {  	_ =	shalt  }
0x83: {  	_ =	shalt  }
0x84: {  	_ =	shalt  }
0x85: {  	_ =	shalt  }
0x86: {  	_ =	shalt  }
0x87: {  	_ =	shalt  }
.Lfunc_end0:
.L_simem_size_0:
called_computation_lowered:
.L_overlay_start_0:
0x88: {  	s2 =	sld [smem:$0x3FD9]  }
0x89: {  	s3 =	sld [smem:$0x3FFE];
	_ =	sdelay $0x1  }
0x8a: {  	s1 =	srdreg.scid  }
0x8b: {  	s0 =	sand.u32 $0x1, s1  }
0x8c: {  	s17 =	sshll.u32 s0, $0xA;
	s2 =	sadd.s32 s3, s2  }
0x8d: {  	s2 =	sadd.s32 s2, s17  }
0x8e: {  	[smem:$0x3FC1] =	sst s2  }
0x8f: {  	_ = 	snop  }
0x90: {  	s2 =	sld [smem:$0x3FC7]  }
0x91: {  	s18 =	sld [smem:$0x3FD0];
	(tm) =	ssettm $0x1  }
0x92: {  	s4 =	sld [smem:$0x3FFB];
	_ =	sdelay $0x3  }
0x93: {  	_ =	strace s4  }
0x94: {  	s4 =	sld [smem:$0x3FFC];
	_ =	sdelay $0x3  }
0x95: {  	_ =	strace s4  }
0x96: {  	s4 =	sld [smem:$0x3FFD];
	_ =	sdelay $0x3  }
0x97: {  	_ =	strace s4  }
0x98: {  	_ =	strace $0x8FFFFFFF  }
0x99: {  	s19 =	sld [smem:$0x3FDB];
	_ =	sdelay $0x1  }
0x9a: {  	s5 =	simm.s32 $_scs_section_size  }
0x9b: {  	s6 =	simm.s32 $_size__tile_overlayer_lowered;
	s7 =	simm.s32 $_tile_overlayer_lowered  }
0x9c: {  	s22 =	simm.s32 $0x1BFF;
	s21 =	sshll.u32 s7, $0x1;
	s4 =	sadd.s32 s5, s19  }
0x9d: {  	s8 =	simm.s32 $0x0;
	s20 =	sshll.u32 s6, $0x1;
	s6 =	sadd.s32 s21, s4  }
0x9e: {  	[timem:s8], [sflag:s22] =	dma.local [hbm:s6], s20  }
0x9f: {  	_ =	swait.ge [sflag:s22], s20  }
0xa0: {  	s5 =	ssub.s32 $0x0, s20;
	[sflag:s22] =	ssyncset.done $0x0  }
0xa1: {  	[sflag:s22] =	ssyncadd.s32 s5;
	_ =	sdelay $0x1  }
0xa2: {  	s23 =	simm.s32 $0x1B8B  }
0xa3: {  	_ =	swait.ge [sflag:s23], $0x1  }
0xa4: {  	[sflag:s23] =	ssyncset.done $0x0  }
0xa5: {  	s25 =	simm.s32 $0x1B8E;
	s24 =	sld [smem:$0x3FFE];
	[sflag:s23] =	ssyncadd.s32 $0xFFFFFFFF  }
0xa6: {  	s26 =	simm.s32 $execute0_lowered;
	[smem:$0x3FD2] =	sst s25  }
0xa7: {  	s6 =	sshll.u32 s26, $0x1;
	_ =	strace $0x80000046;
	[dreg:$0x1] =	wrdreg $0xFFFFFFFF  }
0xa8: {  	s28 =	simm.s32 $_size_execute0_lowered;
	s4 =	sadd.s32 s4, s6;
	[dreg:$0x0] =	wrdreg $0x0  }
0xa9: {  	s6 =	sshll.u32 s28, $0x1;
	[dreg:$0x2] =	wrdreg s4  }
0xaa: {  	[dreg:$0x3] =	wrdreg s6  }
0xab: {  	[dreg:$0x4] =	wrdreg $0xC0  }
0xac: {  	_ =	task [dreg:s8], $0x5FFFF  }
0xad: {  	[dreg:$0x1] =	wrdreg $0xFFFFFFFF  }
0xae: {  	[dreg:$0x0] =	wrdreg $0x60  }
0xaf: {  	[dreg:$0x2] =	wrdreg s24  }
0xb0: {  	[dreg:$0x3] =	wrdreg s2  }
0xb1: {  	[dreg:$0x4] =	wrdreg s18  }
0xb2: {  	[dreg:$0x5] =	wrdreg $0x9  }
0xb3: {  	_ =	task.clear_ibuf [dreg:s8], $0x6FFFF;
	_ =	strace $0x90000046  }
0xb4: {  	s29 =	simm.s32 $0x9;
	_ =	strace $0x80000048  }
0xb5: {  	_ =	swait.ge [sflag:s29], $0x1  }
0xb6: {  	[sflag:s29] =	ssyncadd.s32 $0xFFFFFFFF  }
0xb7: {  	_ =	strace $0x90000048  }
0xb8: {  	_ =	sfence  }
0xb9: {  	s30 =	sld [smem:$0x0];
	_ =	sdelay $0x2  }
0xba: {  	s31 =	sshll.u32 s1, $0xD;
	s1 =	sshrl.u32 s1, $0x2  }
0xbb: {  	s3 =	sand.u32 $0x4000, s31;
	s1 =	sadd.s32 s1, s30  }
0xbc: {  	s0 =	sor.u32 s3, s0;
	s1 =	sshll.u32 s1, $0x11  }
0xbd: {  	s0 =	sor.u32 s1, s0  }
0xbe: {  	s0 =	sadd.s32 $0x8F2B, s0  }
0xbf: {  	[sflag:s0] =	ssyncadd.remote.s32 $0x1  }
0xc0: {  	_ =	sfence.sel $0xFFFF  }
0xc1: {  	[dreg:$0x0] =	wrdreg $0xFFFFFFFF;
	(pc) =	sbr.abs _section_cstart, $3  }
0xc2: {  	[dreg:$0x1] =	wrdreg $0xFFFFFFFF  }
0xc3: {  	_ =	task.clear_ibuf [dreg:s8], $0x2FFFF;
	_ =	strace $0x9FFFFFFF  }
0xc4: {  	(tm) =	ssettm $0x7FFFFFFF  }
0xc5: {  	_ =	shalt  }
tec
execute0_lowered:
.L_overlay_start_1:
0x0: {  	(tag) =	ssettag $0x1  }
0x1: {  	s3 =	rddreg [dreg:$0x0]  }
0x2: {  	s7 =	rddreg [dreg:$0x1]  }
0x3: {  	s8 =	rddreg [dreg:$0x2]  }
0x4: {  	s0 =	rddreg [dreg:$0x3];
	s2 =	simm.s32 $0x0  }
0x5: {  	s4 =	srdreg.scid;
	s1 =	stileid.u32;
	s15 =	simm.s32 $0x80  }
0x6: {  	[smem:$0x7FF] =	sst s2;
	s4 =	sand.u32 $0x1, s4;
	s9 =	sshrl.u32 s1, $0x1  }
0x7: {  	s6 =	sshll.u32 s1, $0x1;
	_ =	strace $0x80000047;
	s5 =	ssub.s32 $0x2, s4  }
0x8: {  	s10 =	sshll.u32 s9, $0x4;
	s6 =	sand.u32 $0x2, s6;
	s12 =	sshll.u32 s9, $0x13  }
0x9: {  	s9 =	sshll.u32 s9, $0xC;
	s11 =	sshrl.u32 s5, $0x1;
	s3 =	sadd.s32 s10, s3  }
0xa: {  	s29 =	sor.u32 s4, s6;
	s8 =	sadd.s32 s8, s9;
	s10 =	simm.s32 $0x12000  }
0xb: {  	s28 =	ssub.s32 s5, s11;
	s14 =	sshll.u32 s29, $0x9;
	s4 =	sshll.u32 s29, $0x11  }
0xc: {  	s3 =	sadd.s32 $0xA00, s3;
	s11 =	sshll.u32 s29, $0x4;
	s4 =	sor.u32 s12, s4  }
0xd: {  	s16 =	sor.u32 $0x80, s14;
	s17 =	sor.u32 $0x100, s14;
	s18 =	sor.u32 $0x180, s14  }
0xe: {  	s8 =	sadd.s32 s11, s8;
	s9 =	smax.u32 s28, $0x1;
	s11 =	simm.s32 $0x3  }
0xf: {  	v1 =	vmov s14;
	s14 =	simm.s32 $0x2;
	s4 =	sshrl.u32 s4, $0x3;
	s30 =	sshll.u32 s16, $0x8  }
0x10: {  	s31 =	sshll.u32 s17, $0x8;
	s13 =	sshll.u32 s18, $0x8;
	v2 =	vmov s16;
	s16 =	simm.s32 $0x200  }
.Ltmp0:
0x11: {  	v3 =	vmov s17;
	v4 =	vmov s18;
	s17 =	simm.s32 $0x10000;
	s18 =	simm.s32 $0x0;
	(pc) =	sbr.rel .LBB2_1-.Ltmp0, $4  }
0x12: {  	s4 =	sadd.s32 s7, s4;
	s5 =	sor.u32 s12, s30;
	s6 =	sor.u32 s12, s31  }
0x13: {  	s12 =	sor.u32 s12, s13;
	s13 =	simm.s32 $0x1;
	s5 =	sshrl.u32 s5, $0x3  }
0x14: {  	s6 =	sshrl.u32 s6, $0x3;
	s12 =	sshrl.u32 s12, $0x3;
	s5 =	sadd.s32 s7, s5  }
0x15: {  	v0 =	vimm.f32 $-Inf;
	s6 =	sadd.s32 s7, s6;
	s7 =	sadd.s32 s7, s12;
	s12 =	simm.s32 $0x8000  }
.LBB2_39:
0x16: {  	s18 =	sadd.s32 $0x1, s18  }
0x17: {  	p0 =	sne.s32 s18, s9  }
.Ltmp1:
0x18: {  	_ = 	snop;
	(pc) =	sbr.rel @!p0 .LBB2_40-.Ltmp1, $4  }
0x19: {  	[hbm4b:s8+s15] =	stream.strided.scatter [tilespmem:s17], [sflag:$0x3], $0x2000, s16, s15, $0x38;
	[tilespmem:$0x12080] =	vst v63  }
0x1a: {  	_ =	swait.ge [sflag:s11], $0x2000  }
0x1b: {  	[sflag:s11] =	ssyncset.done $0x0  }
0x1c: {  	[sflag:s11] =	ssyncadd.s32 $0xFFFFE000  }
.LBB2_1:
0x1d: {  	[tilespmem:s10], [sflag:$0x3] =	stream.linear.gather [hbm4b:s3+s2], $0x80, $0x38;
	[tilespmem:$0x12080] =	vst v63  }
0x1e: {  	_ =	swait.ge [sflag:s11], $0x80  }
0x1f: {  	[sflag:s11] =	ssyncset.done $0x0  }
0x20: {  	s19 =	simm.s32 $0x40;
	s20 =	simm.s32 $0x0;
	[sflag:s11] =	ssyncadd.s32 $0xFFFFFF80  }
.LBB2_2:
0x21: {  	p0 =	sne.s32 s19, $0x7FC0;
	[tilespmem:s20+$0x10000] =	vst v0;
	s20 =	smov.u32 s19;
	s19 =	sadd.s32 $0x40, s19  }
.Ltmp2:
0x22: {  	(pc) =	sbr.rel @p0 .LBB2_2-.Ltmp2, $2  }
0x23: {  	_ =	sdelay $0x2  }
0x24: {  	s20 =	sshra.s32 s20, $0x2  }
0x25: {  	[tilespmem:s20+$0x10000] =	vst v0;
	s19 =	simm.s32 $0x0  }
0x26: {  	[tilespmem:s19], [sflag:$0x1] =	stream.linear.gather [hbm4b:s4+s19], $0x8000, $0x38;
	[tilespmem:$0x12080] =	vst v63  }
.Ltmp3:
0x27: {  	_ = 	snop;
	(pc) =	sbr.rel .LBB2_4-.Ltmp3, $4  }
0x28: {  	[tilespmem:s12], [sflag:$0x2] =	stream.linear.gather [hbm4b:s5+s19], $0x8000, $0x38;
	[tilespmem:$0x12080] =	vst v63  }
0x29: {  	_ =	swait.ge [sflag:s13], $0x8000  }
0x2a: {  	[sflag:s13] =	ssyncset.done $0x0  }
0x2b: {  	[sflag:s13] =	ssyncadd.s32 $0xFFFF8000  }
.LBB2_6:
0x2c: {  	v16 =	vimm.f32 $-Inf  }
0x2d: {  	v17 =	vimm.f32 $-Inf;
	v18 =	vimm.f32 $-Inf;
	v19 =	vimm.f32 $-Inf  }
0x2e: {  	v20 =	vimm.f32 $-Inf;
	v21 =	vimm.f32 $-Inf;
	v6 =	vimm.f32 $-Inf  }
0x2f: {  	v7 =	vimm.f32 $-Inf;
	v8 =	vimm.f32 $-Inf;
	v9 =	vimm.f32 $-Inf  }
0x30: {  	v10 =	vimm.f32 $-Inf;
	v11 =	vimm.f32 $-Inf;
	v12 =	vimm.f32 $-Inf  }
0x31: {  	v13 =	vimm.f32 $-Inf;
	v14 =	vimm.f32 $-Inf;
	v15 =	vimm.f32 $-Inf  }
.LBB2_10:
0x32: {  	s21 =	sor.u32 s25, s23;
	v27 =	vld @p0 [tilespmem:s20+$0x460]  }
0x33: {  	v28 =	vld [tilespmem:s21+$0x470]  }
0x34: {  	v29 =	vld [tilespmem:s21+$0x0]  }
0x35: {  	v30 =	vld [tilespmem:s21+$0x10]  }
0x36: {  	v31 =	vld [tilespmem:s21+$0x20]  }
0x37: {  	v32 =	vld [tilespmem:s21+$0x30]  }
0x38: {  	v33 =	vld [tilespmem:s21+$0x40]  }
0x39: {  	v34 =	vld [tilespmem:s21+$0x50]  }
0x3a: {  	v35 =	vld [tilespmem:s21+$0x60]  }
0x3b: {  	v36 =	vld [tilespmem:s21+$0x70]  }
0x3c: {  	v37 =	vld [tilespmem:s21+$0x400]  }
0x3d: {  	v38 =	vld [tilespmem:s21+$0x410]  }
0x3e: {  	v22 =	vmax.f32 @p0 v16, v22;
	v39 =	vld [tilespmem:s21+$0x420]  }
0x3f: {  	v23 =	vmax.f32 @p0 v17, v23;
	v24 =	vmax.f32 @p0 v18, v24;
	v19 =	vmax.f32 @p0 v19, v25;
	v60 =	vld [tilespmem:s21+$0x430]  }
0x40: {  	v20 =	vmax.f32 @p0 v20, v26;
	v61 =	vld [tilespmem:s21+$0x440];
	v21 =	vmax.f32 @p0 v21, v27;
	v6 =	vmax.f32 v6, v28  }
0x41: {  	v62 =	vld [tilespmem:s21+$0x450];
	v16 =	vmax.f32 v7, v29;
	v17 =	vmax.f32 v8, v30;
	v7 =	vmax.f32 v9, v31  }
0x42: {  	v63 =	vld [tilespmem:s21+$0x460];
	v8 =	vmax.f32 v10, v32;
	v18 =	vmax.f32 v11, v33;
	v9 =	vmax.f32 v12, v34  }
0x43: {  	v10 =	vmax.f32 v13, v35;
	v12 =	vmax.f32 v14, v36;
	v11 =	vmax.f32 v15, v37  }
0x44: {  	v13 =	vpsel p0, v22, v5;
	v14 =	vpsel p0, v23, v5;
	v15 =	vpsel p0, v24, v5  }
0x45: {  	v22 =	vpsel p0, v19, v5;
	v23 =	vpsel p0, v20, v5;
	v21 =	vpsel p0, v21, v5  }
0x46: {  	v19 =	vmax.f32 v13, v38;
	v20 =	vmax.f32 v14, v39;
	v5 =	vmax.f32 v15, v60  }
0x47: {  	v13 =	vmax.f32 v22, v61;
	v14 =	vmax.f32 v23, v62;
	v15 =	vmax.f32 v21, v63  }
.LBB2_11:
0x48: {  	s20 =	sshll.u32 s19, $0x8  }
0x49: {  	s20 =	sand.u32 $0x3FFFFF00, s20  }
0x4a: {  	v21 =	vld [tilespmem:s20+$0x10000]  }
0x4b: {  	v22 =	vld [tilespmem:s20+$0x10010]  }
0x4c: {  	v23 =	vld [tilespmem:s20+$0x10020]  }
0x4d: {  	v59 =	vld [tilespmem:s20+$0x100B0]  }
0x4e: {  	v24 =	vld [tilespmem:s20+$0x10030]  }
0x4f: {  	v60 =	vld [tilespmem:s20+$0x100C0];
	v16 =	vmax.f32 v21, v16  }
0x50: {  	v25 =	vld [tilespmem:s20+$0x10040];
	v53 =	vmax.f32 v22, v17;
	[tilespmem:s20+$0x10000] =	vst v16  }
0x51: {  	v61 =	vld [tilespmem:s20+$0x100D0];
	v7 =	vmax.f32 v23, v7;
	[tilespmem:s20+$0x10010] =	vst v53  }
0x52: {  	v52 =	vld [tilespmem:s20+$0x10050];
	v5 =	vmax.f32 v59, v5;
	[tilespmem:s20+$0x10020] =	vst v7  }
0x53: {  	v62 =	vld [tilespmem:s20+$0x100E0];
	v7 =	vmax.f32 v24, v8;
	[tilespmem:s20+$0x100B0] =	vst v5  }
0x54: {  	v54 =	vld [tilespmem:s20+$0x10060];
	v5 =	vmax.f32 v60, v13;
	[tilespmem:s20+$0x10030] =	vst v7  }
0x55: {  	v63 =	vld [tilespmem:s20+$0x100F0];
	v7 =	vmax.f32 v25, v18;
	[tilespmem:s20+$0x100C0] =	vst v5  }
0x56: {  	v55 =	vld [tilespmem:s20+$0x10070];
	v5 =	vmax.f32 v61, v14;
	[tilespmem:s20+$0x10040] =	vst v7  }
0x57: {  	v56 =	vld [tilespmem:s20+$0x10080];
	v7 =	vmax.f32 v52, v9;
	[tilespmem:s20+$0x100D0] =	vst v5  }
0x58: {  	v57 =	vld [tilespmem:s20+$0x10090];
	v5 =	vmax.f32 v62, v15;
	[tilespmem:s20+$0x10050] =	vst v7  }
0x59: {  	s19 =	sadd.s32 $0x1, s19;
	v58 =	vld [tilespmem:s20+$0x100A0];
	v7 =	vmax.f32 v54, v10;
	[tilespmem:s20+$0x100E0] =	vst v5  }
0x5a: {  	p0 =	sne.s32 s19, $0x1F;
	v5 =	vmax.f32 v63, v6;
	[tilespmem:s20+$0x10060] =	vst v7  }
.Ltmp4:
0x5b: {  	v7 =	vmax.f32 v55, v12;
	[tilespmem:s20+$0x100F0] =	vst v5;
	(pc) =	sbr.rel @!p0 .LBB2_12-.Ltmp4, $4  }
0x5c: {  	[tilespmem:s20+$0x10070] =	vst v7;
	v7 =	vmax.f32 v56, v11  }
0x5d: {  	[tilespmem:s20+$0x10080] =	vst v7;
	v7 =	vmax.f32 v57, v19  }
0x5e: {  	[tilespmem:s20+$0x10090] =	vst v7;
	v7 =	vmax.f32 v58, v20  }
0x5f: {  	[tilespmem:s20+$0x100A0] =	vst v7  }
.LBB2_4:
0x60: {  	v5 =	vld [tilespmem:s19+$0x12000];
	_ =	sdelay $0x4  }
0x61: {  	v5 =	vsub.s32 v5, v1  }
0x62: {  	(v2sf) =	vpush v5, $0x0  }
0x63: {  	(v2sf) =	vpush v5, $0x1;
	_ =	sdelay $0xd  }
0x64: {  	s20 =	spop (v2sf)  }
0x65: {  	s21 =	spop (v2sf)  }
0x66: {  	p0 =	sgt.s32 s21, $0x0  }
0x67: {  	s21 =	simm.s32 @!p0 $0x0;
	p0 =	sgt.s32 s20, $0x0  }
0x68: {  	s20 =	simm.s32 @!p0 $0x0;
	s21 =	smin.u32 s21, $0x80  }
0x69: {  	v16 =	vimm.f32 $-Inf;
	p0 =	sle.u32 s21, s20  }
.Ltmp5:
0x6a: {  	v17 =	vimm.f32 $-Inf;
	v7 =	vimm.f32 $-Inf;
	v8 =	vimm.f32 $-Inf;
	(pc) =	sbr.rel @p0 .LBB2_11-.Ltmp5, $4  }
0x6b: {  	v18 =	vimm.f32 $-Inf;
	v9 =	vimm.f32 $-Inf;
	v10 =	vimm.f32 $-Inf  }
0x6c: {  	v12 =	vimm.f32 $-Inf;
	v11 =	vimm.f32 $-Inf;
	v19 =	vimm.f32 $-Inf  }
0x6d: {  	v20 =	vimm.f32 $-Inf;
	v13 =	vimm.f32 $-Inf;
	v14 =	vimm.f32 $-Inf  }
0x6e: {  	v15 =	vimm.f32 $-Inf;
	v6 =	vimm.f32 $-Inf;
	v5 =	vimm.f32 $-Inf  }
0x6f: {  	s24 =	ssub.s32 s21, s20  }
0x70: {  	p1 =	sne.s32 s24, $0x1  }
.Ltmp6:
0x71: {  	_ = 	snop;
	(pc) =	sbr.rel @!p1 .LBB2_6-.Ltmp6, $3  }
0x72: {  	_ =	sdelay $0x1  }
0x73: {  	s21 =	sshll.u32 s20, $0x8;
	s22 =	sshll.u32 s20, $0x7;
	p0 =	por $0x0, $0x0  }
0x74: {  	v5 =	vimm.f32 $-Inf;
	s23 =	sand.u32 $0x7FFFF800, s21;
	s25 =	sand.u32 $0x380, s22;
	s24 =	sadd.s32 $0xFFFFFFFF, s24  }
0x75: {  	s20 =	sor.u32 s25, s23  }
0x76: {  	v6 =	vld [tilespmem:s20+$0x470]  }
0x77: {  	v7 =	vld [tilespmem:s20+$0x0]  }
0x78: {  	v8 =	vld [tilespmem:s20+$0x10]  }
0x79: {  	v9 =	vld [tilespmem:s20+$0x20]  }
0x7a: {  	v10 =	vld [tilespmem:s20+$0x30]  }
0x7b: {  	v11 =	vld [tilespmem:s20+$0x40]  }
0x7c: {  	v12 =	vld [tilespmem:s20+$0x50]  }
0x7d: {  	v13 =	vld [tilespmem:s20+$0x60]  }
0x7e: {  	v14 =	vld [tilespmem:s20+$0x70]  }
0x7f: {  	p1 =	sne.s32 s24, $0x1;
	v16 =	vimm.f32 $-Inf;
	v15 =	vld [tilespmem:s20+$0x400]  }
.Ltmp7:
0x80: {  	v17 =	vimm.f32 $-Inf;
	v18 =	vimm.f32 $-Inf;
	v19 =	vimm.f32 $-Inf;
	v22 =	vld [tilespmem:s20+$0x410];
	(pc) =	sbr.rel @!p1 .LBB2_8-.Ltmp7, $4  }
0x81: {  	v20 =	vimm.f32 $-Inf;
	v21 =	vimm.f32 $-Inf;
	v23 =	vld [tilespmem:s20+$0x420];
	v6 =	vmax.f32 v5, v6  }
0x82: {  	v24 =	vld [tilespmem:s20+$0x430];
	v7 =	vmax.f32 v5, v7;
	v8 =	vmax.f32 v5, v8;
	v9 =	vmax.f32 v5, v9  }
0x83: {  	s21 =	sadd.s32 $0x100, s21;
	s22 =	sadd.s32 $0x80, s22;
	s24 =	sadd.s32 $0xFFFFFFFF, s24;
	v25 =	vld [tilespmem:s20+$0x440];
	v10 =	vmax.f32 v5, v10;
	v11 =	vmax.f32 v5, v11;
	v12 =	vmax.f32 v5, v12  }
0x84: {  	p0 =	por $0x1, $0x1;
	s23 =	sand.u32 $0x7FFFF800, s21;
	s25 =	sand.u32 $0x380, s22;
	v26 =	vld [tilespmem:s20+$0x450];
	v13 =	vmax.f32 v5, v13;
	v14 =	vmax.f32 v5, v14;
	v15 =	vmax.f32 v5, v15  }
.LBB2_9:
0x85: {  	p1 =	sne.s32 s24, $0x1;
	v16 =	vmax.f32 v16, v22;
	v22 =	vld [tilespmem:s20+$0x460];
	s20 =	sor.u32 s25, s23  }
0x86: {  	v17 =	vmax.f32 v17, v23;
	v27 =	vld [tilespmem:s20+$0x470]  }
0x87: {  	v18 =	vmax.f32 v18, v24;
	v23 =	vld [tilespmem:s20+$0x0]  }
0x88: {  	v19 =	vmax.f32 v19, v25;
	v24 =	vld [tilespmem:s20+$0x10]  }
0x89: {  	v20 =	vmax.f32 v20, v26;
	v25 =	vld [tilespmem:s20+$0x20]  }
0x8a: {  	v26 =	vld [tilespmem:s20+$0x30];
	v21 =	vmax.f32 v21, v22  }
0x8b: {  	v22 =	vld [tilespmem:s20+$0x40];
	v6 =	vmax.f32 v6, v27  }
0x8c: {  	v7 =	vmax.f32 v7, v23;
	v23 =	vld [tilespmem:s20+$0x50]  }
0x8d: {  	v8 =	vmax.f32 v8, v24;
	v24 =	vld [tilespmem:s20+$0x60]  }
0x8e: {  	v9 =	vmax.f32 v9, v25;
	v25 =	vld [tilespmem:s20+$0x70]  }
0x8f: {  	v10 =	vmax.f32 v10, v26;
	v26 =	vld [tilespmem:s20+$0x400]  }
.Ltmp8:
0x90: {  	v11 =	vmax.f32 v11, v22;
	v22 =	vld [tilespmem:s20+$0x410];
	(pc) =	sbr.rel @p1 .LBB2_9-.Ltmp8, $4  }
0x91: {  	v12 =	vmax.f32 v12, v23;
	v23 =	vld [tilespmem:s20+$0x420]  }
0x92: {  	v13 =	vmax.f32 v13, v24;
	v24 =	vld [tilespmem:s20+$0x430]  }
0x93: {  	s22 =	sadd.s32 $0x80, s22;
	s21 =	sadd.s32 $0x100, s21;
	v14 =	vmax.f32 v14, v25;
	v25 =	vld [tilespmem:s20+$0x440]  }
0x94: {  	s24 =	sadd.s32 $0xFFFFFFFF, s24;
	s23 =	sand.u32 $0x7FFFF800, s21;
	s25 =	sand.u32 $0x380, s22;
	v15 =	vmax.f32 v15, v26;
	v26 =	vld [tilespmem:s20+$0x450]  }
.Ltmp9:
0x95: {  	_ = 	snop;
	(pc) =	sbr.rel .LBB2_10-.Ltmp9, $1  }
0x96: {  	_ =	sdelay $0x3  }
.LBB2_8:
.Ltmp10:
0x97: {  	(pc) =	sbr.rel .LBB2_10-.Ltmp10, $3  }
0x98: {  	_ =	sdelay $0x1  }
0x99: {  	v16 =	vimm.f32 $-Inf;
	v17 =	vimm.f32 $-Inf;
	v18 =	vimm.f32 $-Inf  }
0x9a: {  	v19 =	vimm.f32 $-Inf;
	v20 =	vimm.f32 $-Inf;
	v21 =	vimm.f32 $-Inf  }
.LBB2_12:
.Ltmp11:
0x9b: {  	s19 =	simm.s32 $0x0;
	(pc) =	sbr.rel .LBB2_13-.Ltmp11, $4  }
0x9c: {  	[tilespmem:s19], [sflag:$0x1] =	stream.linear.gather [hbm4b:s6+s19], $0x8000, $0x38;
	[tilespmem:$0x12080] =	vst v63  }
0x9d: {  	_ =	swait.ge [sflag:s14], $0x8000  }
0x9e: {  	[sflag:s14] =	ssyncset.done $0x0  }
0x9f: {  	[sflag:s14] =	ssyncadd.s32 $0xFFFF8000  }
.LBB2_15:
0xa0: {  	v16 =	vimm.f32 $-Inf  }
0xa1: {  	v17 =	vimm.f32 $-Inf;
	v18 =	vimm.f32 $-Inf;
	v19 =	vimm.f32 $-Inf  }
0xa2: {  	v20 =	vimm.f32 $-Inf;
	v21 =	vimm.f32 $-Inf;
	v6 =	vimm.f32 $-Inf  }
0xa3: {  	v7 =	vimm.f32 $-Inf;
	v8 =	vimm.f32 $-Inf;
	v9 =	vimm.f32 $-Inf  }
0xa4: {  	v10 =	vimm.f32 $-Inf;
	v11 =	vimm.f32 $-Inf;
	v12 =	vimm.f32 $-Inf  }
0xa5: {  	v13 =	vimm.f32 $-Inf;
	v14 =	vimm.f32 $-Inf;
	v15 =	vimm.f32 $-Inf  }
.LBB2_19:
0xa6: {  	s21 =	sor.u32 s25, s23;
	v27 =	vld @p0 [tilespmem:s20+$0x8460]  }
0xa7: {  	v28 =	vld [tilespmem:s21+$0x8470]  }
0xa8: {  	v29 =	vld [tilespmem:s21+$0x8000]  }
0xa9: {  	v30 =	vld [tilespmem:s21+$0x8010]  }
0xaa: {  	v31 =	vld [tilespmem:s21+$0x8020]  }
0xab: {  	v32 =	vld [tilespmem:s21+$0x8030]  }
0xac: {  	v33 =	vld [tilespmem:s21+$0x8040]  }
0xad: {  	v34 =	vld [tilespmem:s21+$0x8050]  }
0xae: {  	v35 =	vld [tilespmem:s21+$0x8060]  }
0xaf: {  	v36 =	vld [tilespmem:s21+$0x8070]  }
0xb0: {  	v37 =	vld [tilespmem:s21+$0x8400]  }
0xb1: {  	v38 =	vld [tilespmem:s21+$0x8410]  }
0xb2: {  	v22 =	vmax.f32 @p0 v16, v22;
	v39 =	vld [tilespmem:s21+$0x8420]  }
0xb3: {  	v23 =	vmax.f32 @p0 v17, v23;
	v24 =	vmax.f32 @p0 v18, v24;
	v19 =	vmax.f32 @p0 v19, v25;
	v60 =	vld [tilespmem:s21+$0x8430]  }
0xb4: {  	v20 =	vmax.f32 @p0 v20, v26;
	v61 =	vld [tilespmem:s21+$0x8440];
	v21 =	vmax.f32 @p0 v21, v27;
	v6 =	vmax.f32 v6, v28  }
0xb5: {  	v62 =	vld [tilespmem:s21+$0x8450];
	v16 =	vmax.f32 v7, v29;
	v17 =	vmax.f32 v8, v30;
	v7 =	vmax.f32 v9, v31  }
0xb6: {  	v63 =	vld [tilespmem:s21+$0x8460];
	v8 =	vmax.f32 v10, v32;
	v18 =	vmax.f32 v11, v33;
	v9 =	vmax.f32 v12, v34  }
0xb7: {  	v10 =	vmax.f32 v13, v35;
	v12 =	vmax.f32 v14, v36;
	v11 =	vmax.f32 v15, v37  }
0xb8: {  	v13 =	vpsel p0, v22, v5;
	v14 =	vpsel p0, v23, v5;
	v15 =	vpsel p0, v24, v5  }
0xb9: {  	v22 =	vpsel p0, v19, v5;
	v23 =	vpsel p0, v20, v5;
	v21 =	vpsel p0, v21, v5  }
0xba: {  	v19 =	vmax.f32 v13, v38;
	v20 =	vmax.f32 v14, v39;
	v5 =	vmax.f32 v15, v60  }
0xbb: {  	v13 =	vmax.f32 v22, v61;
	v14 =	vmax.f32 v23, v62;
	v15 =	vmax.f32 v21, v63  }
.LBB2_20:
0xbc: {  	s20 =	sshll.u32 s19, $0x8  }
0xbd: {  	s20 =	sand.u32 $0x3FFFFF00, s20  }
0xbe: {  	v21 =	vld [tilespmem:s20+$0x10000]  }
0xbf: {  	v22 =	vld [tilespmem:s20+$0x10010]  }
0xc0: {  	v23 =	vld [tilespmem:s20+$0x10020]  }
0xc1: {  	v59 =	vld [tilespmem:s20+$0x100B0]  }
0xc2: {  	v24 =	vld [tilespmem:s20+$0x10030]  }
0xc3: {  	v60 =	vld [tilespmem:s20+$0x100C0];
	v16 =	vmax.f32 v21, v16  }
0xc4: {  	v25 =	vld [tilespmem:s20+$0x10040];
	v53 =	vmax.f32 v22, v17;
	[tilespmem:s20+$0x10000] =	vst v16  }
0xc5: {  	v61 =	vld [tilespmem:s20+$0x100D0];
	v7 =	vmax.f32 v23, v7;
	[tilespmem:s20+$0x10010] =	vst v53  }
0xc6: {  	v52 =	vld [tilespmem:s20+$0x10050];
	v5 =	vmax.f32 v59, v5;
	[tilespmem:s20+$0x10020] =	vst v7  }
0xc7: {  	v62 =	vld [tilespmem:s20+$0x100E0];
	v7 =	vmax.f32 v24, v8;
	[tilespmem:s20+$0x100B0] =	vst v5  }
0xc8: {  	v54 =	vld [tilespmem:s20+$0x10060];
	v5 =	vmax.f32 v60, v13;
	[tilespmem:s20+$0x10030] =	vst v7  }
0xc9: {  	v63 =	vld [tilespmem:s20+$0x100F0];
	v7 =	vmax.f32 v25, v18;
	[tilespmem:s20+$0x100C0] =	vst v5  }
0xca: {  	v55 =	vld [tilespmem:s20+$0x10070];
	v5 =	vmax.f32 v61, v14;
	[tilespmem:s20+$0x10040] =	vst v7  }
0xcb: {  	v56 =	vld [tilespmem:s20+$0x10080];
	v7 =	vmax.f32 v52, v9;
	[tilespmem:s20+$0x100D0] =	vst v5  }
0xcc: {  	v57 =	vld [tilespmem:s20+$0x10090];
	v5 =	vmax.f32 v62, v15;
	[tilespmem:s20+$0x10050] =	vst v7  }
0xcd: {  	s19 =	sadd.s32 $0x1, s19;
	v58 =	vld [tilespmem:s20+$0x100A0];
	v7 =	vmax.f32 v54, v10;
	[tilespmem:s20+$0x100E0] =	vst v5  }
0xce: {  	p0 =	sne.s32 s19, $0x1F;
	v5 =	vmax.f32 v63, v6;
	[tilespmem:s20+$0x10060] =	vst v7  }
.Ltmp12:
0xcf: {  	v7 =	vmax.f32 v55, v12;
	[tilespmem:s20+$0x100F0] =	vst v5;
	(pc) =	sbr.rel @!p0 .LBB2_21-.Ltmp12, $4  }
0xd0: {  	[tilespmem:s20+$0x10070] =	vst v7;
	v7 =	vmax.f32 v56, v11  }
0xd1: {  	[tilespmem:s20+$0x10080] =	vst v7;
	v7 =	vmax.f32 v57, v19  }
0xd2: {  	[tilespmem:s20+$0x10090] =	vst v7;
	v7 =	vmax.f32 v58, v20  }
0xd3: {  	[tilespmem:s20+$0x100A0] =	vst v7  }
.LBB2_13:
0xd4: {  	v5 =	vld [tilespmem:s19+$0x12000];
	_ =	sdelay $0x4  }
0xd5: {  	v5 =	vsub.s32 v5, v2  }
0xd6: {  	(v2sf) =	vpush v5, $0x0  }
0xd7: {  	(v2sf) =	vpush v5, $0x1;
	_ =	sdelay $0xd  }
0xd8: {  	s20 =	spop (v2sf)  }
0xd9: {  	s21 =	spop (v2sf)  }
0xda: {  	p0 =	sgt.s32 s21, $0x0  }
0xdb: {  	s21 =	simm.s32 @!p0 $0x0;
	p0 =	sgt.s32 s20, $0x0  }
0xdc: {  	s20 =	simm.s32 @!p0 $0x0;
	s21 =	smin.u32 s21, $0x80  }
0xdd: {  	v16 =	vimm.f32 $-Inf;
	p0 =	sle.u32 s21, s20  }
.Ltmp13:
0xde: {  	v17 =	vimm.f32 $-Inf;
	v7 =	vimm.f32 $-Inf;
	v8 =	vimm.f32 $-Inf;
	(pc) =	sbr.rel @p0 .LBB2_20-.Ltmp13, $4  }
0xdf: {  	v18 =	vimm.f32 $-Inf;
	v9 =	vimm.f32 $-Inf;
	v10 =	vimm.f32 $-Inf  }
0xe0: {  	v12 =	vimm.f32 $-Inf;
	v11 =	vimm.f32 $-Inf;
	v19 =	vimm.f32 $-Inf  }
0xe1: {  	v20 =	vimm.f32 $-Inf;
	v13 =	vimm.f32 $-Inf;
	v14 =	vimm.f32 $-Inf  }
0xe2: {  	v15 =	vimm.f32 $-Inf;
	v6 =	vimm.f32 $-Inf;
	v5 =	vimm.f32 $-Inf  }
0xe3: {  	s24 =	ssub.s32 s21, s20  }
0xe4: {  	p1 =	sne.s32 s24, $0x1  }
.Ltmp14:
0xe5: {  	_ = 	snop;
	(pc) =	sbr.rel @!p1 .LBB2_15-.Ltmp14, $3  }
0xe6: {  	_ =	sdelay $0x1  }
0xe7: {  	s21 =	sshll.u32 s20, $0x8;
	s22 =	sshll.u32 s20, $0x7;
	p0 =	por $0x0, $0x0  }
0xe8: {  	v5 =	vimm.f32 $-Inf;
	s23 =	sand.u32 $0x7FFFF800, s21;
	s25 =	sand.u32 $0x380, s22;
	s24 =	sadd.s32 $0xFFFFFFFF, s24  }
0xe9: {  	s20 =	sor.u32 s25, s23  }
0xea: {  	v6 =	vld [tilespmem:s20+$0x8470]  }
0xeb: {  	v7 =	vld [tilespmem:s20+$0x8000]  }
0xec: {  	v8 =	vld [tilespmem:s20+$0x8010]  }
0xed: {  	v9 =	vld [tilespmem:s20+$0x8020]  }
0xee: {  	v10 =	vld [tilespmem:s20+$0x8030]  }
0xef: {  	v11 =	vld [tilespmem:s20+$0x8040]  }
0xf0: {  	v12 =	vld [tilespmem:s20+$0x8050]  }
0xf1: {  	v13 =	vld [tilespmem:s20+$0x8060]  }
0xf2: {  	v14 =	vld [tilespmem:s20+$0x8070]  }
0xf3: {  	p1 =	sne.s32 s24, $0x1;
	v16 =	vimm.f32 $-Inf;
	v15 =	vld [tilespmem:s20+$0x8400]  }
.Ltmp15:
0xf4: {  	v17 =	vimm.f32 $-Inf;
	v18 =	vimm.f32 $-Inf;
	v19 =	vimm.f32 $-Inf;
	v22 =	vld [tilespmem:s20+$0x8410];
	(pc) =	sbr.rel @!p1 .LBB2_17-.Ltmp15, $4  }
0xf5: {  	v20 =	vimm.f32 $-Inf;
	v21 =	vimm.f32 $-Inf;
	v23 =	vld [tilespmem:s20+$0x8420];
	v6 =	vmax.f32 v5, v6  }
0xf6: {  	v24 =	vld [tilespmem:s20+$0x8430];
	v7 =	vmax.f32 v5, v7;
	v8 =	vmax.f32 v5, v8;
	v9 =	vmax.f32 v5, v9  }
0xf7: {  	s21 =	sadd.s32 $0x100, s21;
	s22 =	sadd.s32 $0x80, s22;
	s24 =	sadd.s32 $0xFFFFFFFF, s24;
	v25 =	vld [tilespmem:s20+$0x8440];
	v10 =	vmax.f32 v5, v10;
	v11 =	vmax.f32 v5, v11;
	v12 =	vmax.f32 v5, v12  }
0xf8: {  	p0 =	por $0x1, $0x1;
	s23 =	sand.u32 $0x7FFFF800, s21;
	s25 =	sand.u32 $0x380, s22;
	v26 =	vld [tilespmem:s20+$0x8450];
	v13 =	vmax.f32 v5, v13;
	v14 =	vmax.f32 v5, v14;
	v15 =	vmax.f32 v5, v15  }
.LBB2_18:
0xf9: {  	p1 =	sne.s32 s24, $0x1;
	v16 =	vmax.f32 v16, v22;
	v22 =	vld [tilespmem:s20+$0x8460];
	s20 =	sor.u32 s25, s23  }
0xfa: {  	v17 =	vmax.f32 v17, v23;
	v27 =	vld [tilespmem:s20+$0x8470]  }
0xfb: {  	v18 =	vmax.f32 v18, v24;
	v23 =	vld [tilespmem:s20+$0x8000]  }
0xfc: {  	v19 =	vmax.f32 v19, v25;
	v24 =	vld [tilespmem:s20+$0x8010]  }
0xfd: {  	v20 =	vmax.f32 v20, v26;
	v25 =	vld [tilespmem:s20+$0x8020]  }
0xfe: {  	v26 =	vld [tilespmem:s20+$0x8030];
	v21 =	vmax.f32 v21, v22  }
0xff: {  	v22 =	vld [tilespmem:s20+$0x8040];
	v6 =	vmax.f32 v6, v27  }
0x100: {  	v7 =	vmax.f32 v7, v23;
	v23 =	vld [tilespmem:s20+$0x8050]  }
0x101: {  	v8 =	vmax.f32 v8, v24;
	v24 =	vld [tilespmem:s20+$0x8060]  }
0x102: {  	v9 =	vmax.f32 v9, v25;
	v25 =	vld [tilespmem:s20+$0x8070]  }
0x103: {  	v10 =	vmax.f32 v10, v26;
	v26 =	vld [tilespmem:s20+$0x8400]  }
.Ltmp16:
0x104: {  	v11 =	vmax.f32 v11, v22;
	v22 =	vld [tilespmem:s20+$0x8410];
	(pc) =	sbr.rel @p1 .LBB2_18-.Ltmp16, $4  }
0x105: {  	v12 =	vmax.f32 v12, v23;
	v23 =	vld [tilespmem:s20+$0x8420]  }
0x106: {  	v13 =	vmax.f32 v13, v24;
	v24 =	vld [tilespmem:s20+$0x8430]  }
0x107: {  	s22 =	sadd.s32 $0x80, s22;
	s21 =	sadd.s32 $0x100, s21;
	v14 =	vmax.f32 v14, v25;
	v25 =	vld [tilespmem:s20+$0x8440]  }
0x108: {  	s24 =	sadd.s32 $0xFFFFFFFF, s24;
	s23 =	sand.u32 $0x7FFFF800, s21;
	s25 =	sand.u32 $0x380, s22;
	v15 =	vmax.f32 v15, v26;
	v26 =	vld [tilespmem:s20+$0x8450]  }
.Ltmp17:
0x109: {  	_ = 	snop;
	(pc) =	sbr.rel .LBB2_19-.Ltmp17, $1  }
0x10a: {  	_ =	sdelay $0x3  }
.LBB2_17:
.Ltmp18:
0x10b: {  	(pc) =	sbr.rel .LBB2_19-.Ltmp18, $3  }
0x10c: {  	_ =	sdelay $0x1  }
0x10d: {  	v16 =	vimm.f32 $-Inf;
	v17 =	vimm.f32 $-Inf;
	v18 =	vimm.f32 $-Inf  }
0x10e: {  	v19 =	vimm.f32 $-Inf;
	v20 =	vimm.f32 $-Inf;
	v21 =	vimm.f32 $-Inf  }
.LBB2_21:
.Ltmp19:
0x10f: {  	s19 =	simm.s32 $0x0;
	(pc) =	sbr.rel .LBB2_22-.Ltmp19, $4  }
0x110: {  	[tilespmem:s12], [sflag:$0x2] =	stream.linear.gather [hbm4b:s7+s19], $0x8000, $0x38;
	[tilespmem:$0x12080] =	vst v63  }
0x111: {  	_ =	swait.ge [sflag:s13], $0x8000  }
0x112: {  	[sflag:s13] =	ssyncset.done $0x0  }
0x113: {  	[sflag:s13] =	ssyncadd.s32 $0xFFFF8000  }
.LBB2_24:
0x114: {  	v16 =	vimm.f32 $-Inf  }
0x115: {  	v17 =	vimm.f32 $-Inf;
	v18 =	vimm.f32 $-Inf;
	v19 =	vimm.f32 $-Inf  }
0x116: {  	v20 =	vimm.f32 $-Inf;
	v21 =	vimm.f32 $-Inf;
	v6 =	vimm.f32 $-Inf  }
0x117: {  	v7 =	vimm.f32 $-Inf;
	v8 =	vimm.f32 $-Inf;
	v9 =	vimm.f32 $-Inf  }
0x118: {  	v10 =	vimm.f32 $-Inf;
	v11 =	vimm.f32 $-Inf;
	v12 =	vimm.f32 $-Inf  }
0x119: {  	v13 =	vimm.f32 $-Inf;
	v14 =	vimm.f32 $-Inf;
	v15 =	vimm.f32 $-Inf  }
.LBB2_28:
0x11a: {  	s21 =	sor.u32 s25, s23;
	v27 =	vld @p0 [tilespmem:s20+$0x460]  }
0x11b: {  	v28 =	vld [tilespmem:s21+$0x470]  }
0x11c: {  	v29 =	vld [tilespmem:s21+$0x0]  }
0x11d: {  	v30 =	vld [tilespmem:s21+$0x10]  }
0x11e: {  	v31 =	vld [tilespmem:s21+$0x20]  }
0x11f: {  	v32 =	vld [tilespmem:s21+$0x30]  }
0x120: {  	v33 =	vld [tilespmem:s21+$0x40]  }
0x121: {  	v34 =	vld [tilespmem:s21+$0x50]  }
0x122: {  	v35 =	vld [tilespmem:s21+$0x60]  }
0x123: {  	v36 =	vld [tilespmem:s21+$0x70]  }
0x124: {  	v37 =	vld [tilespmem:s21+$0x400]  }
0x125: {  	v38 =	vld [tilespmem:s21+$0x410]  }
0x126: {  	v22 =	vmax.f32 @p0 v16, v22;
	v39 =	vld [tilespmem:s21+$0x420]  }
0x127: {  	v23 =	vmax.f32 @p0 v17, v23;
	v24 =	vmax.f32 @p0 v18, v24;
	v19 =	vmax.f32 @p0 v19, v25;
	v60 =	vld [tilespmem:s21+$0x430]  }
0x128: {  	v20 =	vmax.f32 @p0 v20, v26;
	v61 =	vld [tilespmem:s21+$0x440];
	v21 =	vmax.f32 @p0 v21, v27;
	v6 =	vmax.f32 v6, v28  }
0x129: {  	v62 =	vld [tilespmem:s21+$0x450];
	v16 =	vmax.f32 v7, v29;
	v17 =	vmax.f32 v8, v30;
	v7 =	vmax.f32 v9, v31  }
0x12a: {  	v63 =	vld [tilespmem:s21+$0x460];
	v8 =	vmax.f32 v10, v32;
	v18 =	vmax.f32 v11, v33;
	v9 =	vmax.f32 v12, v34  }
0x12b: {  	v10 =	vmax.f32 v13, v35;
	v12 =	vmax.f32 v14, v36;
	v11 =	vmax.f32 v15, v37  }
0x12c: {  	v13 =	vpsel p0, v22, v5;
	v14 =	vpsel p0, v23, v5;
	v15 =	vpsel p0, v24, v5  }
0x12d: {  	v22 =	vpsel p0, v19, v5;
	v23 =	vpsel p0, v20, v5;
	v21 =	vpsel p0, v21, v5  }
0x12e: {  	v19 =	vmax.f32 v13, v38;
	v20 =	vmax.f32 v14, v39;
	v5 =	vmax.f32 v15, v60  }
0x12f: {  	v13 =	vmax.f32 v22, v61;
	v14 =	vmax.f32 v23, v62;
	v15 =	vmax.f32 v21, v63  }
.LBB2_29:
0x130: {  	s20 =	sshll.u32 s19, $0x8  }
0x131: {  	s20 =	sand.u32 $0x3FFFFF00, s20  }
0x132: {  	v21 =	vld [tilespmem:s20+$0x10000]  }
0x133: {  	v22 =	vld [tilespmem:s20+$0x10010]  }
0x134: {  	v23 =	vld [tilespmem:s20+$0x10020]  }
0x135: {  	v59 =	vld [tilespmem:s20+$0x100B0]  }
0x136: {  	v24 =	vld [tilespmem:s20+$0x10030]  }
0x137: {  	v60 =	vld [tilespmem:s20+$0x100C0];
	v16 =	vmax.f32 v21, v16  }
0x138: {  	v25 =	vld [tilespmem:s20+$0x10040];
	v53 =	vmax.f32 v22, v17;
	[tilespmem:s20+$0x10000] =	vst v16  }
0x139: {  	v61 =	vld [tilespmem:s20+$0x100D0];
	v7 =	vmax.f32 v23, v7;
	[tilespmem:s20+$0x10010] =	vst v53  }
0x13a: {  	v52 =	vld [tilespmem:s20+$0x10050];
	v5 =	vmax.f32 v59, v5;
	[tilespmem:s20+$0x10020] =	vst v7  }
0x13b: {  	v62 =	vld [tilespmem:s20+$0x100E0];
	v7 =	vmax.f32 v24, v8;
	[tilespmem:s20+$0x100B0] =	vst v5  }
0x13c: {  	v54 =	vld [tilespmem:s20+$0x10060];
	v5 =	vmax.f32 v60, v13;
	[tilespmem:s20+$0x10030] =	vst v7  }
0x13d: {  	v63 =	vld [tilespmem:s20+$0x100F0];
	v7 =	vmax.f32 v25, v18;
	[tilespmem:s20+$0x100C0] =	vst v5  }
0x13e: {  	v55 =	vld [tilespmem:s20+$0x10070];
	v5 =	vmax.f32 v61, v14;
	[tilespmem:s20+$0x10040] =	vst v7  }
0x13f: {  	v56 =	vld [tilespmem:s20+$0x10080];
	v7 =	vmax.f32 v52, v9;
	[tilespmem:s20+$0x100D0] =	vst v5  }
0x140: {  	v57 =	vld [tilespmem:s20+$0x10090];
	v5 =	vmax.f32 v62, v15;
	[tilespmem:s20+$0x10050] =	vst v7  }
0x141: {  	s19 =	sadd.s32 $0x1, s19;
	v58 =	vld [tilespmem:s20+$0x100A0];
	v7 =	vmax.f32 v54, v10;
	[tilespmem:s20+$0x100E0] =	vst v5  }
0x142: {  	p0 =	sne.s32 s19, $0x1F;
	v5 =	vmax.f32 v63, v6;
	[tilespmem:s20+$0x10060] =	vst v7  }
.Ltmp20:
0x143: {  	v7 =	vmax.f32 v55, v12;
	[tilespmem:s20+$0x100F0] =	vst v5;
	(pc) =	sbr.rel @!p0 .LBB2_30-.Ltmp20, $4  }
0x144: {  	[tilespmem:s20+$0x10070] =	vst v7;
	v7 =	vmax.f32 v56, v11  }
0x145: {  	[tilespmem:s20+$0x10080] =	vst v7;
	v7 =	vmax.f32 v57, v19  }
0x146: {  	[tilespmem:s20+$0x10090] =	vst v7;
	v7 =	vmax.f32 v58, v20  }
0x147: {  	[tilespmem:s20+$0x100A0] =	vst v7  }
.LBB2_22:
0x148: {  	v5 =	vld [tilespmem:s19+$0x12000];
	_ =	sdelay $0x4  }
0x149: {  	v5 =	vsub.s32 v5, v3  }
0x14a: {  	(v2sf) =	vpush v5, $0x0  }
0x14b: {  	(v2sf) =	vpush v5, $0x1;
	_ =	sdelay $0xd  }
0x14c: {  	s20 =	spop (v2sf)  }
0x14d: {  	s21 =	spop (v2sf)  }
0x14e: {  	p0 =	sgt.s32 s21, $0x0  }
0x14f: {  	s21 =	simm.s32 @!p0 $0x0;
	p0 =	sgt.s32 s20, $0x0  }
0x150: {  	s20 =	simm.s32 @!p0 $0x0;
	s21 =	smin.u32 s21, $0x80  }
0x151: {  	v16 =	vimm.f32 $-Inf;
	p0 =	sle.u32 s21, s20  }
.Ltmp21:
0x152: {  	v17 =	vimm.f32 $-Inf;
	v7 =	vimm.f32 $-Inf;
	v8 =	vimm.f32 $-Inf;
	(pc) =	sbr.rel @p0 .LBB2_29-.Ltmp21, $4  }
0x153: {  	v18 =	vimm.f32 $-Inf;
	v9 =	vimm.f32 $-Inf;
	v10 =	vimm.f32 $-Inf  }
0x154: {  	v12 =	vimm.f32 $-Inf;
	v11 =	vimm.f32 $-Inf;
	v19 =	vimm.f32 $-Inf  }
0x155: {  	v20 =	vimm.f32 $-Inf;
	v13 =	vimm.f32 $-Inf;
	v14 =	vimm.f32 $-Inf  }
0x156: {  	v15 =	vimm.f32 $-Inf;
	v6 =	vimm.f32 $-Inf;
	v5 =	vimm.f32 $-Inf  }
0x157: {  	s24 =	ssub.s32 s21, s20  }
0x158: {  	p1 =	sne.s32 s24, $0x1  }
.Ltmp22:
0x159: {  	_ = 	snop;
	(pc) =	sbr.rel @!p1 .LBB2_24-.Ltmp22, $3  }
0x15a: {  	_ =	sdelay $0x1  }
0x15b: {  	s21 =	sshll.u32 s20, $0x8;
	s22 =	sshll.u32 s20, $0x7;
	p0 =	por $0x0, $0x0  }
0x15c: {  	v5 =	vimm.f32 $-Inf;
	s23 =	sand.u32 $0x7FFFF800, s21;
	s25 =	sand.u32 $0x380, s22;
	s24 =	sadd.s32 $0xFFFFFFFF, s24  }
0x15d: {  	s20 =	sor.u32 s25, s23  }
0x15e: {  	v6 =	vld [tilespmem:s20+$0x470]  }
0x15f: {  	v7 =	vld [tilespmem:s20+$0x0]  }
0x160: {  	v8 =	vld [tilespmem:s20+$0x10]  }
0x161: {  	v9 =	vld [tilespmem:s20+$0x20]  }
0x162: {  	v10 =	vld [tilespmem:s20+$0x30]  }
0x163: {  	v11 =	vld [tilespmem:s20+$0x40]  }
0x164: {  	v12 =	vld [tilespmem:s20+$0x50]  }
0x165: {  	v13 =	vld [tilespmem:s20+$0x60]  }
0x166: {  	v14 =	vld [tilespmem:s20+$0x70]  }
0x167: {  	p1 =	sne.s32 s24, $0x1;
	v16 =	vimm.f32 $-Inf;
	v15 =	vld [tilespmem:s20+$0x400]  }
.Ltmp23:
0x168: {  	v17 =	vimm.f32 $-Inf;
	v18 =	vimm.f32 $-Inf;
	v19 =	vimm.f32 $-Inf;
	v22 =	vld [tilespmem:s20+$0x410];
	(pc) =	sbr.rel @!p1 .LBB2_26-.Ltmp23, $4  }
0x169: {  	v20 =	vimm.f32 $-Inf;
	v21 =	vimm.f32 $-Inf;
	v23 =	vld [tilespmem:s20+$0x420];
	v6 =	vmax.f32 v5, v6  }
0x16a: {  	v24 =	vld [tilespmem:s20+$0x430];
	v7 =	vmax.f32 v5, v7;
	v8 =	vmax.f32 v5, v8;
	v9 =	vmax.f32 v5, v9  }
0x16b: {  	s21 =	sadd.s32 $0x100, s21;
	s22 =	sadd.s32 $0x80, s22;
	s24 =	sadd.s32 $0xFFFFFFFF, s24;
	v25 =	vld [tilespmem:s20+$0x440];
	v10 =	vmax.f32 v5, v10;
	v11 =	vmax.f32 v5, v11;
	v12 =	vmax.f32 v5, v12  }
0x16c: {  	p0 =	por $0x1, $0x1;
	s23 =	sand.u32 $0x7FFFF800, s21;
	s25 =	sand.u32 $0x380, s22;
	v26 =	vld [tilespmem:s20+$0x450];
	v13 =	vmax.f32 v5, v13;
	v14 =	vmax.f32 v5, v14;
	v15 =	vmax.f32 v5, v15  }
.LBB2_27:
0x16d: {  	p1 =	sne.s32 s24, $0x1;
	v16 =	vmax.f32 v16, v22;
	v22 =	vld [tilespmem:s20+$0x460];
	s20 =	sor.u32 s25, s23  }
0x16e: {  	v17 =	vmax.f32 v17, v23;
	v27 =	vld [tilespmem:s20+$0x470]  }
0x16f: {  	v18 =	vmax.f32 v18, v24;
	v23 =	vld [tilespmem:s20+$0x0]  }
0x170: {  	v19 =	vmax.f32 v19, v25;
	v24 =	vld [tilespmem:s20+$0x10]  }
0x171: {  	v20 =	vmax.f32 v20, v26;
	v25 =	vld [tilespmem:s20+$0x20]  }
0x172: {  	v26 =	vld [tilespmem:s20+$0x30];
	v21 =	vmax.f32 v21, v22  }
0x173: {  	v22 =	vld [tilespmem:s20+$0x40];
	v6 =	vmax.f32 v6, v27  }
0x174: {  	v7 =	vmax.f32 v7, v23;
	v23 =	vld [tilespmem:s20+$0x50]  }
0x175: {  	v8 =	vmax.f32 v8, v24;
	v24 =	vld [tilespmem:s20+$0x60]  }
0x176: {  	v9 =	vmax.f32 v9, v25;
	v25 =	vld [tilespmem:s20+$0x70]  }
0x177: {  	v10 =	vmax.f32 v10, v26;
	v26 =	vld [tilespmem:s20+$0x400]  }
.Ltmp24:
0x178: {  	v11 =	vmax.f32 v11, v22;
	v22 =	vld [tilespmem:s20+$0x410];
	(pc) =	sbr.rel @p1 .LBB2_27-.Ltmp24, $4  }
0x179: {  	v12 =	vmax.f32 v12, v23;
	v23 =	vld [tilespmem:s20+$0x420]  }
0x17a: {  	v13 =	vmax.f32 v13, v24;
	v24 =	vld [tilespmem:s20+$0x430]  }
0x17b: {  	s22 =	sadd.s32 $0x80, s22;
	s21 =	sadd.s32 $0x100, s21;
	v14 =	vmax.f32 v14, v25;
	v25 =	vld [tilespmem:s20+$0x440]  }
0x17c: {  	s24 =	sadd.s32 $0xFFFFFFFF, s24;
	s23 =	sand.u32 $0x7FFFF800, s21;
	s25 =	sand.u32 $0x380, s22;
	v15 =	vmax.f32 v15, v26;
	v26 =	vld [tilespmem:s20+$0x450]  }
.Ltmp25:
0x17d: {  	_ = 	snop;
	(pc) =	sbr.rel .LBB2_28-.Ltmp25, $1  }
0x17e: {  	_ =	sdelay $0x3  }
.LBB2_26:
.Ltmp26:
0x17f: {  	(pc) =	sbr.rel .LBB2_28-.Ltmp26, $3  }
0x180: {  	_ =	sdelay $0x1  }
0x181: {  	v16 =	vimm.f32 $-Inf;
	v17 =	vimm.f32 $-Inf;
	v18 =	vimm.f32 $-Inf  }
0x182: {  	v19 =	vimm.f32 $-Inf;
	v20 =	vimm.f32 $-Inf;
	v21 =	vimm.f32 $-Inf  }
.LBB2_30:
.Ltmp27:
0x183: {  	(pc) =	sbr.rel .LBB2_31-.Ltmp27, $4  }
0x184: {  	_ = 	snop  }
0x185: {  	_ =	swait.ge [sflag:s14], $0x8000  }
0x186: {  	[sflag:s14] =	ssyncset.done $0x0  }
0x187: {  	s19 =	simm.s32 $0x0;
	[sflag:s14] =	ssyncadd.s32 $0xFFFF8000  }
.LBB2_33:
0x188: {  	v16 =	vimm.f32 $-Inf  }
0x189: {  	v17 =	vimm.f32 $-Inf;
	v18 =	vimm.f32 $-Inf;
	v19 =	vimm.f32 $-Inf  }
0x18a: {  	v20 =	vimm.f32 $-Inf;
	v21 =	vimm.f32 $-Inf;
	v6 =	vimm.f32 $-Inf  }
0x18b: {  	v7 =	vimm.f32 $-Inf;
	v8 =	vimm.f32 $-Inf;
	v9 =	vimm.f32 $-Inf  }
0x18c: {  	v10 =	vimm.f32 $-Inf;
	v11 =	vimm.f32 $-Inf;
	v12 =	vimm.f32 $-Inf  }
0x18d: {  	v13 =	vimm.f32 $-Inf;
	v14 =	vimm.f32 $-Inf;
	v15 =	vimm.f32 $-Inf  }
.LBB2_37:
0x18e: {  	s21 =	sor.u32 s25, s23;
	v27 =	vld @p0 [tilespmem:s20+$0x8460]  }
0x18f: {  	v28 =	vld [tilespmem:s21+$0x8470]  }
0x190: {  	v29 =	vld [tilespmem:s21+$0x8000]  }
0x191: {  	v30 =	vld [tilespmem:s21+$0x8010]  }
0x192: {  	v31 =	vld [tilespmem:s21+$0x8020]  }
0x193: {  	v32 =	vld [tilespmem:s21+$0x8030]  }
0x194: {  	v33 =	vld [tilespmem:s21+$0x8040]  }
0x195: {  	v34 =	vld [tilespmem:s21+$0x8050]  }
0x196: {  	v35 =	vld [tilespmem:s21+$0x8060]  }
0x197: {  	v36 =	vld [tilespmem:s21+$0x8070]  }
0x198: {  	v37 =	vld [tilespmem:s21+$0x8400]  }
0x199: {  	v38 =	vld [tilespmem:s21+$0x8410]  }
0x19a: {  	v22 =	vmax.f32 @p0 v16, v22;
	v39 =	vld [tilespmem:s21+$0x8420]  }
0x19b: {  	v23 =	vmax.f32 @p0 v17, v23;
	v24 =	vmax.f32 @p0 v18, v24;
	v19 =	vmax.f32 @p0 v19, v25;
	v60 =	vld [tilespmem:s21+$0x8430]  }
0x19c: {  	v20 =	vmax.f32 @p0 v20, v26;
	v61 =	vld [tilespmem:s21+$0x8440];
	v21 =	vmax.f32 @p0 v21, v27;
	v6 =	vmax.f32 v6, v28  }
0x19d: {  	v62 =	vld [tilespmem:s21+$0x8450];
	v16 =	vmax.f32 v7, v29;
	v17 =	vmax.f32 v8, v30;
	v7 =	vmax.f32 v9, v31  }
0x19e: {  	v63 =	vld [tilespmem:s21+$0x8460];
	v8 =	vmax.f32 v10, v32;
	v18 =	vmax.f32 v11, v33;
	v9 =	vmax.f32 v12, v34  }
0x19f: {  	v10 =	vmax.f32 v13, v35;
	v12 =	vmax.f32 v14, v36;
	v11 =	vmax.f32 v15, v37  }
0x1a0: {  	v13 =	vpsel p0, v22, v5;
	v14 =	vpsel p0, v23, v5;
	v15 =	vpsel p0, v24, v5  }
0x1a1: {  	v22 =	vpsel p0, v19, v5;
	v23 =	vpsel p0, v20, v5;
	v21 =	vpsel p0, v21, v5  }
0x1a2: {  	v19 =	vmax.f32 v13, v38;
	v20 =	vmax.f32 v14, v39;
	v5 =	vmax.f32 v15, v60  }
0x1a3: {  	v13 =	vmax.f32 v22, v61;
	v14 =	vmax.f32 v23, v62;
	v15 =	vmax.f32 v21, v63  }
.LBB2_38:
0x1a4: {  	s20 =	sshll.u32 s19, $0x8  }
0x1a5: {  	s20 =	sand.u32 $0x3FFFFF00, s20  }
0x1a6: {  	v21 =	vld [tilespmem:s20+$0x10000]  }
0x1a7: {  	v22 =	vld [tilespmem:s20+$0x10010]  }
0x1a8: {  	v23 =	vld [tilespmem:s20+$0x10020]  }
0x1a9: {  	v59 =	vld [tilespmem:s20+$0x100B0]  }
0x1aa: {  	v24 =	vld [tilespmem:s20+$0x10030]  }
0x1ab: {  	v60 =	vld [tilespmem:s20+$0x100C0];
	v16 =	vmax.f32 v21, v16  }
0x1ac: {  	v25 =	vld [tilespmem:s20+$0x10040];
	v53 =	vmax.f32 v22, v17;
	[tilespmem:s20+$0x10000] =	vst v16  }
0x1ad: {  	v61 =	vld [tilespmem:s20+$0x100D0];
	v7 =	vmax.f32 v23, v7;
	[tilespmem:s20+$0x10010] =	vst v53  }
0x1ae: {  	v52 =	vld [tilespmem:s20+$0x10050];
	v5 =	vmax.f32 v59, v5;
	[tilespmem:s20+$0x10020] =	vst v7  }
0x1af: {  	v62 =	vld [tilespmem:s20+$0x100E0];
	v7 =	vmax.f32 v24, v8;
	[tilespmem:s20+$0x100B0] =	vst v5  }
0x1b0: {  	v54 =	vld [tilespmem:s20+$0x10060];
	v5 =	vmax.f32 v60, v13;
	[tilespmem:s20+$0x10030] =	vst v7  }
0x1b1: {  	v63 =	vld [tilespmem:s20+$0x100F0];
	v7 =	vmax.f32 v25, v18;
	[tilespmem:s20+$0x100C0] =	vst v5  }
0x1b2: {  	v55 =	vld [tilespmem:s20+$0x10070];
	v5 =	vmax.f32 v61, v14;
	[tilespmem:s20+$0x10040] =	vst v7  }
0x1b3: {  	v56 =	vld [tilespmem:s20+$0x10080];
	v7 =	vmax.f32 v52, v9;
	[tilespmem:s20+$0x100D0] =	vst v5  }
0x1b4: {  	v57 =	vld [tilespmem:s20+$0x10090];
	v5 =	vmax.f32 v62, v15;
	[tilespmem:s20+$0x10050] =	vst v7  }
0x1b5: {  	s19 =	sadd.s32 $0x1, s19;
	v58 =	vld [tilespmem:s20+$0x100A0];
	v7 =	vmax.f32 v54, v10;
	[tilespmem:s20+$0x100E0] =	vst v5  }
0x1b6: {  	p0 =	sne.s32 s19, $0x1F;
	v5 =	vmax.f32 v63, v6;
	[tilespmem:s20+$0x10060] =	vst v7  }
.Ltmp28:
0x1b7: {  	v7 =	vmax.f32 v55, v12;
	[tilespmem:s20+$0x100F0] =	vst v5;
	(pc) =	sbr.rel @!p0 .LBB2_39-.Ltmp28, $4  }
0x1b8: {  	[tilespmem:s20+$0x10070] =	vst v7;
	v7 =	vmax.f32 v56, v11  }
0x1b9: {  	[tilespmem:s20+$0x10080] =	vst v7;
	v7 =	vmax.f32 v57, v19  }
0x1ba: {  	[tilespmem:s20+$0x10090] =	vst v7;
	v7 =	vmax.f32 v58, v20  }
0x1bb: {  	[tilespmem:s20+$0x100A0] =	vst v7  }
.LBB2_31:
0x1bc: {  	v5 =	vld [tilespmem:s19+$0x12000];
	_ =	sdelay $0x4  }
0x1bd: {  	v5 =	vsub.s32 v5, v4  }
0x1be: {  	(v2sf) =	vpush v5, $0x0  }
0x1bf: {  	(v2sf) =	vpush v5, $0x1;
	_ =	sdelay $0xd  }
0x1c0: {  	s20 =	spop (v2sf)  }
0x1c1: {  	s21 =	spop (v2sf)  }
0x1c2: {  	p0 =	sgt.s32 s21, $0x0  }
0x1c3: {  	s21 =	simm.s32 @!p0 $0x0;
	p0 =	sgt.s32 s20, $0x0  }
0x1c4: {  	s20 =	simm.s32 @!p0 $0x0;
	s21 =	smin.u32 s21, $0x80  }
0x1c5: {  	v16 =	vimm.f32 $-Inf;
	p0 =	sle.u32 s21, s20  }
.Ltmp29:
0x1c6: {  	v17 =	vimm.f32 $-Inf;
	v7 =	vimm.f32 $-Inf;
	v8 =	vimm.f32 $-Inf;
	(pc) =	sbr.rel @p0 .LBB2_38-.Ltmp29, $4  }
0x1c7: {  	v18 =	vimm.f32 $-Inf;
	v9 =	vimm.f32 $-Inf;
	v10 =	vimm.f32 $-Inf  }
0x1c8: {  	v12 =	vimm.f32 $-Inf;
	v11 =	vimm.f32 $-Inf;
	v19 =	vimm.f32 $-Inf  }
0x1c9: {  	v20 =	vimm.f32 $-Inf;
	v13 =	vimm.f32 $-Inf;
	v14 =	vimm.f32 $-Inf  }
0x1ca: {  	v15 =	vimm.f32 $-Inf;
	v6 =	vimm.f32 $-Inf;
	v5 =	vimm.f32 $-Inf  }
0x1cb: {  	s24 =	ssub.s32 s21, s20  }
0x1cc: {  	p1 =	sne.s32 s24, $0x1  }
.Ltmp30:
0x1cd: {  	_ = 	snop;
	(pc) =	sbr.rel @!p1 .LBB2_33-.Ltmp30, $3  }
0x1ce: {  	_ =	sdelay $0x1  }
0x1cf: {  	s21 =	sshll.u32 s20, $0x8;
	s22 =	sshll.u32 s20, $0x7;
	p0 =	por $0x0, $0x0  }
0x1d0: {  	v5 =	vimm.f32 $-Inf;
	s23 =	sand.u32 $0x7FFFF800, s21;
	s25 =	sand.u32 $0x380, s22;
	s24 =	sadd.s32 $0xFFFFFFFF, s24  }
0x1d1: {  	s20 =	sor.u32 s25, s23  }
0x1d2: {  	v6 =	vld [tilespmem:s20+$0x8470]  }
0x1d3: {  	v7 =	vld [tilespmem:s20+$0x8000]  }
0x1d4: {  	v8 =	vld [tilespmem:s20+$0x8010]  }
0x1d5: {  	v9 =	vld [tilespmem:s20+$0x8020]  }
0x1d6: {  	v10 =	vld [tilespmem:s20+$0x8030]  }
0x1d7: {  	v11 =	vld [tilespmem:s20+$0x8040]  }
0x1d8: {  	v12 =	vld [tilespmem:s20+$0x8050]  }
0x1d9: {  	v13 =	vld [tilespmem:s20+$0x8060]  }
0x1da: {  	v14 =	vld [tilespmem:s20+$0x8070]  }
0x1db: {  	p1 =	sne.s32 s24, $0x1;
	v16 =	vimm.f32 $-Inf;
	v15 =	vld [tilespmem:s20+$0x8400]  }
.Ltmp31:
0x1dc: {  	v17 =	vimm.f32 $-Inf;
	v18 =	vimm.f32 $-Inf;
	v19 =	vimm.f32 $-Inf;
	v22 =	vld [tilespmem:s20+$0x8410];
	(pc) =	sbr.rel @!p1 .LBB2_35-.Ltmp31, $4  }
0x1dd: {  	v20 =	vimm.f32 $-Inf;
	v21 =	vimm.f32 $-Inf;
	v23 =	vld [tilespmem:s20+$0x8420];
	v6 =	vmax.f32 v5, v6  }
0x1de: {  	v24 =	vld [tilespmem:s20+$0x8430];
	v7 =	vmax.f32 v5, v7;
	v8 =	vmax.f32 v5, v8;
	v9 =	vmax.f32 v5, v9  }
0x1df: {  	s21 =	sadd.s32 $0x100, s21;
	s22 =	sadd.s32 $0x80, s22;
	s24 =	sadd.s32 $0xFFFFFFFF, s24;
	v25 =	vld [tilespmem:s20+$0x8440];
	v10 =	vmax.f32 v5, v10;
	v11 =	vmax.f32 v5, v11;
	v12 =	vmax.f32 v5, v12  }
0x1e0: {  	p0 =	por $0x1, $0x1;
	s23 =	sand.u32 $0x7FFFF800, s21;
	s25 =	sand.u32 $0x380, s22;
	v26 =	vld [tilespmem:s20+$0x8450];
	v13 =	vmax.f32 v5, v13;
	v14 =	vmax.f32 v5, v14;
	v15 =	vmax.f32 v5, v15  }
.LBB2_36:
0x1e1: {  	p1 =	sne.s32 s24, $0x1;
	v16 =	vmax.f32 v16, v22;
	v22 =	vld [tilespmem:s20+$0x8460];
	s20 =	sor.u32 s25, s23  }
0x1e2: {  	v17 =	vmax.f32 v17, v23;
	v27 =	vld [tilespmem:s20+$0x8470]  }
0x1e3: {  	v18 =	vmax.f32 v18, v24;
	v23 =	vld [tilespmem:s20+$0x8000]  }
0x1e4: {  	v19 =	vmax.f32 v19, v25;
	v24 =	vld [tilespmem:s20+$0x8010]  }
0x1e5: {  	v20 =	vmax.f32 v20, v26;
	v25 =	vld [tilespmem:s20+$0x8020]  }
0x1e6: {  	v26 =	vld [tilespmem:s20+$0x8030];
	v21 =	vmax.f32 v21, v22  }
0x1e7: {  	v22 =	vld [tilespmem:s20+$0x8040];
	v6 =	vmax.f32 v6, v27  }
0x1e8: {  	v7 =	vmax.f32 v7, v23;
	v23 =	vld [tilespmem:s20+$0x8050]  }
0x1e9: {  	v8 =	vmax.f32 v8, v24;
	v24 =	vld [tilespmem:s20+$0x8060]  }
0x1ea: {  	v9 =	vmax.f32 v9, v25;
	v25 =	vld [tilespmem:s20+$0x8070]  }
0x1eb: {  	v10 =	vmax.f32 v10, v26;
	v26 =	vld [tilespmem:s20+$0x8400]  }
.Ltmp32:
0x1ec: {  	v11 =	vmax.f32 v11, v22;
	v22 =	vld [tilespmem:s20+$0x8410];
	(pc) =	sbr.rel @p1 .LBB2_36-.Ltmp32, $4  }
0x1ed: {  	v12 =	vmax.f32 v12, v23;
	v23 =	vld [tilespmem:s20+$0x8420]  }
0x1ee: {  	v13 =	vmax.f32 v13, v24;
	v24 =	vld [tilespmem:s20+$0x8430]  }
0x1ef: {  	s22 =	sadd.s32 $0x80, s22;
	s21 =	sadd.s32 $0x100, s21;
	v14 =	vmax.f32 v14, v25;
	v25 =	vld [tilespmem:s20+$0x8440]  }
0x1f0: {  	s24 =	sadd.s32 $0xFFFFFFFF, s24;
	s23 =	sand.u32 $0x7FFFF800, s21;
	s25 =	sand.u32 $0x380, s22;
	v15 =	vmax.f32 v15, v26;
	v26 =	vld [tilespmem:s20+$0x8450]  }
.Ltmp33:
0x1f1: {  	_ = 	snop;
	(pc) =	sbr.rel .LBB2_37-.Ltmp33, $1  }
0x1f2: {  	_ =	sdelay $0x3  }
.LBB2_35:
.Ltmp34:
0x1f3: {  	(pc) =	sbr.rel .LBB2_37-.Ltmp34, $3  }
0x1f4: {  	_ =	sdelay $0x1  }
0x1f5: {  	v16 =	vimm.f32 $-Inf;
	v17 =	vimm.f32 $-Inf;
	v18 =	vimm.f32 $-Inf  }
0x1f6: {  	v19 =	vimm.f32 $-Inf;
	v20 =	vimm.f32 $-Inf;
	v21 =	vimm.f32 $-Inf  }
.LBB2_40:
0x1f7: {  	_ =	sfence.sel $0x180000  }
0x1f8: {  	[bflag:$0x0] =	sbarrier.arrive $0xFFFF  }
0x1f9: {  	p0 =	sne.s32 s1, $0x0;
	_ =	strace $0x90000047  }
0x1fa: {  	s0 =	sadd.s32 @!p0 $0x100000, s0;
	[bflag:$0x2] =	sbarrier.arrive $0xFFFF  }
0x1fb: {  	[sflag:s0] =	ssyncadd.tile.s32 @!p0 $0x1;
	_ =	shalt  }
.Lfunc_end2:
_tile_overlayer_lowered:
.L_overlay_start_2:
0x1fc: {  	(tag) =	ssettag $0x2  }
0x1fd: {  	s0 =	rddreg [dreg:$0x0];
	s2 =	stileid.u32  }
0x1fe: {  	s1 =	rddreg [dreg:$0x1];
	p0 =	sne.s32 s2, $0x0  }
0x1ff: {  	s3 =	rddreg [dreg:$0x2];
	[bflag:$0x3] =	sbarrier.arrive $0xFFFF;
	s2 =	simm.s32 @!p0 $0x1C03  }
0x200: {  	[timem:s3], [sflag:s2] =	dma.local @!p0 [hbm:s0], s1  }
0x201: {  	s0 =	simm.s32 @!p0 $0x3  }
0x202: {  	_ =	swait.ge @!p0 [sflag:s0], s1  }
0x203: {  	s1 =	ssub.s32 @!p0 $0x0, s1;
	[sflag:s0] =	ssyncset.done @!p0 $0x0  }
0x204: {  	[sflag:s0] =	ssyncadd.s32 @!p0 s1  }
0x205: {  	[bflag:$0x3] =	sbarrier.arrive $0xFFFF  }
0x206: {  	_ =	shalt  }

</sc_bundles>
